<compile_context>
chip_gen: v7x
topology: tpu7x:2x2x1
jax: 0.10.2.dev20260603
libtpu: 0.0.44.dev20260713+nightly
codegen_flags: <defaults>
</compile_context>

<pallas_src>
import functools

import jax
import jax.numpy as jnp
from jax import lax
from jax.experimental import pallas as pl
from jax.experimental.pallas import tpu as pltpu
from jax.experimental.pallas import tpu_sc as plsc

N = 10000
E = 320000
F = 128
NC, NS = 2, 16
NW = NC * NS
EB = 176
NG = 58
IC = 8
EROWS = NW * NG
EPAD = EROWS * EB
NAE = 10240
NBUF = 4
ZCH = 128
NZK = NAE // (ZCH * NS)

_mesh = plsc.VectorSubcoreMesh(core_axis_name="c", subcore_axis_name="s")


@functools.partial(
    pl.kernel,
    out_type=jax.ShapeDtypeStruct((NC, NAE, F), jnp.float32),
    mesh=_mesh,
    scratch_types=[
        [pltpu.VMEM((EB,), jnp.int32)] * 2,
        [pltpu.VMEM((EB,), jnp.int32)] * 2,
        [pltpu.VMEM((EB, F), jnp.float32)] * 2,
        pltpu.VMEM_SHARED((NAE, F), jnp.float32),
        [pltpu.SemaphoreType.DMA] * NBUF,
        pltpu.SemaphoreType.DMA,
    ],
)
def _sc_agg(x_hbm, src_hbm, dst_hbm, z_hbm, out_hbm,
            sidx, didx, rows, acc, sems, sem_i):
    cid = lax.axis_index("c")
    sid = lax.axis_index("s")
    wid = cid * NS + sid
    rbase = wid * NG

    for k in range(NZK):
        if k >= NBUF:
            pltpu.make_async_copy(z_hbm.at[pl.ds(0, ZCH)],
                                  acc.at[pl.ds(0, ZCH)], sems[k % NBUF]).wait()
        row = (k * NS + sid) * ZCH
        pltpu.async_copy(z_hbm.at[pl.ds(row, ZCH)],
                         acc.at[pl.ds(row, ZCH)], sems[k % NBUF])
    for b in range(NBUF):
        pltpu.make_async_copy(z_hbm.at[pl.ds(0, ZCH)],
                              acc.at[pl.ds(0, ZCH)], sems[b]).wait()
    plsc.subcore_barrier()

    ebase = wid * (NG * EB)
    pltpu.sync_copy(src_hbm.at[pl.ds(ebase, EB)], sidx[0])
    pltpu.sync_copy(dst_hbm.at[pl.ds(ebase, EB)], didx[0])

    pltpu.async_copy(x_hbm.at[sidx[0]], rows[0], sems[0])

    def _batch2(i, carry):
        for b in range(2):
            g = i * 2 + b
            nxt = 1 - b

            @pl.when(g + 1 < NG)
            def _():
                off = ebase + (g + 1) * EB
                pltpu.async_copy(src_hbm.at[pl.ds(off, EB)], sidx[nxt], sem_i)
                pltpu.async_copy(dst_hbm.at[pl.ds(off, EB)], didx[nxt], sem_i)

            pltpu.make_async_copy(x_hbm.at[sidx[b]], rows[b], sems[0]).wait()
            pltpu.async_copy(rows[b], acc.at[didx[b]], sems[1], add=True)

            @pl.when(g + 1 < NG)
            def _():
                pltpu.make_async_copy(src_hbm.at[pl.ds(0, EB)], sidx[nxt],
                                      sem_i).wait()
                pltpu.make_async_copy(dst_hbm.at[pl.ds(0, EB)], didx[nxt],
                                      sem_i).wait()
                pltpu.async_copy(x_hbm.at[sidx[nxt]], rows[nxt], sems[0])

            pltpu.make_async_copy(rows[b], acc.at[pl.ds(0, EB)], sems[1]).wait()
        return carry

    lax.fori_loop(0, NG // 2, _batch2, 0)
    plsc.subcore_barrier()

    for k in range(NZK):
        if k >= NBUF:
            pltpu.make_async_copy(acc.at[pl.ds(0, ZCH)],
                                  out_hbm.at[cid, pl.ds(0, ZCH)], sems[k % NBUF]).wait()
        row = (k * NS + sid) * ZCH
        pltpu.async_copy(acc.at[pl.ds(row, ZCH)],
                         out_hbm.at[cid, pl.ds(row, ZCH)], sems[k % NBUF])
    for b in range(NBUF):
        pltpu.make_async_copy(acc.at[pl.ds(0, ZCH)],
                              out_hbm.at[cid, pl.ds(0, ZCH)], sems[b]).wait()


def _tc_layer_call(y, x, W, Ws, b, *, final):
    M, Fin = x.shape
    Fo = W.shape[1]
    BM = 2000

    def body(ya_ref, yb_ref, x_ref, W_ref, Ws_ref, b_ref, o_ref):
        ys = ya_ref[0] + yb_ref[0]
        acc = jnp.dot(ys, W_ref[...], preferred_element_type=jnp.float32)
        acc += jnp.dot(x_ref[...], Ws_ref[...], preferred_element_type=jnp.float32)
        logits = acc + b_ref[...]
        if final:
            m = jnp.max(logits, axis=-1, keepdims=True)
            z = logits - m
            lse = jnp.log(jnp.sum(jnp.exp(z), axis=-1, keepdims=True))
            o_ref[...] = z - lse
        else:
            o_ref[...] = logits

    return pl.pallas_call(
        body,
        grid=(M // BM,),
        in_specs=[
            pl.BlockSpec((1, BM, Fin), lambda i: (0, i, 0)),
            pl.BlockSpec((1, BM, Fin), lambda i: (1, i, 0)),
            pl.BlockSpec((BM, Fin), lambda i: (i, 0)),
            pl.BlockSpec((Fin, Fo), lambda i: (0, 0)),
            pl.BlockSpec((Fin, Fo), lambda i: (0, 0)),
            pl.BlockSpec((1, Fo), lambda i: (0, 0)),
        ],
        out_specs=pl.BlockSpec((BM, Fo), lambda i: (i, 0)),
        out_shape=jax.ShapeDtypeStruct((M, Fo), jnp.float32),
    )(y, y, x, W, Ws, b.reshape(1, Fo))


def kernel(fea, edge_index, W_in, Ws_in, b_in, W_mid, Ws_mid, b_mid,
           W_out, Ws_out, b_out):
    pad = EPAD - E
    ar = jnp.arange(pad, dtype=jnp.int32)
    src = jnp.concatenate([edge_index[0], jax.lax.rem(ar * 41, N)])
    dst = jnp.concatenate([edge_index[1], N + jax.lax.rem(ar, NAE - N)])

    z = jnp.zeros((NAE, F), jnp.float32)
    y = _sc_agg(fea, src, dst, z)
    x1 = _tc_layer_call(y, fea, W_in, Ws_in, b_in, final=False)
    y = _sc_agg(x1, src, dst, z)
    x2 = _tc_layer_call(y, x1, W_mid, Ws_mid, b_mid, final=False)
    y = _sc_agg(x2, src, dst, z)
    return _tc_layer_call(y, x2, W_out, Ws_out, b_out, final=True)

# --- scband reference (transcript-rebuilt; emitter-appended) ---
"""Pipeline reference for scband-gcnmodel-6725918785688 (READ-ONLY COPY).

The authoritative reference and input builder live on the scoring server;
editing this copy changes nothing except your own understanding.
"""

import jax, jax.numpy as jnp
import numpy as np

N, E, NFEAT, NHID, NCLASS = 10000, 320000, 128, 128, 40


def _uniform_param(key, shape, fan_out):
    stdv = 1.0 / np.sqrt(fan_out)
    return jax.random.uniform(key, shape, dtype=jnp.float32, minval=-stdv, maxval=stdv)


def setup_inputs(seed: int = 0) -> dict:
    key = jax.random.key(seed)
    ks = jax.random.split(key, 12)
    fea = jax.random.normal(ks[0], (N, NFEAT), dtype=jnp.float32)
    edge_index = jax.random.randint(ks[1], (2, E), 0, N, dtype=jnp.int32)
    W_in = _uniform_param(ks[2], (NFEAT, NHID), NHID)
    Ws_in = _uniform_param(ks[3], (NFEAT, NHID), NHID)
    b_in = _uniform_param(ks[4], (NHID,), NHID)
    W_mid = _uniform_param(ks[5], (NHID, NHID), NHID)
    Ws_mid = _uniform_param(ks[6], (NHID, NHID), NHID)
    b_mid = _uniform_param(ks[7], (NHID,), NHID)
    W_out = _uniform_param(ks[8], (NHID, NCLASS), NCLASS)
    Ws_out = _uniform_param(ks[9], (NHID, NCLASS), NCLASS)
    b_out = _uniform_param(ks[10], (NCLASS,), NCLASS)
    return {"fea": fea, "edge_index": edge_index,
            "W_in": W_in, "Ws_in": Ws_in, "b_in": b_in,
            "W_mid": W_mid, "Ws_mid": Ws_mid, "b_mid": b_mid,
            "W_out": W_out, "Ws_out": Ws_out, "b_out": b_out}


def reference(fea, edge_index, W_in, Ws_in, b_in, W_mid, Ws_mid, b_mid, W_out, Ws_out, b_out):
    # GCNModel forward: GraphConvolutionBS input layer -> 1 MultiLayerGCNBlock
    # (nbaselayer=1, aggrmethod 'nores' internally) -> GraphConvolutionBS output
    # layer -> log_softmax. withbn=False, withloop=True, activation=identity,
    # dropout=0.0 (no-op).
    src = edge_index[0]
    dst = edge_index[1]
    n = fea.shape[0]

    def gc_bs(x, W, Ws, b):
        support = x @ W                     # x @ weight
        agg = jax.ops.segment_sum(support[src], dst, num_segments=n)  # spmm(adj, support)
        out = agg + x @ Ws + b              # self-loop weight + bias
        return out                          # identity activation, no BN

    x = gc_bs(fea, W_in, Ws_in, b_in)       # ingc
    x = gc_bs(x, W_mid, Ws_mid, b_mid)      # midlayer[0] (MultiLayerGCNBlock, nores)
    x = gc_bs(x, W_out, Ws_out, b_out)      # outgc
    return jax.nn.log_softmax(x, axis=1)

if __name__ == "__main__":
    import jax
    _d = setup_inputs()
    print(jax.jit(kernel)(*tuple(_d.values())))

</pallas_src>

<mosaic_0001>
#map = affine_map<(d0, d1) -> (0, 0)>
#map1 = affine_map<(d0, d1) -> (0)>
#map2 = affine_map<(d0, d1) -> (0, 0, 0)>
module attributes {stable_mosaic.version = 14 : i64} {
  func.func @_sc_agg(%arg0: i32, %arg1: i32, %arg2: memref<10000x128xf32, #tpu.memory_space<hbm>>, %arg3: memref<326656xi32, #tpu.memory_space<hbm>>, %arg4: memref<326656xi32, #tpu.memory_space<hbm>>, %arg5: memref<10240x128xf32, #tpu.memory_space<hbm>>, %arg6: memref<2x10240x128xf32, #tpu.memory_space<hbm>>, %arg7: memref<176xi32, #tpu.memory_space<vmem>>, %arg8: memref<176xi32, #tpu.memory_space<vmem>>, %arg9: memref<176xi32, #tpu.memory_space<vmem>>, %arg10: memref<176xi32, #tpu.memory_space<vmem>>, %arg11: memref<176x128xf32, #tpu.memory_space<vmem>>, %arg12: memref<176x128xf32, #tpu.memory_space<vmem>>, %arg13: memref<10240x128xf32, #tpu.memory_space<vmem_shared>>, %arg14: memref<!tpu.dma_semaphore, #tpu.memory_space<semaphore_mem>>, %arg15: memref<!tpu.dma_semaphore, #tpu.memory_space<semaphore_mem>>, %arg16: memref<!tpu.dma_semaphore, #tpu.memory_space<semaphore_mem>>, %arg17: memref<!tpu.dma_semaphore, #tpu.memory_space<semaphore_mem>>, %arg18: memref<!tpu.dma_semaphore, #tpu.memory_space<semaphore_mem>>) attributes {dimension_semantics = [#tpu.dimension_semantics<core_parallel>, #tpu.dimension_semantics<subcore_parallel>], iteration_bounds = array<i64: 2, 16>, scalar_prefetch = 0 : i64, scratch_operands = 12 : i64, tpu.core_type = #tpu.core_type<sc_vector_subcore>, window_params = [{transform_indices = #map}, {transform_indices = #map1}, {transform_indices = #map1}, {transform_indices = #map}, {transform_indices = #map2}]} {
    %mul3A = arith.constant 16 : i32
    %mul3A_0 = arith.muli %arg0, %mul3A : i32
    %add3A = arith.addi %mul3A_0, %arg1 : i32
    %mul3A_1 = arith.constant 58 : i32
    %mul3A_2 = arith.muli %add3A, %mul3A_1 : i32
    %add3A_3 = arith.constant 0 : i32
    %add3A_4 = arith.addi %add3A_3, %arg1 : i32
    %mul3A_5 = arith.constant 128 : i32
    %mul3A_6 = arith.muli %add3A_4, %mul3A_5 : i32
    %dma_start3A = arith.constant 0 : i32
    %dma_start3A_7 = tpu.memref_slice %arg13[%mul3A_6, %dma_start3A] : memref<10240x128xf32, #tpu.memory_space<vmem_shared>> -> memref<128x128xf32, #tpu.memory_space<vmem_shared>>
    %dma_start3A_8 = arith.constant 0 : i32
    %dma_start3A_9 = tpu.memref_slice %arg5[%mul3A_6, %dma_start3A_8] : memref<10240x128xf32, #tpu.memory_space<hbm>> -> memref<128x128xf32, #tpu.memory_space<hbm>>
    tpu.enqueue_dma source(%dma_start3A_9 : memref<128x128xf32, #tpu.memory_space<hbm>>) target(%dma_start3A_7 : memref<128x128xf32, #tpu.memory_space<vmem_shared>>) target_semaphore(%arg14 : memref<!tpu.dma_semaphore, #tpu.memory_space<semaphore_mem>>)
    %add3A_10 = arith.constant 16 : i32
    %add3A_11 = arith.addi %add3A_10, %arg1 : i32
    %mul3A_12 = arith.constant 128 : i32
    %mul3A_13 = arith.muli %add3A_11, %mul3A_12 : i32
    %dma_start3A_14 = arith.constant 0 : i32
    %dma_start3A_15 = tpu.memref_slice %arg13[%mul3A_13, %dma_start3A_14] : memref<10240x128xf32, #tpu.memory_space<vmem_shared>> -> memref<128x128xf32, #tpu.memory_space<vmem_shared>>
    %dma_start3A_16 = arith.constant 0 : i32
    %dma_start3A_17 = tpu.memref_slice %arg5[%mul3A_13, %dma_start3A_16] : memref<10240x128xf32, #tpu.memory_space<hbm>> -> memref<128x128xf32, #tpu.memory_space<hbm>>
    tpu.enqueue_dma source(%dma_start3A_17 : memref<128x128xf32, #tpu.memory_space<hbm>>) target(%dma_start3A_15 : memref<128x128xf32, #tpu.memory_space<vmem_shared>>) target_semaphore(%arg15 : memref<!tpu.dma_semaphore, #tpu.memory_space<semaphore_mem>>)
    %add3A_18 = arith.constant 32 : i32
    %add3A_19 = arith.addi %add3A_18, %arg1 : i32
    %mul3A_20 = arith.constant 128 : i32
    %mul3A_21 = arith.muli %add3A_19, %mul3A_20 : i32
    %dma_start3A_22 = arith.constant 0 : i32
    %dma_start3A_23 = tpu.memref_slice %arg13[%mul3A_21, %dma_start3A_22] : memref<10240x128xf32, #tpu.memory_space<vmem_shared>> -> memref<128x128xf32, #tpu.memory_space<vmem_shared>>
    %dma_start3A_24 = arith.constant 0 : i32
    %dma_start3A_25 = tpu.memref_slice %arg5[%mul3A_21, %dma_start3A_24] : memref<10240x128xf32, #tpu.memory_space<hbm>> -> memref<128x128xf32, #tpu.memory_space<hbm>>
    tpu.enqueue_dma source(%dma_start3A_25 : memref<128x128xf32, #tpu.memory_space<hbm>>) target(%dma_start3A_23 : memref<128x128xf32, #tpu.memory_space<vmem_shared>>) target_semaphore(%arg16 : memref<!tpu.dma_semaphore, #tpu.memory_space<semaphore_mem>>)
    %add3A_26 = arith.constant 48 : i32
    %add3A_27 = arith.addi %add3A_26, %arg1 : i32
    %mul3A_28 = arith.constant 128 : i32
    %mul3A_29 = arith.muli %add3A_27, %mul3A_28 : i32
    %dma_start3A_30 = arith.constant 0 : i32
    %dma_start3A_31 = tpu.memref_slice %arg13[%mul3A_29, %dma_start3A_30] : memref<10240x128xf32, #tpu.memory_space<vmem_shared>> -> memref<128x128xf32, #tpu.memory_space<vmem_shared>>
    %dma_start3A_32 = arith.constant 0 : i32
    %dma_start3A_33 = tpu.memref_slice %arg5[%mul3A_29, %dma_start3A_32] : memref<10240x128xf32, #tpu.memory_space<hbm>> -> memref<128x128xf32, #tpu.memory_space<hbm>>
    tpu.enqueue_dma source(%dma_start3A_33 : memref<128x128xf32, #tpu.memory_space<hbm>>) target(%dma_start3A_31 : memref<128x128xf32, #tpu.memory_space<vmem_shared>>) target_semaphore(%arg17 : memref<!tpu.dma_semaphore, #tpu.memory_space<semaphore_mem>>)
    %dma_wait3A = arith.constant 0 : i32
    %dma_wait3A_34 = arith.constant 0 : i32
    %dma_wait3A_35 = tpu.memref_slice %arg13[%dma_wait3A, %dma_wait3A_34] : memref<10240x128xf32, #tpu.memory_space<vmem_shared>> -> memref<128x128xf32, #tpu.memory_space<vmem_shared>>
    %dma_wait3A_36 = arith.constant 0 : i32
    %dma_wait3A_37 = arith.constant 0 : i32
    %dma_wait3A_38 = tpu.memref_slice %arg5[%dma_wait3A_36, %dma_wait3A_37] : memref<10240x128xf32, #tpu.memory_space<hbm>> -> memref<128x128xf32, #tpu.memory_space<hbm>>
    tpu.wait_dma2 semaphore(%arg14 : memref<!tpu.dma_semaphore, #tpu.memory_space<semaphore_mem>>) src(%dma_wait3A_38 : memref<128x128xf32, #tpu.memory_space<hbm>>) dst(%dma_wait3A_35 : memref<128x128xf32, #tpu.memory_space<vmem_shared>>)
    %add3A_39 = arith.constant 64 : i32
    %add3A_40 = arith.addi %add3A_39, %arg1 : i32
    %mul3A_41 = arith.constant 128 : i32
    %mul3A_42 = arith.muli %add3A_40, %mul3A_41 : i32
    %dma_start3A_43 = arith.constant 0 : i32
    %dma_start3A_44 = tpu.memref_slice %arg13[%mul3A_42, %dma_start3A_43] : memref<10240x128xf32, #tpu.memory_space<vmem_shared>> -> memref<128x128xf32, #tpu.memory_space<vmem_shared>>
    %dma_start3A_45 = arith.constant 0 : i32
    %dma_start3A_46 = tpu.memref_slice %arg5[%mul3A_42, %dma_start3A_45] : memref<10240x128xf32, #tpu.memory_space<hbm>> -> memref<128x128xf32, #tpu.memory_space<hbm>>
    tpu.enqueue_dma source(%dma_start3A_46 : memref<128x128xf32, #tpu.memory_space<hbm>>) target(%dma_start3A_44 : memref<128x128xf32, #tpu.memory_space<vmem_shared>>) target_semaphore(%arg14 : memref<!tpu.dma_semaphore, #tpu.memory_space<semaphore_mem>>)
    %dma_wait3A_47 = arith.constant 0 : i32
    %dma_wait3A_48 = arith.constant 0 : i32
    %dma_wait3A_49 = tpu.memref_slice %arg13[%dma_wait3A_47, %dma_wait3A_48] : memref<10240x128xf32, #tpu.memory_space<vmem_shared>> -> memref<128x128xf32, #tpu.memory_space<vmem_shared>>
    %dma_wait3A_50 = arith.constant 0 : i32
    %dma_wait3A_51 = arith.constant 0 : i32
    %dma_wait3A_52 = tpu.memref_slice %arg5[%dma_wait3A_50, %dma_wait3A_51] : memref<10240x128xf32, #tpu.memory_space<hbm>> -> memref<128x128xf32, #tpu.memory_space<hbm>>
    tpu.wait_dma2 semaphore(%arg14 : memref<!tpu.dma_semaphore, #tpu.memory_space<semaphore_mem>>) src(%dma_wait3A_52 : memref<128x128xf32, #tpu.memory_space<hbm>>) dst(%dma_wait3A_49 : memref<128x128xf32, #tpu.memory_space<vmem_shared>>)
    %dma_wait3A_53 = arith.constant 0 : i32
    %dma_wait3A_54 = arith.constant 0 : i32
    %dma_wait3A_55 = tpu.memref_slice %arg13[%dma_wait3A_53, %dma_wait3A_54] : memref<10240x128xf32, #tpu.memory_space<vmem_shared>> -> memref<128x128xf32, #tpu.memory_space<vmem_shared>>
    %dma_wait3A_56 = arith.constant 0 : i32
    %dma_wait3A_57 = arith.constant 0 : i32
    %dma_wait3A_58 = tpu.memref_slice %arg5[%dma_wait3A_56, %dma_wait3A_57] : memref<10240x128xf32, #tpu.memory_space<hbm>> -> memref<128x128xf32, #tpu.memory_space<hbm>>
    tpu.wait_dma2 semaphore(%arg15 : memref<!tpu.dma_semaphore, #tpu.memory_space<semaphore_mem>>) src(%dma_wait3A_58 : memref<128x128xf32, #tpu.memory_space<hbm>>) dst(%dma_wait3A_55 : memref<128x128xf32, #tpu.memory_space<vmem_shared>>)
    %dma_wait3A_59 = arith.constant 0 : i32
    %dma_wait3A_60 = arith.constant 0 : i32
    %dma_wait3A_61 = tpu.memref_slice %arg13[%dma_wait3A_59, %dma_wait3A_60] : memref<10240x128xf32, #tpu.memory_space<vmem_shared>> -> memref<128x128xf32, #tpu.memory_space<vmem_shared>>
    %dma_wait3A_62 = arith.constant 0 : i32
    %dma_wait3A_63 = arith.constant 0 : i32
    %dma_wait3A_64 = tpu.memref_slice %arg5[%dma_wait3A_62, %dma_wait3A_63] : memref<10240x128xf32, #tpu.memory_space<hbm>> -> memref<128x128xf32, #tpu.memory_space<hbm>>
    tpu.wait_dma2 semaphore(%arg16 : memref<!tpu.dma_semaphore, #tpu.memory_space<semaphore_mem>>) src(%dma_wait3A_64 : memref<128x128xf32, #tpu.memory_space<hbm>>) dst(%dma_wait3A_61 : memref<128x128xf32, #tpu.memory_space<vmem_shared>>)
    %dma_wait3A_65 = arith.constant 0 : i32
    %dma_wait3A_66 = arith.constant 0 : i32
    %dma_wait3A_67 = tpu.memref_slice %arg13[%dma_wait3A_65, %dma_wait3A_66] : memref<10240x128xf32, #tpu.memory_space<vmem_shared>> -> memref<128x128xf32, #tpu.memory_space<vmem_shared>>
    %dma_wait3A_68 = arith.constant 0 : i32
    %dma_wait3A_69 = arith.constant 0 : i32
    %dma_wait3A_70 = tpu.memref_slice %arg5[%dma_wait3A_68, %dma_wait3A_69] : memref<10240x128xf32, #tpu.memory_space<hbm>> -> memref<128x128xf32, #tpu.memory_space<hbm>>
    tpu.wait_dma2 semaphore(%arg17 : memref<!tpu.dma_semaphore, #tpu.memory_space<semaphore_mem>>) src(%dma_wait3A_70 : memref<128x128xf32, #tpu.memory_space<hbm>>) dst(%dma_wait3A_67 : memref<128x128xf32, #tpu.memory_space<vmem_shared>>)
    %barrier3A = arith.constant 0 : index
    tpu.barrier barrier_id(%barrier3A)
    %mul3A_71 = arith.constant 10208 : i32
    %mul3A_72 = arith.muli %add3A, %mul3A_71 : i32
    "tpu.region"() ({
      %run_scoped3A = tpu.sem_alloc : memref<!tpu.dma_semaphore, #tpu.memory_space<semaphore_mem>>
      %dma_start3A_162 = tpu.memref_slice %arg3[%mul3A_72] : memref<326656xi32, #tpu.memory_space<hbm>> -> memref<176xi32, #tpu.memory_space<hbm>>
      %dma_start3A_163 = tpu.memref_slice %arg3[%mul3A_72] : memref<326656xi32, #tpu.memory_space<hbm>> -> memref<176xi32, #tpu.memory_space<hbm>>
      tpu.enqueue_dma source(%dma_start3A_163 : memref<176xi32, #tpu.memory_space<hbm>>) target(%arg7 : memref<176xi32, #tpu.memory_space<vmem>>) target_semaphore(%run_scoped3A : memref<!tpu.dma_semaphore, #tpu.memory_space<semaphore_mem>>)
      %dma_wait3A_164 = tpu.memref_slice %arg3[%mul3A_72] : memref<326656xi32, #tpu.memory_space<hbm>> -> memref<176xi32, #tpu.memory_space<hbm>>
      %dma_wait3A_165 = tpu.memref_slice %arg3[%mul3A_72] : memref<326656xi32, #tpu.memory_space<hbm>> -> memref<176xi32, #tpu.memory_space<hbm>>
      tpu.wait_dma2 semaphore(%run_scoped3A : memref<!tpu.dma_semaphore, #tpu.memory_space<semaphore_mem>>) src(%dma_wait3A_165 : memref<176xi32, #tpu.memory_space<hbm>>) dst(%arg7 : memref<176xi32, #tpu.memory_space<vmem>>)
      tpu.yield
    }) : () -> ()
    "tpu.region"() ({
      %run_scoped3A = tpu.sem_alloc : memref<!tpu.dma_semaphore, #tpu.memory_space<semaphore_mem>>
      %dma_start3A_162 = tpu.memref_slice %arg4[%mul3A_72] : memref<326656xi32, #tpu.memory_space<hbm>> -> memref<176xi32, #tpu.memory_space<hbm>>
      %dma_start3A_163 = tpu.memref_slice %arg4[%mul3A_72] : memref<326656xi32, #tpu.memory_space<hbm>> -> memref<176xi32, #tpu.memory_space<hbm>>
      tpu.enqueue_dma source(%dma_start3A_163 : memref<176xi32, #tpu.memory_space<hbm>>) target(%arg9 : memref<176xi32, #tpu.memory_space<vmem>>) target_semaphore(%run_scoped3A : memref<!tpu.dma_semaphore, #tpu.memory_space<semaphore_mem>>)
      %dma_wait3A_164 = tpu.memref_slice %arg4[%mul3A_72] : memref<326656xi32, #tpu.memory_space<hbm>> -> memref<176xi32, #tpu.memory_space<hbm>>
      %dma_wait3A_165 = tpu.memref_slice %arg4[%mul3A_72] : memref<326656xi32, #tpu.memory_space<hbm>> -> memref<176xi32, #tpu.memory_space<hbm>>
      tpu.wait_dma2 semaphore(%run_scoped3A : memref<!tpu.dma_semaphore, #tpu.memory_space<semaphore_mem>>) src(%dma_wait3A_165 : memref<176xi32, #tpu.memory_space<hbm>>) dst(%arg9 : memref<176xi32, #tpu.memory_space<vmem>>)
      tpu.yield
    }) : () -> ()
    %dma_start3A_73 = arith.constant 0 : i32
    %dma_start3A_74 = arith.constant 0 : i32
    %dma_start3A_75 = tpu.memref_slice %arg2[%dma_start3A_73, %dma_start3A_74] : memref<10000x128xf32, #tpu.memory_space<hbm>> -> memref<10000x128xf32, #tpu.memory_space<hbm>>
    tpu.enqueue_indirect_dma source(%dma_start3A_75 : memref<10000x128xf32, #tpu.memory_space<hbm>>) target(%arg11 : memref<176x128xf32, #tpu.memory_space<vmem>>) offsets(%arg7 : memref<176xi32, #tpu.memory_space<vmem>>) semaphore(%arg14 : memref<!tpu.dma_semaphore, #tpu.memory_space<semaphore_mem>>)
    %scan3A = arith.constant 0 : i32
    %scan3A_76 = arith.constant 0 : i32
    %scan3A_77 = arith.constant 29 : i32
    %scan3A_78 = arith.addi %scan3A_76, %scan3A_77 : i32
    %scan3A_79 = arith.constant 1 : i32
    scf.for %scan3A_162 = %scan3A_76 to %scan3A_78 step %scan3A_79  : i32 {
      %mul3A_163 = arith.constant 2 : i32
      %mul3A_164 = arith.muli %scan3A_162, %mul3A_163 : i32
      %add3A_165 = arith.constant 0 : i32
      %add3A_166 = arith.addi %mul3A_164, %add3A_165 : i32
      %add3A_167 = arith.constant 1 : i32
      %add3A_168 = arith.addi %add3A_166, %add3A_167 : i32
      %lt3A = arith.constant 58 : i32
      %lt3A_169 = arith.cmpi slt, %add3A_168, %lt3A : i32
      %convert_element_type3A = arith.extui %lt3A_169 : i1 to i32
      %cond3A = arith.constant 0 : i32
      %cond3A_170 = arith.cmpi ne, %convert_element_type3A, %cond3A : i32
      scf.if %cond3A_170 {
        %add3A_220 = arith.constant 1 : i32
        %add3A_221 = arith.addi %add3A_166, %add3A_220 : i32
        %mul3A_222 = arith.constant 176 : i32
        %mul3A_223 = arith.muli %add3A_221, %mul3A_222 : i32
        %add3A_224 = arith.addi %mul3A_72, %mul3A_223 : i32
        %dma_start3A_225 = tpu.memref_slice %arg3[%add3A_224] : memref<326656xi32, #tpu.memory_space<hbm>> -> memref<176xi32, #tpu.memory_space<hbm>>
        %dma_start3A_226 = tpu.memref_slice %arg3[%add3A_224] : memref<326656xi32, #tpu.memory_space<hbm>> -> memref<176xi32, #tpu.memory_space<hbm>>
        tpu.enqueue_dma source(%dma_start3A_226 : memref<176xi32, #tpu.memory_space<hbm>>) target(%arg8 : memref<176xi32, #tpu.memory_space<vmem>>) target_semaphore(%arg18 : memref<!tpu.dma_semaphore, #tpu.memory_space<semaphore_mem>>)
        %dma_start3A_227 = tpu.memref_slice %arg4[%add3A_224] : memref<326656xi32, #tpu.memory_space<hbm>> -> memref<176xi32, #tpu.memory_space<hbm>>
        %dma_start3A_228 = tpu.memref_slice %arg4[%add3A_224] : memref<326656xi32, #tpu.memory_space<hbm>> -> memref<176xi32, #tpu.memory_space<hbm>>
        tpu.enqueue_dma source(%dma_start3A_228 : memref<176xi32, #tpu.memory_space<hbm>>) target(%arg10 : memref<176xi32, #tpu.memory_space<vmem>>) target_semaphore(%arg18 : memref<!tpu.dma_semaphore, #tpu.memory_space<semaphore_mem>>)
      } else {
      }
      %dma_wait3A_171 = arith.constant 0 : i32
      %dma_wait3A_172 = arith.constant 0 : i32
      %dma_wait3A_173 = tpu.memref_slice %arg2[%dma_wait3A_171, %dma_wait3A_172] : memref<10000x128xf32, #tpu.memory_space<hbm>> -> memref<10000x128xf32, #tpu.memory_space<hbm>>
      tpu.wait_indirect_dma semaphore(%arg14 : memref<!tpu.dma_semaphore, #tpu.memory_space<semaphore_mem>>) src(%dma_wait3A_173 : memref<10000x128xf32, #tpu.memory_space<hbm>>) dst(%arg11 : memref<176x128xf32, #tpu.memory_space<vmem>>)
      %dma_start3A_174 = arith.constant 0 : i32
      %dma_start3A_175 = arith.constant 0 : i32
      %dma_start3A_176 = tpu.memref_slice %arg13[%dma_start3A_174, %dma_start3A_175] : memref<10240x128xf32, #tpu.memory_space<vmem_shared>> -> memref<10240x128xf32, #tpu.memory_space<vmem_shared>>
      tpu.enqueue_indirect_dma source(%arg11 : memref<176x128xf32, #tpu.memory_space<vmem>>) target(%dma_start3A_176 : memref<10240x128xf32, #tpu.memory_space<vmem_shared>>) offsets(%arg9 : memref<176xi32, #tpu.memory_space<vmem>>) semaphore(%arg15 : memref<!tpu.dma_semaphore, #tpu.memory_space<semaphore_mem>>) {add = true}
      %add3A_177 = arith.constant 1 : i32
      %add3A_178 = arith.addi %add3A_166, %add3A_177 : i32
      %lt3A_179 = arith.constant 58 : i32
      %lt3A_180 = arith.cmpi slt, %add3A_178, %lt3A_179 : i32
      %convert_element_type3A_181 = arith.extui %lt3A_180 : i1 to i32
      %cond3A_182 = arith.constant 0 : i32
      %cond3A_183 = arith.cmpi ne, %convert_element_type3A_181, %cond3A_182 : i32
      scf.if %cond3A_183 {
        %dma_wait3A_220 = arith.constant 0 : i32
        %dma_wait3A_221 = tpu.memref_slice %arg3[%dma_wait3A_220] : memref<326656xi32, #tpu.memory_space<hbm>> -> memref<176xi32, #tpu.memory_space<hbm>>
        %dma_wait3A_222 = arith.constant 0 : i32
        %dma_wait3A_223 = tpu.memref_slice %arg3[%dma_wait3A_222] : memref<326656xi32, #tpu.memory_space<hbm>> -> memref<176xi32, #tpu.memory_space<hbm>>
        tpu.wait_dma2 semaphore(%arg18 : memref<!tpu.dma_semaphore, #tpu.memory_space<semaphore_mem>>) src(%dma_wait3A_223 : memref<176xi32, #tpu.memory_space<hbm>>) dst(%arg8 : memref<176xi32, #tpu.memory_space<vmem>>)
        %dma_wait3A_224 = arith.constant 0 : i32
        %dma_wait3A_225 = tpu.memref_slice %arg4[%dma_wait3A_224] : memref<326656xi32, #tpu.memory_space<hbm>> -> memref<176xi32, #tpu.memory_space<hbm>>
        %dma_wait3A_226 = arith.constant 0 : i32
        %dma_wait3A_227 = tpu.memref_slice %arg4[%dma_wait3A_226] : memref<326656xi32, #tpu.memory_space<hbm>> -> memref<176xi32, #tpu.memory_space<hbm>>
        tpu.wait_dma2 semaphore(%arg18 : memref<!tpu.dma_semaphore, #tpu.memory_space<semaphore_mem>>) src(%dma_wait3A_227 : memref<176xi32, #tpu.memory_space<hbm>>) dst(%arg10 : memref<176xi32, #tpu.memory_space<vmem>>)
        %dma_start3A_228 = arith.constant 0 : i32
        %dma_start3A_229 = arith.constant 0 : i32
        %dma_start3A_230 = tpu.memref_slice %arg2[%dma_start3A_228, %dma_start3A_229] : memref<10000x128xf32, #tpu.memory_space<hbm>> -> memref<10000x128xf32, #tpu.memory_space<hbm>>
        tpu.enqueue_indirect_dma source(%dma_start3A_230 : memref<10000x128xf32, #tpu.memory_space<hbm>>) target(%arg12 : memref<176x128xf32, #tpu.memory_space<vmem>>) offsets(%arg8 : memref<176xi32, #tpu.memory_space<vmem>>) semaphore(%arg14 : memref<!tpu.dma_semaphore, #tpu.memory_space<semaphore_mem>>)
      } else {
      }
      %dma_wait3A_184 = arith.constant 0 : i32
      %dma_wait3A_185 = arith.constant 0 : i32
      %dma_wait3A_186 = tpu.memref_slice %arg13[%dma_wait3A_184, %dma_wait3A_185] : memref<10240x128xf32, #tpu.memory_space<vmem_shared>> -> memref<176x128xf32, #tpu.memory_space<vmem_shared>>
      %dma_wait3A_187 = arith.constant 0 : i32
      %dma_wait3A_188 = arith.constant 0 : i32
      %dma_wait3A_189 = tpu.memref_slice %arg13[%dma_wait3A_187, %dma_wait3A_188] : memref<10240x128xf32, #tpu.memory_space<vmem_shared>> -> memref<176x128xf32, #tpu.memory_space<vmem_shared>>
      tpu.wait_dma2 semaphore(%arg15 : memref<!tpu.dma_semaphore, #tpu.memory_space<semaphore_mem>>) src(%arg11 : memref<176x128xf32, #tpu.memory_space<vmem>>) dst(%dma_wait3A_189 : memref<176x128xf32, #tpu.memory_space<vmem_shared>>)
      %mul3A_190 = arith.constant 2 : i32
      %mul3A_191 = arith.muli %scan3A_162, %mul3A_190 : i32
      %add3A_192 = arith.constant 1 : i32
      %add3A_193 = arith.addi %mul3A_191, %add3A_192 : i32
      %add3A_194 = arith.constant 1 : i32
      %add3A_195 = arith.addi %add3A_193, %add3A_194 : i32
      %lt3A_196 = arith.constant 58 : i32
      %lt3A_197 = arith.cmpi slt, %add3A_195, %lt3A_196 : i32
      %convert_element_type3A_198 = arith.extui %lt3A_197 : i1 to i32
      %cond3A_199 = arith.constant 0 : i32
      %cond3A_200 = arith.cmpi ne, %convert_element_type3A_198, %cond3A_199 : i32
      scf.if %cond3A_200 {
        %add3A_220 = arith.constant 1 : i32
        %add3A_221 = arith.addi %add3A_193, %add3A_220 : i32
        %mul3A_222 = arith.constant 176 : i32
        %mul3A_223 = arith.muli %add3A_221, %mul3A_222 : i32
        %add3A_224 = arith.addi %mul3A_72, %mul3A_223 : i32
        %dma_start3A_225 = tpu.memref_slice %arg3[%add3A_224] : memref<326656xi32, #tpu.memory_space<hbm>> -> memref<176xi32, #tpu.memory_space<hbm>>
        %dma_start3A_226 = tpu.memref_slice %arg3[%add3A_224] : memref<326656xi32, #tpu.memory_space<hbm>> -> memref<176xi32, #tpu.memory_space<hbm>>
        tpu.enqueue_dma source(%dma_start3A_226 : memref<176xi32, #tpu.memory_space<hbm>>) target(%arg7 : memref<176xi32, #tpu.memory_space<vmem>>) target_semaphore(%arg18 : memref<!tpu.dma_semaphore, #tpu.memory_space<semaphore_mem>>)
        %dma_start3A_227 = tpu.memref_slice %arg4[%add3A_224] : memref<326656xi32, #tpu.memory_space<hbm>> -> memref<176xi32, #tpu.memory_space<hbm>>
        %dma_start3A_228 = tpu.memref_slice %arg4[%add3A_224] : memref<326656xi32, #tpu.memory_space<hbm>> -> memref<176xi32, #tpu.memory_space<hbm>>
        tpu.enqueue_dma source(%dma_start3A_228 : memref<176xi32, #tpu.memory_space<hbm>>) target(%arg9 : memref<176xi32, #tpu.memory_space<vmem>>) target_semaphore(%arg18 : memref<!tpu.dma_semaphore, #tpu.memory_space<semaphore_mem>>)
      } else {
      }
      %dma_wait3A_201 = arith.constant 0 : i32
      %dma_wait3A_202 = arith.constant 0 : i32
      %dma_wait3A_203 = tpu.memref_slice %arg2[%dma_wait3A_201, %dma_wait3A_202] : memref<10000x128xf32, #tpu.memory_space<hbm>> -> memref<10000x128xf32, #tpu.memory_space<hbm>>
      tpu.wait_indirect_dma semaphore(%arg14 : memref<!tpu.dma_semaphore, #tpu.memory_space<semaphore_mem>>) src(%dma_wait3A_203 : memref<10000x128xf32, #tpu.memory_space<hbm>>) dst(%arg12 : memref<176x128xf32, #tpu.memory_space<vmem>>)
      %dma_start3A_204 = arith.constant 0 : i32
      %dma_start3A_205 = arith.constant 0 : i32
      %dma_start3A_206 = tpu.memref_slice %arg13[%dma_start3A_204, %dma_start3A_205] : memref<10240x128xf32, #tpu.memory_space<vmem_shared>> -> memref<10240x128xf32, #tpu.memory_space<vmem_shared>>
      tpu.enqueue_indirect_dma source(%arg12 : memref<176x128xf32, #tpu.memory_space<vmem>>) target(%dma_start3A_206 : memref<10240x128xf32, #tpu.memory_space<vmem_shared>>) offsets(%arg10 : memref<176xi32, #tpu.memory_space<vmem>>) semaphore(%arg15 : memref<!tpu.dma_semaphore, #tpu.memory_space<semaphore_mem>>) {add = true}
      %add3A_207 = arith.constant 1 : i32
      %add3A_208 = arith.addi %add3A_193, %add3A_207 : i32
      %lt3A_209 = arith.constant 58 : i32
      %lt3A_210 = arith.cmpi slt, %add3A_208, %lt3A_209 : i32
      %convert_element_type3A_211 = arith.extui %lt3A_210 : i1 to i32
      %cond3A_212 = arith.constant 0 : i32
      %cond3A_213 = arith.cmpi ne, %convert_element_type3A_211, %cond3A_212 : i32
      scf.if %cond3A_213 {
        %dma_wait3A_220 = arith.constant 0 : i32
        %dma_wait3A_221 = tpu.memref_slice %arg3[%dma_wait3A_220] : memref<326656xi32, #tpu.memory_space<hbm>> -> memref<176xi32, #tpu.memory_space<hbm>>
        %dma_wait3A_222 = arith.constant 0 : i32
        %dma_wait3A_223 = tpu.memref_slice %arg3[%dma_wait3A_222] : memref<326656xi32, #tpu.memory_space<hbm>> -> memref<176xi32, #tpu.memory_space<hbm>>
        tpu.wait_dma2 semaphore(%arg18 : memref<!tpu.dma_semaphore, #tpu.memory_space<semaphore_mem>>) src(%dma_wait3A_223 : memref<176xi32, #tpu.memory_space<hbm>>) dst(%arg7 : memref<176xi32, #tpu.memory_space<vmem>>)
        %dma_wait3A_224 = arith.constant 0 : i32
        %dma_wait3A_225 = tpu.memref_slice %arg4[%dma_wait3A_224] : memref<326656xi32, #tpu.memory_space<hbm>> -> memref<176xi32, #tpu.memory_space<hbm>>
        %dma_wait3A_226 = arith.constant 0 : i32
        %dma_wait3A_227 = tpu.memref_slice %arg4[%dma_wait3A_226] : memref<326656xi32, #tpu.memory_space<hbm>> -> memref<176xi32, #tpu.memory_space<hbm>>
        tpu.wait_dma2 semaphore(%arg18 : memref<!tpu.dma_semaphore, #tpu.memory_space<semaphore_mem>>) src(%dma_wait3A_227 : memref<176xi32, #tpu.memory_space<hbm>>) dst(%arg9 : memref<176xi32, #tpu.memory_space<vmem>>)
        %dma_start3A_228 = arith.constant 0 : i32
        %dma_start3A_229 = arith.constant 0 : i32
        %dma_start3A_230 = tpu.memref_slice %arg2[%dma_start3A_228, %dma_start3A_229] : memref<10000x128xf32, #tpu.memory_space<hbm>> -> memref<10000x128xf32, #tpu.memory_space<hbm>>
        tpu.enqueue_indirect_dma source(%dma_start3A_230 : memref<10000x128xf32, #tpu.memory_space<hbm>>) target(%arg11 : memref<176x128xf32, #tpu.memory_space<vmem>>) offsets(%arg7 : memref<176xi32, #tpu.memory_space<vmem>>) semaphore(%arg14 : memref<!tpu.dma_semaphore, #tpu.memory_space<semaphore_mem>>)
      } else {
      }
      %dma_wait3A_214 = arith.constant 0 : i32
      %dma_wait3A_215 = arith.constant 0 : i32
      %dma_wait3A_216 = tpu.memref_slice %arg13[%dma_wait3A_214, %dma_wait3A_215] : memref<10240x128xf32, #tpu.memory_space<vmem_shared>> -> memref<176x128xf32, #tpu.memory_space<vmem_shared>>
      %dma_wait3A_217 = arith.constant 0 : i32
      %dma_wait3A_218 = arith.constant 0 : i32
      %dma_wait3A_219 = tpu.memref_slice %arg13[%dma_wait3A_217, %dma_wait3A_218] : memref<10240x128xf32, #tpu.memory_space<vmem_shared>> -> memref<176x128xf32, #tpu.memory_space<vmem_shared>>
      tpu.wait_dma2 semaphore(%arg15 : memref<!tpu.dma_semaphore, #tpu.memory_space<semaphore_mem>>) src(%arg12 : memref<176x128xf32, #tpu.memory_space<vmem>>) dst(%dma_wait3A_219 : memref<176x128xf32, #tpu.memory_space<vmem_shared>>)
    }
    %scan3A_80 = arith.constant 29 : i32
    %barrier3A_81 = arith.constant 0 : index
    tpu.barrier barrier_id(%barrier3A_81)
    %add3A_82 = arith.constant 0 : i32
    %add3A_83 = arith.addi %add3A_82, %arg1 : i32
    %mul3A_84 = arith.constant 128 : i32
    %mul3A_85 = arith.muli %add3A_83, %mul3A_84 : i32
    %dma_start3A_86 = arith.constant 0 : i32
    %dma_start3A_87 = tpu.memref_slice %arg6[%arg0, %mul3A_85, %dma_start3A_86] : memref<2x10240x128xf32, #tpu.memory_space<hbm>> -> memref<1x128x128xf32, #tpu.memory_space<hbm>>
    %dma_start3A_88 = tpu.memref_squeeze %dma_start3A_87 : memref<1x128x128xf32, #tpu.memory_space<hbm>> -> memref<128x128xf32, #tpu.memory_space<hbm>>
    %dma_start3A_89 = arith.constant 0 : i32
    %dma_start3A_90 = tpu.memref_slice %arg13[%mul3A_85, %dma_start3A_89] : memref<10240x128xf32, #tpu.memory_space<vmem_shared>> -> memref<128x128xf32, #tpu.memory_space<vmem_shared>>
    tpu.enqueue_dma source(%dma_start3A_90 : memref<128x128xf32, #tpu.memory_space<vmem_shared>>) target(%dma_start3A_88 : memref<128x128xf32, #tpu.memory_space<hbm>>) target_semaphore(%arg14 : memref<!tpu.dma_semaphore, #tpu.memory_space<semaphore_mem>>)
    %add3A_91 = arith.constant 16 : i32
    %add3A_92 = arith.addi %add3A_91, %arg1 : i32
    %mul3A_93 = arith.constant 128 : i32
    %mul3A_94 = arith.muli %add3A_92, %mul3A_93 : i32
    %dma_start3A_95 = arith.constant 0 : i32
    %dma_start3A_96 = tpu.memref_slice %arg6[%arg0, %mul3A_94, %dma_start3A_95] : memref<2x10240x128xf32, #tpu.memory_space<hbm>> -> memref<1x128x128xf32, #tpu.memory_space<hbm>>
    %dma_start3A_97 = tpu.memref_squeeze %dma_start3A_96 : memref<1x128x128xf32, #tpu.memory_space<hbm>> -> memref<128x128xf32, #tpu.memory_space<hbm>>
    %dma_start3A_98 = arith.constant 0 : i32
    %dma_start3A_99 = tpu.memref_slice %arg13[%mul3A_94, %dma_start3A_98] : memref<10240x128xf32, #tpu.memory_space<vmem_shared>> -> memref<128x128xf32, #tpu.memory_space<vmem_shared>>
    tpu.enqueue_dma source(%dma_start3A_99 : memref<128x128xf32, #tpu.memory_space<vmem_shared>>) target(%dma_start3A_97 : memref<128x128xf32, #tpu.memory_space<hbm>>) target_semaphore(%arg15 : memref<!tpu.dma_semaphore, #tpu.memory_space<semaphore_mem>>)
    %add3A_100 = arith.constant 32 : i32
    %add3A_101 = arith.addi %add3A_100, %arg1 : i32
    %mul3A_102 = arith.constant 128 : i32
    %mul3A_103 = arith.muli %add3A_101, %mul3A_102 : i32
    %dma_start3A_104 = arith.constant 0 : i32
    %dma_start3A_105 = tpu.memref_slice %arg6[%arg0, %mul3A_103, %dma_start3A_104] : memref<2x10240x128xf32, #tpu.memory_space<hbm>> -> memref<1x128x128xf32, #tpu.memory_space<hbm>>
    %dma_start3A_106 = tpu.memref_squeeze %dma_start3A_105 : memref<1x128x128xf32, #tpu.memory_space<hbm>> -> memref<128x128xf32, #tpu.memory_space<hbm>>
    %dma_start3A_107 = arith.constant 0 : i32
    %dma_start3A_108 = tpu.memref_slice %arg13[%mul3A_103, %dma_start3A_107] : memref<10240x128xf32, #tpu.memory_space<vmem_shared>> -> memref<128x128xf32, #tpu.memory_space<vmem_shared>>
    tpu.enqueue_dma source(%dma_start3A_108 : memref<128x128xf32, #tpu.memory_space<vmem_shared>>) target(%dma_start3A_106 : memref<128x128xf32, #tpu.memory_space<hbm>>) target_semaphore(%arg16 : memref<!tpu.dma_semaphore, #tpu.memory_space<semaphore_mem>>)
    %add3A_109 = arith.constant 48 : i32
    %add3A_110 = arith.addi %add3A_109, %arg1 : i32
    %mul3A_111 = arith.constant 128 : i32
    %mul3A_112 = arith.muli %add3A_110, %mul3A_111 : i32
    %dma_start3A_113 = arith.constant 0 : i32
    %dma_start3A_114 = tpu.memref_slice %arg6[%arg0, %mul3A_112, %dma_start3A_113] : memref<2x10240x128xf32, #tpu.memory_space<hbm>> -> memref<1x128x128xf32, #tpu.memory_space<hbm>>
    %dma_start3A_115 = tpu.memref_squeeze %dma_start3A_114 : memref<1x128x128xf32, #tpu.memory_space<hbm>> -> memref<128x128xf32, #tpu.memory_space<hbm>>
    %dma_start3A_116 = arith.constant 0 : i32
    %dma_start3A_117 = tpu.memref_slice %arg13[%mul3A_112, %dma_start3A_116] : memref<10240x128xf32, #tpu.memory_space<vmem_shared>> -> memref<128x128xf32, #tpu.memory_space<vmem_shared>>
    tpu.enqueue_dma source(%dma_start3A_117 : memref<128x128xf32, #tpu.memory_space<vmem_shared>>) target(%dma_start3A_115 : memref<128x128xf32, #tpu.memory_space<hbm>>) target_semaphore(%arg17 : memref<!tpu.dma_semaphore, #tpu.memory_space<semaphore_mem>>)
    %dma_wait3A_118 = arith.constant 0 : i32
    %dma_wait3A_119 = arith.constant 0 : i32
    %dma_wait3A_120 = tpu.memref_slice %arg6[%arg0, %dma_wait3A_118, %dma_wait3A_119] : memref<2x10240x128xf32, #tpu.memory_space<hbm>> -> memref<1x128x128xf32, #tpu.memory_space<hbm>>
    %dma_wait3A_121 = tpu.memref_squeeze %dma_wait3A_120 : memref<1x128x128xf32, #tpu.memory_space<hbm>> -> memref<128x128xf32, #tpu.memory_space<hbm>>
    %dma_wait3A_122 = arith.constant 0 : i32
    %dma_wait3A_123 = arith.constant 0 : i32
    %dma_wait3A_124 = tpu.memref_slice %arg13[%dma_wait3A_122, %dma_wait3A_123] : memref<10240x128xf32, #tpu.memory_space<vmem_shared>> -> memref<128x128xf32, #tpu.memory_space<vmem_shared>>
    tpu.wait_dma2 semaphore(%arg14 : memref<!tpu.dma_semaphore, #tpu.memory_space<semaphore_mem>>) src(%dma_wait3A_124 : memref<128x128xf32, #tpu.memory_space<vmem_shared>>) dst(%dma_wait3A_121 : memref<128x128xf32, #tpu.memory_space<hbm>>)
    %add3A_125 = arith.constant 64 : i32
    %add3A_126 = arith.addi %add3A_125, %arg1 : i32
    %mul3A_127 = arith.constant 128 : i32
    %mul3A_128 = arith.muli %add3A_126, %mul3A_127 : i32
    %dma_start3A_129 = arith.constant 0 : i32
    %dma_start3A_130 = tpu.memref_slice %arg6[%arg0, %mul3A_128, %dma_start3A_129] : memref<2x10240x128xf32, #tpu.memory_space<hbm>> -> memref<1x128x128xf32, #tpu.memory_space<hbm>>
    %dma_start3A_131 = tpu.memref_squeeze %dma_start3A_130 : memref<1x128x128xf32, #tpu.memory_space<hbm>> -> memref<128x128xf32, #tpu.memory_space<hbm>>
    %dma_start3A_132 = arith.constant 0 : i32
    %dma_start3A_133 = tpu.memref_slice %arg13[%mul3A_128, %dma_start3A_132] : memref<10240x128xf32, #tpu.memory_space<vmem_shared>> -> memref<128x128xf32, #tpu.memory_space<vmem_shared>>
    tpu.enqueue_dma source(%dma_start3A_133 : memref<128x128xf32, #tpu.memory_space<vmem_shared>>) target(%dma_start3A_131 : memref<128x128xf32, #tpu.memory_space<hbm>>) target_semaphore(%arg14 : memref<!tpu.dma_semaphore, #tpu.memory_space<semaphore_mem>>)
    %dma_wait3A_134 = arith.constant 0 : i32
    %dma_wait3A_135 = arith.constant 0 : i32
    %dma_wait3A_136 = tpu.memref_slice %arg6[%arg0, %dma_wait3A_134, %dma_wait3A_135] : memref<2x10240x128xf32, #tpu.memory_space<hbm>> -> memref<1x128x128xf32, #tpu.memory_space<hbm>>
    %dma_wait3A_137 = tpu.memref_squeeze %dma_wait3A_136 : memref<1x128x128xf32, #tpu.memory_space<hbm>> -> memref<128x128xf32, #tpu.memory_space<hbm>>
    %dma_wait3A_138 = arith.constant 0 : i32
    %dma_wait3A_139 = arith.constant 0 : i32
    %dma_wait3A_140 = tpu.memref_slice %arg13[%dma_wait3A_138, %dma_wait3A_139] : memref<10240x128xf32, #tpu.memory_space<vmem_shared>> -> memref<128x128xf32, #tpu.memory_space<vmem_shared>>
    tpu.wait_dma2 semaphore(%arg14 : memref<!tpu.dma_semaphore, #tpu.memory_space<semaphore_mem>>) src(%dma_wait3A_140 : memref<128x128xf32, #tpu.memory_space<vmem_shared>>) dst(%dma_wait3A_137 : memref<128x128xf32, #tpu.memory_space<hbm>>)
    %dma_wait3A_141 = arith.constant 0 : i32
    %dma_wait3A_142 = arith.constant 0 : i32
    %dma_wait3A_143 = tpu.memref_slice %arg6[%arg0, %dma_wait3A_141, %dma_wait3A_142] : memref<2x10240x128xf32, #tpu.memory_space<hbm>> -> memref<1x128x128xf32, #tpu.memory_space<hbm>>
    %dma_wait3A_144 = tpu.memref_squeeze %dma_wait3A_143 : memref<1x128x128xf32, #tpu.memory_space<hbm>> -> memref<128x128xf32, #tpu.memory_space<hbm>>
    %dma_wait3A_145 = arith.constant 0 : i32
    %dma_wait3A_146 = arith.constant 0 : i32
    %dma_wait3A_147 = tpu.memref_slice %arg13[%dma_wait3A_145, %dma_wait3A_146] : memref<10240x128xf32, #tpu.memory_space<vmem_shared>> -> memref<128x128xf32, #tpu.memory_space<vmem_shared>>
    tpu.wait_dma2 semaphore(%arg15 : memref<!tpu.dma_semaphore, #tpu.memory_space<semaphore_mem>>) src(%dma_wait3A_147 : memref<128x128xf32, #tpu.memory_space<vmem_shared>>) dst(%dma_wait3A_144 : memref<128x128xf32, #tpu.memory_space<hbm>>)
    %dma_wait3A_148 = arith.constant 0 : i32
    %dma_wait3A_149 = arith.constant 0 : i32
    %dma_wait3A_150 = tpu.memref_slice %arg6[%arg0, %dma_wait3A_148, %dma_wait3A_149] : memref<2x10240x128xf32, #tpu.memory_space<hbm>> -> memref<1x128x128xf32, #tpu.memory_space<hbm>>
    %dma_wait3A_151 = tpu.memref_squeeze %dma_wait3A_150 : memref<1x128x128xf32, #tpu.memory_space<hbm>> -> memref<128x128xf32, #tpu.memory_space<hbm>>
    %dma_wait3A_152 = arith.constant 0 : i32
    %dma_wait3A_153 = arith.constant 0 : i32
    %dma_wait3A_154 = tpu.memref_slice %arg13[%dma_wait3A_152, %dma_wait3A_153] : memref<10240x128xf32, #tpu.memory_space<vmem_shared>> -> memref<128x128xf32, #tpu.memory_space<vmem_shared>>
    tpu.wait_dma2 semaphore(%arg16 : memref<!tpu.dma_semaphore, #tpu.memory_space<semaphore_mem>>) src(%dma_wait3A_154 : memref<128x128xf32, #tpu.memory_space<vmem_shared>>) dst(%dma_wait3A_151 : memref<128x128xf32, #tpu.memory_space<hbm>>)
    %dma_wait3A_155 = arith.constant 0 : i32
    %dma_wait3A_156 = arith.constant 0 : i32
    %dma_wait3A_157 = tpu.memref_slice %arg6[%arg0, %dma_wait3A_155, %dma_wait3A_156] : memref<2x10240x128xf32, #tpu.memory_space<hbm>> -> memref<1x128x128xf32, #tpu.memory_space<hbm>>
    %dma_wait3A_158 = tpu.memref_squeeze %dma_wait3A_157 : memref<1x128x128xf32, #tpu.memory_space<hbm>> -> memref<128x128xf32, #tpu.memory_space<hbm>>
    %dma_wait3A_159 = arith.constant 0 : i32
    %dma_wait3A_160 = arith.constant 0 : i32
    %dma_wait3A_161 = tpu.memref_slice %arg13[%dma_wait3A_159, %dma_wait3A_160] : memref<10240x128xf32, #tpu.memory_space<vmem_shared>> -> memref<128x128xf32, #tpu.memory_space<vmem_shared>>
    tpu.wait_dma2 semaphore(%arg17 : memref<!tpu.dma_semaphore, #tpu.memory_space<semaphore_mem>>) src(%dma_wait3A_161 : memref<128x128xf32, #tpu.memory_space<vmem_shared>>) dst(%dma_wait3A_158 : memref<128x128xf32, #tpu.memory_space<hbm>>)
    return
  }
}

#map = affine_map<(d0, d1) -> (0, 0)>
#map1 = affine_map<(d0, d1) -> (0)>
#map2 = affine_map<(d0, d1) -> (0, 0, 0)>
module attributes {stable_mosaic.version = 14 : i64} {
  func.func @_sc_agg(%arg0: i32, %arg1: i32, %arg2: memref<10000x128xf32, #tpu.memory_space<hbm>>, %arg3: memref<326656xi32, #tpu.memory_space<hbm>>, %arg4: memref<326656xi32, #tpu.memory_space<hbm>>, %arg5: memref<10240x128xf32, #tpu.memory_space<hbm>>, %arg6: memref<2x10240x128xf32, #tpu.memory_space<hbm>>, %arg7: memref<176xi32, #tpu.memory_space<vmem>>, %arg8: memref<176xi32, #tpu.memory_space<vmem>>, %arg9: memref<176xi32, #tpu.memory_space<vmem>>, %arg10: memref<176xi32, #tpu.memory_space<vmem>>, %arg11: memref<176x128xf32, #tpu.memory_space<vmem>>, %arg12: memref<176x128xf32, #tpu.memory_space<vmem>>, %arg13: memref<10240x128xf32, #tpu.memory_space<vmem_shared>>, %arg14: memref<!tpu.dma_semaphore, #tpu.memory_space<semaphore_mem>>, %arg15: memref<!tpu.dma_semaphore, #tpu.memory_space<semaphore_mem>>, %arg16: memref<!tpu.dma_semaphore, #tpu.memory_space<semaphore_mem>>, %arg17: memref<!tpu.dma_semaphore, #tpu.memory_space<semaphore_mem>>, %arg18: memref<!tpu.dma_semaphore, #tpu.memory_space<semaphore_mem>>) attributes {dimension_semantics = [#tpu.dimension_semantics<core_parallel>, #tpu.dimension_semantics<subcore_parallel>], iteration_bounds = array<i64: 2, 16>, scalar_prefetch = 0 : i64, scratch_operands = 12 : i64, tpu.core_type = #tpu.core_type<sc_vector_subcore>, window_params = [{transform_indices = #map}, {transform_indices = #map1}, {transform_indices = #map1}, {transform_indices = #map}, {transform_indices = #map2}]} {
    %mul3A = arith.constant 16 : i32
    %mul3A_0 = arith.muli %arg0, %mul3A : i32
    %add3A = arith.addi %mul3A_0, %arg1 : i32
    %mul3A_1 = arith.constant 58 : i32
    %mul3A_2 = arith.muli %add3A, %mul3A_1 : i32
    %add3A_3 = arith.constant 0 : i32
    %add3A_4 = arith.addi %add3A_3, %arg1 : i32
    %mul3A_5 = arith.constant 128 : i32
    %mul3A_6 = arith.muli %add3A_4, %mul3A_5 : i32
    %dma_start3A = arith.constant 0 : i32
    %dma_start3A_7 = tpu.memref_slice %arg13[%mul3A_6, %dma_start3A] : memref<10240x128xf32, #tpu.memory_space<vmem_shared>> -> memref<128x128xf32, #tpu.memory_space<vmem_shared>>
    %dma_start3A_8 = arith.constant 0 : i32
    %dma_start3A_9 = tpu.memref_slice %arg5[%mul3A_6, %dma_start3A_8] : memref<10240x128xf32, #tpu.memory_space<hbm>> -> memref<128x128xf32, #tpu.memory_space<hbm>>
    tpu.enqueue_dma source(%dma_start3A_9 : memref<128x128xf32, #tpu.memory_space<hbm>>) target(%dma_start3A_7 : memref<128x128xf32, #tpu.memory_space<vmem_shared>>) target_semaphore(%arg14 : memref<!tpu.dma_semaphore, #tpu.memory_space<semaphore_mem>>)
    %add3A_10 = arith.constant 16 : i32
    %add3A_11 = arith.addi %add3A_10, %arg1 : i32
    %mul3A_12 = arith.constant 128 : i32
    %mul3A_13 = arith.muli %add3A_11, %mul3A_12 : i32
    %dma_start3A_14 = arith.constant 0 : i32
    %dma_start3A_15 = tpu.memref_slice %arg13[%mul3A_13, %dma_start3A_14] : memref<10240x128xf32, #tpu.memory_space<vmem_shared>> -> memref<128x128xf32, #tpu.memory_space<vmem_shared>>
    %dma_start3A_16 = arith.constant 0 : i32
    %dma_start3A_17 = tpu.memref_slice %arg5[%mul3A_13, %dma_start3A_16] : memref<10240x128xf32, #tpu.memory_space<hbm>> -> memref<128x128xf32, #tpu.memory_space<hbm>>
    tpu.enqueue_dma source(%dma_start3A_17 : memref<128x128xf32, #tpu.memory_space<hbm>>) target(%dma_start3A_15 : memref<128x128xf32, #tpu.memory_space<vmem_shared>>) target_semaphore(%arg15 : memref<!tpu.dma_semaphore, #tpu.memory_space<semaphore_mem>>)
    %add3A_18 = arith.constant 32 : i32
    %add3A_19 = arith.addi %add3A_18, %arg1 : i32
    %mul3A_20 = arith.constant 128 : i32
    %mul3A_21 = arith.muli %add3A_19, %mul3A_20 : i32
    %dma_start3A_22 = arith.constant 0 : i32
    %dma_start3A_23 = tpu.memref_slice %arg13[%mul3A_21, %dma_start3A_22] : memref<10240x128xf32, #tpu.memory_space<vmem_shared>> -> memref<128x128xf32, #tpu.memory_space<vmem_shared>>
    %dma_start3A_24 = arith.constant 0 : i32
    %dma_start3A_25 = tpu.memref_slice %arg5[%mul3A_21, %dma_start3A_24] : memref<10240x128xf32, #tpu.memory_space<hbm>> -> memref<128x128xf32, #tpu.memory_space<hbm>>
    tpu.enqueue_dma source(%dma_start3A_25 : memref<128x128xf32, #tpu.memory_space<hbm>>) target(%dma_start3A_23 : memref<128x128xf32, #tpu.memory_space<vmem_shared>>) target_semaphore(%arg16 : memref<!tpu.dma_semaphore, #tpu.memory_space<semaphore_mem>>)
    %add3A_26 = arith.constant 48 : i32
    %add3A_27 = arith.addi %add3A_26, %arg1 : i32
    %mul3A_28 = arith.constant 128 : i32
    %mul3A_29 = arith.muli %add3A_27, %mul3A_28 : i32
    %dma_start3A_30 = arith.constant 0 : i32
    %dma_start3A_31 = tpu.memref_slice %arg13[%mul3A_29, %dma_start3A_30] : memref<10240x128xf32, #tpu.memory_space<vmem_shared>> -> memref<128x128xf32, #tpu.memory_space<vmem_shared>>
    %dma_start3A_32 = arith.constant 0 : i32
    %dma_start3A_33 = tpu.memref_slice %arg5[%mul3A_29, %dma_start3A_32] : memref<10240x128xf32, #tpu.memory_space<hbm>> -> memref<128x128xf32, #tpu.memory_space<hbm>>
    tpu.enqueue_dma source(%dma_start3A_33 : memref<128x128xf32, #tpu.memory_space<hbm>>) target(%dma_start3A_31 : memref<128x128xf32, #tpu.memory_space<vmem_shared>>) target_semaphore(%arg17 : memref<!tpu.dma_semaphore, #tpu.memory_space<semaphore_mem>>)
    %dma_wait3A = arith.constant 0 : i32
    %dma_wait3A_34 = arith.constant 0 : i32
    %dma_wait3A_35 = tpu.memref_slice %arg13[%dma_wait3A, %dma_wait3A_34] : memref<10240x128xf32, #tpu.memory_space<vmem_shared>> -> memref<128x128xf32, #tpu.memory_space<vmem_shared>>
    %dma_wait3A_36 = arith.constant 0 : i32
    %dma_wait3A_37 = arith.constant 0 : i32
    %dma_wait3A_38 = tpu.memref_slice %arg5[%dma_wait3A_36, %dma_wait3A_37] : memref<10240x128xf32, #tpu.memory_space<hbm>> -> memref<128x128xf32, #tpu.memory_space<hbm>>
    tpu.wait_dma2 semaphore(%arg14 : memref<!tpu.dma_semaphore, #tpu.memory_space<semaphore_mem>>) src(%dma_wait3A_38 : memref<128x128xf32, #tpu.memory_space<hbm>>) dst(%dma_wait3A_35 : memref<128x128xf32, #tpu.memory_space<vmem_shared>>)
    %add3A_39 = arith.constant 64 : i32
    %add3A_40 = arith.addi %add3A_39, %arg1 : i32
    %mul3A_41 = arith.constant 128 : i32
    %mul3A_42 = arith.muli %add3A_40, %mul3A_41 : i32
    %dma_start3A_43 = arith.constant 0 : i32
    %dma_start3A_44 = tpu.memref_slice %arg13[%mul3A_42, %dma_start3A_43] : memref<10240x128xf32, #tpu.memory_space<vmem_shared>> -> memref<128x128xf32, #tpu.memory_space<vmem_shared>>
    %dma_start3A_45 = arith.constant 0 : i32
    %dma_start3A_46 = tpu.memref_slice %arg5[%mul3A_42, %dma_start3A_45] : memref<10240x128xf32, #tpu.memory_space<hbm>> -> memref<128x128xf32, #tpu.memory_space<hbm>>
    tpu.enqueue_dma source(%dma_start3A_46 : memref<128x128xf32, #tpu.memory_space<hbm>>) target(%dma_start3A_44 : memref<128x128xf32, #tpu.memory_space<vmem_shared>>) target_semaphore(%arg14 : memref<!tpu.dma_semaphore, #tpu.memory_space<semaphore_mem>>)
    %dma_wait3A_47 = arith.constant 0 : i32
    %dma_wait3A_48 = arith.constant 0 : i32
    %dma_wait3A_49 = tpu.memref_slice %arg13[%dma_wait3A_47, %dma_wait3A_48] : memref<10240x128xf32, #tpu.memory_space<vmem_shared>> -> memref<128x128xf32, #tpu.memory_space<vmem_shared>>
    %dma_wait3A_50 = arith.constant 0 : i32
    %dma_wait3A_51 = arith.constant 0 : i32
    %dma_wait3A_52 = tpu.memref_slice %arg5[%dma_wait3A_50, %dma_wait3A_51] : memref<10240x128xf32, #tpu.memory_space<hbm>> -> memref<128x128xf32, #tpu.memory_space<hbm>>
    tpu.wait_dma2 semaphore(%arg14 : memref<!tpu.dma_semaphore, #tpu.memory_space<semaphore_mem>>) src(%dma_wait3A_52 : memref<128x128xf32, #tpu.memory_space<hbm>>) dst(%dma_wait3A_49 : memref<128x128xf32, #tpu.memory_space<vmem_shared>>)
    %dma_wait3A_53 = arith.constant 0 : i32
    %dma_wait3A_54 = arith.constant 0 : i32
    %dma_wait3A_55 = tpu.memref_slice %arg13[%dma_wait3A_53, %dma_wait3A_54] : memref<10240x128xf32, #tpu.memory_space<vmem_shared>> -> memref<128x128xf32, #tpu.memory_space<vmem_shared>>
    %dma_wait3A_56 = arith.constant 0 : i32
    %dma_wait3A_57 = arith.constant 0 : i32
    %dma_wait3A_58 = tpu.memref_slice %arg5[%dma_wait3A_56, %dma_wait3A_57] : memref<10240x128xf32, #tpu.memory_space<hbm>> -> memref<128x128xf32, #tpu.memory_space<hbm>>
    tpu.wait_dma2 semaphore(%arg15 : memref<!tpu.dma_semaphore, #tpu.memory_space<semaphore_mem>>) src(%dma_wait3A_58 : memref<128x128xf32, #tpu.memory_space<hbm>>) dst(%dma_wait3A_55 : memref<128x128xf32, #tpu.memory_space<vmem_shared>>)
    %dma_wait3A_59 = arith.constant 0 : i32
    %dma_wait3A_60 = arith.constant 0 : i32
    %dma_wait3A_61 = tpu.memref_slice %arg13[%dma_wait3A_59, %dma_wait3A_60] : memref<10240x128xf32, #tpu.memory_space<vmem_shared>> -> memref<128x128xf32, #tpu.memory_space<vmem_shared>>
    %dma_wait3A_62 = arith.constant 0 : i32
    %dma_wait3A_63 = arith.constant 0 : i32
    %dma_wait3A_64 = tpu.memref_slice %arg5[%dma_wait3A_62, %dma_wait3A_63] : memref<10240x128xf32, #tpu.memory_space<hbm>> -> memref<128x128xf32, #tpu.memory_space<hbm>>
    tpu.wait_dma2 semaphore(%arg16 : memref<!tpu.dma_semaphore, #tpu.memory_space<semaphore_mem>>) src(%dma_wait3A_64 : memref<128x128xf32, #tpu.memory_space<hbm>>) dst(%dma_wait3A_61 : memref<128x128xf32, #tpu.memory_space<vmem_shared>>)
    %dma_wait3A_65 = arith.constant 0 : i32
    %dma_wait3A_66 = arith.constant 0 : i32
    %dma_wait3A_67 = tpu.memref_slice %arg13[%dma_wait3A_65, %dma_wait3A_66] : memref<10240x128xf32, #tpu.memory_space<vmem_shared>> -> memref<128x128xf32, #tpu.memory_space<vmem_shared>>
    %dma_wait3A_68 = arith.constant 0 : i32
    %dma_wait3A_69 = arith.constant 0 : i32
    %dma_wait3A_70 = tpu.memref_slice %arg5[%dma_wait3A_68, %dma_wait3A_69] : memref<10240x128xf32, #tpu.memory_space<hbm>> -> memref<128x128xf32, #tpu.memory_space<hbm>>
    tpu.wait_dma2 semaphore(%arg17 : memref<!tpu.dma_semaphore, #tpu.memory_space<semaphore_mem>>) src(%dma_wait3A_70 : memref<128x128xf32, #tpu.memory_space<hbm>>) dst(%dma_wait3A_67 : memref<128x128xf32, #tpu.memory_space<vmem_shared>>)
    %barrier3A = arith.constant 0 : index
    tpu.barrier barrier_id(%barrier3A)
    %mul3A_71 = arith.constant 10208 : i32
    %mul3A_72 = arith.muli %add3A, %mul3A_71 : i32
    "tpu.region"() ({
      %run_scoped3A = tpu.sem_alloc : memref<!tpu.dma_semaphore, #tpu.memory_space<semaphore_mem>>
      %dma_start3A_162 = tpu.memref_slice %arg3[%mul3A_72] : memref<326656xi32, #tpu.memory_space<hbm>> -> memref<176xi32, #tpu.memory_space<hbm>>
      %dma_start3A_163 = tpu.memref_slice %arg3[%mul3A_72] : memref<326656xi32, #tpu.memory_space<hbm>> -> memref<176xi32, #tpu.memory_space<hbm>>
      tpu.enqueue_dma source(%dma_start3A_163 : memref<176xi32, #tpu.memory_space<hbm>>) target(%arg7 : memref<176xi32, #tpu.memory_space<vmem>>) target_semaphore(%run_scoped3A : memref<!tpu.dma_semaphore, #tpu.memory_space<semaphore_mem>>)
      %dma_wait3A_164 = tpu.memref_slice %arg3[%mul3A_72] : memref<326656xi32, #tpu.memory_space<hbm>> -> memref<176xi32, #tpu.memory_space<hbm>>
      %dma_wait3A_165 = tpu.memref_slice %arg3[%mul3A_72] : memref<326656xi32, #tpu.memory_space<hbm>> -> memref<176xi32, #tpu.memory_space<hbm>>
      tpu.wait_dma2 semaphore(%run_scoped3A : memref<!tpu.dma_semaphore, #tpu.memory_space<semaphore_mem>>) src(%dma_wait3A_165 : memref<176xi32, #tpu.memory_space<hbm>>) dst(%arg7 : memref<176xi32, #tpu.memory_space<vmem>>)
      tpu.yield
    }) : () -> ()
    "tpu.region"() ({
      %run_scoped3A = tpu.sem_alloc : memref<!tpu.dma_semaphore, #tpu.memory_space<semaphore_mem>>
      %dma_start3A_162 = tpu.memref_slice %arg4[%mul3A_72] : memref<326656xi32, #tpu.memory_space<hbm>> -> memref<176xi32, #tpu.memory_space<hbm>>
      %dma_start3A_163 = tpu.memref_slice %arg4[%mul3A_72] : memref<326656xi32, #tpu.memory_space<hbm>> -> memref<176xi32, #tpu.memory_space<hbm>>
      tpu.enqueue_dma source(%dma_start3A_163 : memref<176xi32, #tpu.memory_space<hbm>>) target(%arg9 : memref<176xi32, #tpu.memory_space<vmem>>) target_semaphore(%run_scoped3A : memref<!tpu.dma_semaphore, #tpu.memory_space<semaphore_mem>>)
      %dma_wait3A_164 = tpu.memref_slice %arg4[%mul3A_72] : memref<326656xi32, #tpu.memory_space<hbm>> -> memref<176xi32, #tpu.memory_space<hbm>>
      %dma_wait3A_165 = tpu.memref_slice %arg4[%mul3A_72] : memref<326656xi32, #tpu.memory_space<hbm>> -> memref<176xi32, #tpu.memory_space<hbm>>
      tpu.wait_dma2 semaphore(%run_scoped3A : memref<!tpu.dma_semaphore, #tpu.memory_space<semaphore_mem>>) src(%dma_wait3A_165 : memref<176xi32, #tpu.memory_space<hbm>>) dst(%arg9 : memref<176xi32, #tpu.memory_space<vmem>>)
      tpu.yield
    }) : () -> ()
    %dma_start3A_73 = arith.constant 0 : i32
    %dma_start3A_74 = arith.constant 0 : i32
    %dma_start3A_75 = tpu.memref_slice %arg2[%dma_start3A_73, %dma_start3A_74] : memref<10000x128xf32, #tpu.memory_space<hbm>> -> memref<10000x128xf32, #tpu.memory_space<hbm>>
    tpu.enqueue_indirect_dma source(%dma_start3A_75 : memref<10000x128xf32, #tpu.memory_space<hbm>>) target(%arg11 : memref<176x128xf32, #tpu.memory_space<vmem>>) offsets(%arg7 : memref<176xi32, #tpu.memory_space<vmem>>) semaphore(%arg14 : memref<!tpu.dma_semaphore, #tpu.memory_space<semaphore_mem>>)
    %scan3A = arith.constant 0 : i32
    %scan3A_76 = arith.constant 0 : i32
    %scan3A_77 = arith.constant 29 : i32
    %scan3A_78 = arith.addi %scan3A_76, %scan3A_77 : i32
    %scan3A_79 = arith.constant 1 : i32
    scf.for %scan3A_162 = %scan3A_76 to %scan3A_78 step %scan3A_79  : i32 {
      %mul3A_163 = arith.constant 2 : i32
      %mul3A_164 = arith.muli %scan3A_162, %mul3A_163 : i32
      %add3A_165 = arith.constant 0 : i32
      %add3A_166 = arith.addi %mul3A_164, %add3A_165 : i32
      %add3A_167 = arith.constant 1 : i32
      %add3A_168 = arith.addi %add3A_166, %add3A_167 : i32
      %lt3A = arith.constant 58 : i32
      %lt3A_169 = arith.cmpi slt, %add3A_168, %lt3A : i32
      %convert_element_type3A = arith.extui %lt3A_169 : i1 to i32
      %cond3A = arith.constant 0 : i32
      %cond3A_170 = arith.cmpi ne, %convert_element_type3A, %cond3A : i32
      scf.if %cond3A_170 {
        %add3A_220 = arith.constant 1 : i32
        %add3A_221 = arith.addi %add3A_166, %add3A_220 : i32
        %mul3A_222 = arith.constant 176 : i32
        %mul3A_223 = arith.muli %add3A_221, %mul3A_222 : i32
        %add3A_224 = arith.addi %mul3A_72, %mul3A_223 : i32
        %dma_start3A_225 = tpu.memref_slice %arg3[%add3A_224] : memref<326656xi32, #tpu.memory_space<hbm>> -> memref<176xi32, #tpu.memory_space<hbm>>
        %dma_start3A_226 = tpu.memref_slice %arg3[%add3A_224] : memref<326656xi32, #tpu.memory_space<hbm>> -> memref<176xi32, #tpu.memory_space<hbm>>
        tpu.enqueue_dma source(%dma_start3A_226 : memref<176xi32, #tpu.memory_space<hbm>>) target(%arg8 : memref<176xi32, #tpu.memory_space<vmem>>) target_semaphore(%arg18 : memref<!tpu.dma_semaphore, #tpu.memory_space<semaphore_mem>>)
        %dma_start3A_227 = tpu.memref_slice %arg4[%add3A_224] : memref<326656xi32, #tpu.memory_space<hbm>> -> memref<176xi32, #tpu.memory_space<hbm>>
        %dma_start3A_228 = tpu.memref_slice %arg4[%add3A_224] : memref<326656xi32, #tpu.memory_space<hbm>> -> memref<176xi32, #tpu.memory_space<hbm>>
        tpu.enqueue_dma source(%dma_start3A_228 : memref<176xi32, #tpu.memory_space<hbm>>) target(%arg10 : memref<176xi32, #tpu.memory_space<vmem>>) target_semaphore(%arg18 : memref<!tpu.dma_semaphore, #tpu.memory_space<semaphore_mem>>)
      } else {
      }
      %dma_wait3A_171 = arith.constant 0 : i32
      %dma_wait3A_172 = arith.constant 0 : i32
      %dma_wait3A_173 = tpu.memref_slice %arg2[%dma_wait3A_171, %dma_wait3A_172] : memref<10000x128xf32, #tpu.memory_space<hbm>> -> memref<10000x128xf32, #tpu.memory_space<hbm>>
      tpu.wait_indirect_dma semaphore(%arg14 : memref<!tpu.dma_semaphore, #tpu.memory_space<semaphore_mem>>) src(%dma_wait3A_173 : memref<10000x128xf32, #tpu.memory_space<hbm>>) dst(%arg11 : memref<176x128xf32, #tpu.memory_space<vmem>>)
      %dma_start3A_174 = arith.constant 0 : i32
      %dma_start3A_175 = arith.constant 0 : i32
      %dma_start3A_176 = tpu.memref_slice %arg13[%dma_start3A_174, %dma_start3A_175] : memref<10240x128xf32, #tpu.memory_space<vmem_shared>> -> memref<10240x128xf32, #tpu.memory_space<vmem_shared>>
      tpu.enqueue_indirect_dma source(%arg11 : memref<176x128xf32, #tpu.memory_space<vmem>>) target(%dma_start3A_176 : memref<10240x128xf32, #tpu.memory_space<vmem_shared>>) offsets(%arg9 : memref<176xi32, #tpu.memory_space<vmem>>) semaphore(%arg15 : memref<!tpu.dma_semaphore, #tpu.memory_space<semaphore_mem>>) {add = true}
      %add3A_177 = arith.constant 1 : i32
      %add3A_178 = arith.addi %add3A_166, %add3A_177 : i32
      %lt3A_179 = arith.constant 58 : i32
      %lt3A_180 = arith.cmpi slt, %add3A_178, %lt3A_179 : i32
      %convert_element_type3A_181 = arith.extui %lt3A_180 : i1 to i32
      %cond3A_182 = arith.constant 0 : i32
      %cond3A_183 = arith.cmpi ne, %convert_element_type3A_181, %cond3A_182 : i32
      scf.if %cond3A_183 {
        %dma_wait3A_220 = arith.constant 0 : i32
        %dma_wait3A_221 = tpu.memref_slice %arg3[%dma_wait3A_220] : memref<326656xi32, #tpu.memory_space<hbm>> -> memref<176xi32, #tpu.memory_space<hbm>>
        %dma_wait3A_222 = arith.constant 0 : i32
        %dma_wait3A_223 = tpu.memref_slice %arg3[%dma_wait3A_222] : memref<326656xi32, #tpu.memory_space<hbm>> -> memref<176xi32, #tpu.memory_space<hbm>>
        tpu.wait_dma2 semaphore(%arg18 : memref<!tpu.dma_semaphore, #tpu.memory_space<semaphore_mem>>) src(%dma_wait3A_223 : memref<176xi32, #tpu.memory_space<hbm>>) dst(%arg8 : memref<176xi32, #tpu.memory_space<vmem>>)
        %dma_wait3A_224 = arith.constant 0 : i32
        %dma_wait3A_225 = tpu.memref_slice %arg4[%dma_wait3A_224] : memref<326656xi32, #tpu.memory_space<hbm>> -> memref<176xi32, #tpu.memory_space<hbm>>
        %dma_wait3A_226 = arith.constant 0 : i32
        %dma_wait3A_227 = tpu.memref_slice %arg4[%dma_wait3A_226] : memref<326656xi32, #tpu.memory_space<hbm>> -> memref<176xi32, #tpu.memory_space<hbm>>
        tpu.wait_dma2 semaphore(%arg18 : memref<!tpu.dma_semaphore, #tpu.memory_space<semaphore_mem>>) src(%dma_wait3A_227 : memref<176xi32, #tpu.memory_space<hbm>>) dst(%arg10 : memref<176xi32, #tpu.memory_space<vmem>>)
        %dma_start3A_228 = arith.constant 0 : i32
        %dma_start3A_229 = arith.constant 0 : i32
        %dma_start3A_230 = tpu.memref_slice %arg2[%dma_start3A_228, %dma_start3A_229] : memref<10000x128xf32, #tpu.memory_space<hbm>> -> memref<10000x128xf32, #tpu.memory_space<hbm>>
        tpu.enqueue_indirect_dma source(%dma_start3A_230 : memref<10000x128xf32, #tpu.memory_space<hbm>>) target(%arg12 : memref<176x128xf32, #tpu.memory_space<vmem>>) offsets(%arg8 : memref<176xi32, #tpu.memory_space<vmem>>) semaphore(%arg14 : memref<!tpu.dma_semaphore, #tpu.memory_space<semaphore_mem>>)
      } else {
      }
      %dma_wait3A_184 = arith.constant 0 : i32
      %dma_wait3A_185 = arith.constant 0 : i32
      %dma_wait3A_186 = tpu.memref_slice %arg13[%dma_wait3A_184, %dma_wait3A_185] : memref<10240x128xf32, #tpu.memory_space<vmem_shared>> -> memref<176x128xf32, #tpu.memory_space<vmem_shared>>
      %dma_wait3A_187 = arith.constant 0 : i32
      %dma_wait3A_188 = arith.constant 0 : i32
      %dma_wait3A_189 = tpu.memref_slice %arg13[%dma_wait3A_187, %dma_wait3A_188] : memref<10240x128xf32, #tpu.memory_space<vmem_shared>> -> memref<176x128xf32, #tpu.memory_space<vmem_shared>>
      tpu.wait_dma2 semaphore(%arg15 : memref<!tpu.dma_semaphore, #tpu.memory_space<semaphore_mem>>) src(%arg11 : memref<176x128xf32, #tpu.memory_space<vmem>>) dst(%dma_wait3A_189 : memref<176x128xf32, #tpu.memory_space<vmem_shared>>)
      %mul3A_190 = arith.constant 2 : i32
      %mul3A_191 = arith.muli %scan3A_162, %mul3A_190 : i32
      %add3A_192 = arith.constant 1 : i32
      %add3A_193 = arith.addi %mul3A_191, %add3A_192 : i32
      %add3A_194 = arith.constant 1 : i32
      %add3A_195 = arith.addi %add3A_193, %add3A_194 : i32
      %lt3A_196 = arith.constant 58 : i32
      %lt3A_197 = arith.cmpi slt, %add3A_195, %lt3A_196 : i32
      %convert_element_type3A_198 = arith.extui %lt3A_197 : i1 to i32
      %cond3A_199 = arith.constant 0 : i32
      %cond3A_200 = arith.cmpi ne, %convert_element_type3A_198, %cond3A_199 : i32
      scf.if %cond3A_200 {
        %add3A_220 = arith.constant 1 : i32
        %add3A_221 = arith.addi %add3A_193, %add3A_220 : i32
        %mul3A_222 = arith.constant 176 : i32
        %mul3A_223 = arith.muli %add3A_221, %mul3A_222 : i32
        %add3A_224 = arith.addi %mul3A_72, %mul3A_223 : i32
        %dma_start3A_225 = tpu.memref_slice %arg3[%add3A_224] : memref<326656xi32, #tpu.memory_space<hbm>> -> memref<176xi32, #tpu.memory_space<hbm>>
        %dma_start3A_226 = tpu.memref_slice %arg3[%add3A_224] : memref<326656xi32, #tpu.memory_space<hbm>> -> memref<176xi32, #tpu.memory_space<hbm>>
        tpu.enqueue_dma source(%dma_start3A_226 : memref<176xi32, #tpu.memory_space<hbm>>) target(%arg7 : memref<176xi32, #tpu.memory_space<vmem>>) target_semaphore(%arg18 : memref<!tpu.dma_semaphore, #tpu.memory_space<semaphore_mem>>)
        %dma_start3A_227 = tpu.memref_slice %arg4[%add3A_224] : memref<326656xi32, #tpu.memory_space<hbm>> -> memref<176xi32, #tpu.memory_space<hbm>>
        %dma_start3A_228 = tpu.memref_slice %arg4[%add3A_224] : memref<326656xi32, #tpu.memory_space<hbm>> -> memref<176xi32, #tpu.memory_space<hbm>>
        tpu.enqueue_dma source(%dma_start3A_228 : memref<176xi32, #tpu.memory_space<hbm>>) target(%arg9 : memref<176xi32, #tpu.memory_space<vmem>>) target_semaphore(%arg18 : memref<!tpu.dma_semaphore, #tpu.memory_space<semaphore_mem>>)
      } else {
      }
      %dma_wait3A_201 = arith.constant 0 : i32
      %dma_wait3A_202 = arith.constant 0 : i32
      %dma_wait3A_203 = tpu.memref_slice %arg2[%dma_wait3A_201, %dma_wait3A_202] : memref<10000x128xf32, #tpu.memory_space<hbm>> -> memref<10000x128xf32, #tpu.memory_space<hbm>>
      tpu.wait_indirect_dma semaphore(%arg14 : memref<!tpu.dma_semaphore, #tpu.memory_space<semaphore_mem>>) src(%dma_wait3A_203 : memref<10000x128xf32, #tpu.memory_space<hbm>>) dst(%arg12 : memref<176x128xf32, #tpu.memory_space<vmem>>)
      %dma_start3A_204 = arith.constant 0 : i32
      %dma_start3A_205 = arith.constant 0 : i32
      %dma_start3A_206 = tpu.memref_slice %arg13[%dma_start3A_204, %dma_start3A_205] : memref<10240x128xf32, #tpu.memory_space<vmem_shared>> -> memref<10240x128xf32, #tpu.memory_space<vmem_shared>>
      tpu.enqueue_indirect_dma source(%arg12 : memref<176x128xf32, #tpu.memory_space<vmem>>) target(%dma_start3A_206 : memref<10240x128xf32, #tpu.memory_space<vmem_shared>>) offsets(%arg10 : memref<176xi32, #tpu.memory_space<vmem>>) semaphore(%arg15 : memref<!tpu.dma_semaphore, #tpu.memory_space<semaphore_mem>>) {add = true}
      %add3A_207 = arith.constant 1 : i32
      %add3A_208 = arith.addi %add3A_193, %add3A_207 : i32
      %lt3A_209 = arith.constant 58 : i32
      %lt3A_210 = arith.cmpi slt, %add3A_208, %lt3A_209 : i32
      %convert_element_type3A_211 = arith.extui %lt3A_210 : i1 to i32
      %cond3A_212 = arith.constant 0 : i32
      %cond3A_213 = arith.cmpi ne, %convert_element_type3A_211, %cond3A_212 : i32
      scf.if %cond3A_213 {
        %dma_wait3A_220 = arith.constant 0 : i32
        %dma_wait3A_221 = tpu.memref_slice %arg3[%dma_wait3A_220] : memref<326656xi32, #tpu.memory_space<hbm>> -> memref<176xi32, #tpu.memory_space<hbm>>
        %dma_wait3A_222 = arith.constant 0 : i32
        %dma_wait3A_223 = tpu.memref_slice %arg3[%dma_wait3A_222] : memref<326656xi32, #tpu.memory_space<hbm>> -> memref<176xi32, #tpu.memory_space<hbm>>
        tpu.wait_dma2 semaphore(%arg18 : memref<!tpu.dma_semaphore, #tpu.memory_space<semaphore_mem>>) src(%dma_wait3A_223 : memref<176xi32, #tpu.memory_space<hbm>>) dst(%arg7 : memref<176xi32, #tpu.memory_space<vmem>>)
        %dma_wait3A_224 = arith.constant 0 : i32
        %dma_wait3A_225 = tpu.memref_slice %arg4[%dma_wait3A_224] : memref<326656xi32, #tpu.memory_space<hbm>> -> memref<176xi32, #tpu.memory_space<hbm>>
        %dma_wait3A_226 = arith.constant 0 : i32
        %dma_wait3A_227 = tpu.memref_slice %arg4[%dma_wait3A_226] : memref<326656xi32, #tpu.memory_space<hbm>> -> memref<176xi32, #tpu.memory_space<hbm>>
        tpu.wait_dma2 semaphore(%arg18 : memref<!tpu.dma_semaphore, #tpu.memory_space<semaphore_mem>>) src(%dma_wait3A_227 : memref<176xi32, #tpu.memory_space<hbm>>) dst(%arg9 : memref<176xi32, #tpu.memory_space<vmem>>)
        %dma_start3A_228 = arith.constant 0 : i32
        %dma_start3A_229 = arith.constant 0 : i32
        %dma_start3A_230 = tpu.memref_slice %arg2[%dma_start3A_228, %dma_start3A_229] : memref<10000x128xf32, #tpu.memory_space<hbm>> -> memref<10000x128xf32, #tpu.memory_space<hbm>>
        tpu.enqueue_indirect_dma source(%dma_start3A_230 : memref<10000x128xf32, #tpu.memory_space<hbm>>) target(%arg11 : memref<176x128xf32, #tpu.memory_space<vmem>>) offsets(%arg7 : memref<176xi32, #tpu.memory_space<vmem>>) semaphore(%arg14 : memref<!tpu.dma_semaphore, #tpu.memory_space<semaphore_mem>>)
      } else {
      }
      %dma_wait3A_214 = arith.constant 0 : i32
      %dma_wait3A_215 = arith.constant 0 : i32
      %dma_wait3A_216 = tpu.memref_slice %arg13[%dma_wait3A_214, %dma_wait3A_215] : memref<10240x128xf32, #tpu.memory_space<vmem_shared>> -> memref<176x128xf32, #tpu.memory_space<vmem_shared>>
      %dma_wait3A_217 = arith.constant 0 : i32
      %dma_wait3A_218 = arith.constant 0 : i32
      %dma_wait3A_219 = tpu.memref_slice %arg13[%dma_wait3A_217, %dma_wait3A_218] : memref<10240x128xf32, #tpu.memory_space<vmem_shared>> -> memref<176x128xf32, #tpu.memory_space<vmem_shared>>
      tpu.wait_dma2 semaphore(%arg15 : memref<!tpu.dma_semaphore, #tpu.memory_space<semaphore_mem>>) src(%arg12 : memref<176x128xf32, #tpu.memory_space<vmem>>) dst(%dma_wait3A_219 : memref<176x128xf32, #tpu.memory_space<vmem_shared>>)
    }
    %scan3A_80 = arith.constant 29 : i32
    %barrier3A_81 = arith.constant 0 : index
    tpu.barrier barrier_id(%barrier3A_81)
    %add3A_82 = arith.constant 0 : i32
    %add3A_83 = arith.addi %add3A_82, %arg1 : i32
    %mul3A_84 = arith.constant 128 : i32
    %mul3A_85 = arith.muli %add3A_83, %mul3A_84 : i32
    %dma_start3A_86 = arith.constant 0 : i32
    %dma_start3A_87 = tpu.memref_slice %arg6[%arg0, %mul3A_85, %dma_start3A_86] : memref<2x10240x128xf32, #tpu.memory_space<hbm>> -> memref<1x128x128xf32, #tpu.memory_space<hbm>>
    %dma_start3A_88 = tpu.memref_squeeze %dma_start3A_87 : memref<1x128x128xf32, #tpu.memory_space<hbm>> -> memref<128x128xf32, #tpu.memory_space<hbm>>
    %dma_start3A_89 = arith.constant 0 : i32
    %dma_start3A_90 = tpu.memref_slice %arg13[%mul3A_85, %dma_start3A_89] : memref<10240x128xf32, #tpu.memory_space<vmem_shared>> -> memref<128x128xf32, #tpu.memory_space<vmem_shared>>
    tpu.enqueue_dma source(%dma_start3A_90 : memref<128x128xf32, #tpu.memory_space<vmem_shared>>) target(%dma_start3A_88 : memref<128x128xf32, #tpu.memory_space<hbm>>) target_semaphore(%arg14 : memref<!tpu.dma_semaphore, #tpu.memory_space<semaphore_mem>>)
    %add3A_91 = arith.constant 16 : i32
    %add3A_92 = arith.addi %add3A_91, %arg1 : i32
    %mul3A_93 = arith.constant 128 : i32
    %mul3A_94 = arith.muli %add3A_92, %mul3A_93 : i32
    %dma_start3A_95 = arith.constant 0 : i32
    %dma_start3A_96 = tpu.memref_slice %arg6[%arg0, %mul3A_94, %dma_start3A_95] : memref<2x10240x128xf32, #tpu.memory_space<hbm>> -> memref<1x128x128xf32, #tpu.memory_space<hbm>>
    %dma_start3A_97 = tpu.memref_squeeze %dma_start3A_96 : memref<1x128x128xf32, #tpu.memory_space<hbm>> -> memref<128x128xf32, #tpu.memory_space<hbm>>
    %dma_start3A_98 = arith.constant 0 : i32
    %dma_start3A_99 = tpu.memref_slice %arg13[%mul3A_94, %dma_start3A_98] : memref<10240x128xf32, #tpu.memory_space<vmem_shared>> -> memref<128x128xf32, #tpu.memory_space<vmem_shared>>
    tpu.enqueue_dma source(%dma_start3A_99 : memref<128x128xf32, #tpu.memory_space<vmem_shared>>) target(%dma_start3A_97 : memref<128x128xf32, #tpu.memory_space<hbm>>) target_semaphore(%arg15 : memref<!tpu.dma_semaphore, #tpu.memory_space<semaphore_mem>>)
    %add3A_100 = arith.constant 32 : i32
    %add3A_101 = arith.addi %add3A_100, %arg1 : i32
    %mul3A_102 = arith.constant 128 : i32
    %mul3A_103 = arith.muli %add3A_101, %mul3A_102 : i32
    %dma_start3A_104 = arith.constant 0 : i32
    %dma_start3A_105 = tpu.memref_slice %arg6[%arg0, %mul3A_103, %dma_start3A_104] : memref<2x10240x128xf32, #tpu.memory_space<hbm>> -> memref<1x128x128xf32, #tpu.memory_space<hbm>>
    %dma_start3A_106 = tpu.memref_squeeze %dma_start3A_105 : memref<1x128x128xf32, #tpu.memory_space<hbm>> -> memref<128x128xf32, #tpu.memory_space<hbm>>
    %dma_start3A_107 = arith.constant 0 : i32
    %dma_start3A_108 = tpu.memref_slice %arg13[%mul3A_103, %dma_start3A_107] : memref<10240x128xf32, #tpu.memory_space<vmem_shared>> -> memref<128x128xf32, #tpu.memory_space<vmem_shared>>
    tpu.enqueue_dma source(%dma_start3A_108 : memref<128x128xf32, #tpu.memory_space<vmem_shared>>) target(%dma_start3A_106 : memref<128x128xf32, #tpu.memory_space<hbm>>) target_semaphore(%arg16 : memref<!tpu.dma_semaphore, #tpu.memory_space<semaphore_mem>>)
    %add3A_109 = arith.constant 48 : i32
    %add3A_110 = arith.addi %add3A_109, %arg1 : i32
    %mul3A_111 = arith.constant 128 : i32
    %mul3A_112 = arith.muli %add3A_110, %mul3A_111 : i32
    %dma_start3A_113 = arith.constant 0 : i32
    %dma_start3A_114 = tpu.memref_slice %arg6[%arg0, %mul3A_112, %dma_start3A_113] : memref<2x10240x128xf32, #tpu.memory_space<hbm>> -> memref<1x128x128xf32, #tpu.memory_space<hbm>>
    %dma_start3A_115 = tpu.memref_squeeze %dma_start3A_114 : memref<1x128x128xf32, #tpu.memory_space<hbm>> -> memref<128x128xf32, #tpu.memory_space<hbm>>
    %dma_start3A_116 = arith.constant 0 : i32
    %dma_start3A_117 = tpu.memref_slice %arg13[%mul3A_112, %dma_start3A_116] : memref<10240x128xf32, #tpu.memory_space<vmem_shared>> -> memref<128x128xf32, #tpu.memory_space<vmem_shared>>
    tpu.enqueue_dma source(%dma_start3A_117 : memref<128x128xf32, #tpu.memory_space<vmem_shared>>) target(%dma_start3A_115 : memref<128x128xf32, #tpu.memory_space<hbm>>) target_semaphore(%arg17 : memref<!tpu.dma_semaphore, #tpu.memory_space<semaphore_mem>>)
    %dma_wait3A_118 = arith.constant 0 : i32
    %dma_wait3A_119 = arith.constant 0 : i32
    %dma_wait3A_120 = tpu.memref_slice %arg6[%arg0, %dma_wait3A_118, %dma_wait3A_119] : memref<2x10240x128xf32, #tpu.memory_space<hbm>> -> memref<1x128x128xf32, #tpu.memory_space<hbm>>
    %dma_wait3A_121 = tpu.memref_squeeze %dma_wait3A_120 : memref<1x128x128xf32, #tpu.memory_space<hbm>> -> memref<128x128xf32, #tpu.memory_space<hbm>>
    %dma_wait3A_122 = arith.constant 0 : i32
    %dma_wait3A_123 = arith.constant 0 : i32
    %dma_wait3A_124 = tpu.memref_slice %arg13[%dma_wait3A_122, %dma_wait3A_123] : memref<10240x128xf32, #tpu.memory_space<vmem_shared>> -> memref<128x128xf32, #tpu.memory_space<vmem_shared>>
    tpu.wait_dma2 semaphore(%arg14 : memref<!tpu.dma_semaphore, #tpu.memory_space<semaphore_mem>>) src(%dma_wait3A_124 : memref<128x128xf32, #tpu.memory_space<vmem_shared>>) dst(%dma_wait3A_121 : memref<128x128xf32, #tpu.memory_space<hbm>>)
    %add3A_125 = arith.constant 64 : i32
    %add3A_126 = arith.addi %add3A_125, %arg1 : i32
    %mul3A_127 = arith.constant 128 : i32
    %mul3A_128 = arith.muli %add3A_126, %mul3A_127 : i32
    %dma_start3A_129 = arith.constant 0 : i32
    %dma_start3A_130 = tpu.memref_slice %arg6[%arg0, %mul3A_128, %dma_start3A_129] : memref<2x10240x128xf32, #tpu.memory_space<hbm>> -> memref<1x128x128xf32, #tpu.memory_space<hbm>>
    %dma_start3A_131 = tpu.memref_squeeze %dma_start3A_130 : memref<1x128x128xf32, #tpu.memory_space<hbm>> -> memref<128x128xf32, #tpu.memory_space<hbm>>
    %dma_start3A_132 = arith.constant 0 : i32
    %dma_start3A_133 = tpu.memref_slice %arg13[%mul3A_128, %dma_start3A_132] : memref<10240x128xf32, #tpu.memory_space<vmem_shared>> -> memref<128x128xf32, #tpu.memory_space<vmem_shared>>
    tpu.enqueue_dma source(%dma_start3A_133 : memref<128x128xf32, #tpu.memory_space<vmem_shared>>) target(%dma_start3A_131 : memref<128x128xf32, #tpu.memory_space<hbm>>) target_semaphore(%arg14 : memref<!tpu.dma_semaphore, #tpu.memory_space<semaphore_mem>>)
    %dma_wait3A_134 = arith.constant 0 : i32
    %dma_wait3A_135 = arith.constant 0 : i32
    %dma_wait3A_136 = tpu.memref_slice %arg6[%arg0, %dma_wait3A_134, %dma_wait3A_135] : memref<2x10240x128xf32, #tpu.memory_space<hbm>> -> memref<1x128x128xf32, #tpu.memory_space<hbm>>
    %dma_wait3A_137 = tpu.memref_squeeze %dma_wait3A_136 : memref<1x128x128xf32, #tpu.memory_space<hbm>> -> memref<128x128xf32, #tpu.memory_space<hbm>>
    %dma_wait3A_138 = arith.constant 0 : i32
    %dma_wait3A_139 = arith.constant 0 : i32
    %dma_wait3A_140 = tpu.memref_slice %arg13[%dma_wait3A_138, %dma_wait3A_139] : memref<10240x128xf32, #tpu.memory_space<vmem_shared>> -> memref<128x128xf32, #tpu.memory_space<vmem_shared>>
    tpu.wait_dma2 semaphore(%arg14 : memref<!tpu.dma_semaphore, #tpu.memory_space<semaphore_mem>>) src(%dma_wait3A_140 : memref<128x128xf32, #tpu.memory_space<vmem_shared>>) dst(%dma_wait3A_137 : memref<128x128xf32, #tpu.memory_space<hbm>>)
    %dma_wait3A_141 = arith.constant 0 : i32
    %dma_wait3A_142 = arith.constant 0 : i32
    %dma_wait3A_143 = tpu.memref_slice %arg6[%arg0, %dma_wait3A_141, %dma_wait3A_142] : memref<2x10240x128xf32, #tpu.memory_space<hbm>> -> memref<1x128x128xf32, #tpu.memory_space<hbm>>
    %dma_wait3A_144 = tpu.memref_squeeze %dma_wait3A_143 : memref<1x128x128xf32, #tpu.memory_space<hbm>> -> memref<128x128xf32, #tpu.memory_space<hbm>>
    %dma_wait3A_145 = arith.constant 0 : i32
    %dma_wait3A_146 = arith.constant 0 : i32
    %dma_wait3A_147 = tpu.memref_slice %arg13[%dma_wait3A_145, %dma_wait3A_146] : memref<10240x128xf32, #tpu.memory_space<vmem_shared>> -> memref<128x128xf32, #tpu.memory_space<vmem_shared>>
    tpu.wait_dma2 semaphore(%arg15 : memref<!tpu.dma_semaphore, #tpu.memory_space<semaphore_mem>>) src(%dma_wait3A_147 : memref<128x128xf32, #tpu.memory_space<vmem_shared>>) dst(%dma_wait3A_144 : memref<128x128xf32, #tpu.memory_space<hbm>>)
    %dma_wait3A_148 = arith.constant 0 : i32
    %dma_wait3A_149 = arith.constant 0 : i32
    %dma_wait3A_150 = tpu.memref_slice %arg6[%arg0, %dma_wait3A_148, %dma_wait3A_149] : memref<2x10240x128xf32, #tpu.memory_space<hbm>> -> memref<1x128x128xf32, #tpu.memory_space<hbm>>
    %dma_wait3A_151 = tpu.memref_squeeze %dma_wait3A_150 : memref<1x128x128xf32, #tpu.memory_space<hbm>> -> memref<128x128xf32, #tpu.memory_space<hbm>>
    %dma_wait3A_152 = arith.constant 0 : i32
    %dma_wait3A_153 = arith.constant 0 : i32
    %dma_wait3A_154 = tpu.memref_slice %arg13[%dma_wait3A_152, %dma_wait3A_153] : memref<10240x128xf32, #tpu.memory_space<vmem_shared>> -> memref<128x128xf32, #tpu.memory_space<vmem_shared>>
    tpu.wait_dma2 semaphore(%arg16 : memref<!tpu.dma_semaphore, #tpu.memory_space<semaphore_mem>>) src(%dma_wait3A_154 : memref<128x128xf32, #tpu.memory_space<vmem_shared>>) dst(%dma_wait3A_151 : memref<128x128xf32, #tpu.memory_space<hbm>>)
    %dma_wait3A_155 = arith.constant 0 : i32
    %dma_wait3A_156 = arith.constant 0 : i32
    %dma_wait3A_157 = tpu.memref_slice %arg6[%arg0, %dma_wait3A_155, %dma_wait3A_156] : memref<2x10240x128xf32, #tpu.memory_space<hbm>> -> memref<1x128x128xf32, #tpu.memory_space<hbm>>
    %dma_wait3A_158 = tpu.memref_squeeze %dma_wait3A_157 : memref<1x128x128xf32, #tpu.memory_space<hbm>> -> memref<128x128xf32, #tpu.memory_space<hbm>>
    %dma_wait3A_159 = arith.constant 0 : i32
    %dma_wait3A_160 = arith.constant 0 : i32
    %dma_wait3A_161 = tpu.memref_slice %arg13[%dma_wait3A_159, %dma_wait3A_160] : memref<10240x128xf32, #tpu.memory_space<vmem_shared>> -> memref<128x128xf32, #tpu.memory_space<vmem_shared>>
    tpu.wait_dma2 semaphore(%arg17 : memref<!tpu.dma_semaphore, #tpu.memory_space<semaphore_mem>>) src(%dma_wait3A_161 : memref<128x128xf32, #tpu.memory_space<vmem_shared>>) dst(%dma_wait3A_158 : memref<128x128xf32, #tpu.memory_space<hbm>>)
    return
  }
}

#map = affine_map<(d0, d1) -> (0, 0)>
#map1 = affine_map<(d0, d1) -> (0)>
#map2 = affine_map<(d0, d1) -> (0, 0, 0)>
module attributes {stable_mosaic.version = 14 : i64} {
  func.func @_sc_agg(%arg0: i32, %arg1: i32, %arg2: memref<10000x128xf32, #tpu.memory_space<hbm>>, %arg3: memref<326656xi32, #tpu.memory_space<hbm>>, %arg4: memref<326656xi32, #tpu.memory_space<hbm>>, %arg5: memref<10240x128xf32, #tpu.memory_space<hbm>>, %arg6: memref<2x10240x128xf32, #tpu.memory_space<hbm>>, %arg7: memref<176xi32, #tpu.memory_space<vmem>>, %arg8: memref<176xi32, #tpu.memory_space<vmem>>, %arg9: memref<176xi32, #tpu.memory_space<vmem>>, %arg10: memref<176xi32, #tpu.memory_space<vmem>>, %arg11: memref<176x128xf32, #tpu.memory_space<vmem>>, %arg12: memref<176x128xf32, #tpu.memory_space<vmem>>, %arg13: memref<10240x128xf32, #tpu.memory_space<vmem_shared>>, %arg14: memref<!tpu.dma_semaphore, #tpu.memory_space<semaphore_mem>>, %arg15: memref<!tpu.dma_semaphore, #tpu.memory_space<semaphore_mem>>, %arg16: memref<!tpu.dma_semaphore, #tpu.memory_space<semaphore_mem>>, %arg17: memref<!tpu.dma_semaphore, #tpu.memory_space<semaphore_mem>>, %arg18: memref<!tpu.dma_semaphore, #tpu.memory_space<semaphore_mem>>) attributes {dimension_semantics = [#tpu.dimension_semantics<core_parallel>, #tpu.dimension_semantics<subcore_parallel>], iteration_bounds = array<i64: 2, 16>, scalar_prefetch = 0 : i64, scratch_operands = 12 : i64, tpu.core_type = #tpu.core_type<sc_vector_subcore>, window_params = [{transform_indices = #map}, {transform_indices = #map1}, {transform_indices = #map1}, {transform_indices = #map}, {transform_indices = #map2}]} {
    %mul3A = arith.constant 16 : i32
    %mul3A_0 = arith.muli %arg0, %mul3A : i32
    %add3A = arith.addi %mul3A_0, %arg1 : i32
    %mul3A_1 = arith.constant 58 : i32
    %mul3A_2 = arith.muli %add3A, %mul3A_1 : i32
    %add3A_3 = arith.constant 0 : i32
    %add3A_4 = arith.addi %add3A_3, %arg1 : i32
    %mul3A_5 = arith.constant 128 : i32
    %mul3A_6 = arith.muli %add3A_4, %mul3A_5 : i32
    %dma_start3A = arith.constant 0 : i32
    %dma_start3A_7 = tpu.memref_slice %arg13[%mul3A_6, %dma_start3A] : memref<10240x128xf32, #tpu.memory_space<vmem_shared>> -> memref<128x128xf32, #tpu.memory_space<vmem_shared>>
    %dma_start3A_8 = arith.constant 0 : i32
    %dma_start3A_9 = tpu.memref_slice %arg5[%mul3A_6, %dma_start3A_8] : memref<10240x128xf32, #tpu.memory_space<hbm>> -> memref<128x128xf32, #tpu.memory_space<hbm>>
    tpu.enqueue_dma source(%dma_start3A_9 : memref<128x128xf32, #tpu.memory_space<hbm>>) target(%dma_start3A_7 : memref<128x128xf32, #tpu.memory_space<vmem_shared>>) target_semaphore(%arg14 : memref<!tpu.dma_semaphore, #tpu.memory_space<semaphore_mem>>)
    %add3A_10 = arith.constant 16 : i32
    %add3A_11 = arith.addi %add3A_10, %arg1 : i32
    %mul3A_12 = arith.constant 128 : i32
    %mul3A_13 = arith.muli %add3A_11, %mul3A_12 : i32
    %dma_start3A_14 = arith.constant 0 : i32
    %dma_start3A_15 = tpu.memref_slice %arg13[%mul3A_13, %dma_start3A_14] : memref<10240x128xf32, #tpu.memory_space<vmem_shared>> -> memref<128x128xf32, #tpu.memory_space<vmem_shared>>
    %dma_start3A_16 = arith.constant 0 : i32
    %dma_start3A_17 = tpu.memref_slice %arg5[%mul3A_13, %dma_start3A_16] : memref<10240x128xf32, #tpu.memory_space<hbm>> -> memref<128x128xf32, #tpu.memory_space<hbm>>
    tpu.enqueue_dma source(%dma_start3A_17 : memref<128x128xf32, #tpu.memory_space<hbm>>) target(%dma_start3A_15 : memref<128x128xf32, #tpu.memory_space<vmem_shared>>) target_semaphore(%arg15 : memref<!tpu.dma_semaphore, #tpu.memory_space<semaphore_mem>>)
    %add3A_18 = arith.constant 32 : i32
    %add3A_19 = arith.addi %add3A_18, %arg1 : i32
    %mul3A_20 = arith.constant 128 : i32
    %mul3A_21 = arith.muli %add3A_19, %mul3A_20 : i32
    %dma_start3A_22 = arith.constant 0 : i32
    %dma_start3A_23 = tpu.memref_slice %arg13[%mul3A_21, %dma_start3A_22] : memref<10240x128xf32, #tpu.memory_space<vmem_shared>> -> memref<128x128xf32, #tpu.memory_space<vmem_shared>>
    %dma_start3A_24 = arith.constant 0 : i32
    %dma_start3A_25 = tpu.memref_slice %arg5[%mul3A_21, %dma_start3A_24] : memref<10240x128xf32, #tpu.memory_space<hbm>> -> memref<128x128xf32, #tpu.memory_space<hbm>>
    tpu.enqueue_dma source(%dma_start3A_25 : memref<128x128xf32, #tpu.memory_space<hbm>>) target(%dma_start3A_23 : memref<128x128xf32, #tpu.memory_space<vmem_shared>>) target_semaphore(%arg16 : memref<!tpu.dma_semaphore, #tpu.memory_space<semaphore_mem>>)
    %add3A_26 = arith.constant 48 : i32
    %add3A_27 = arith.addi %add3A_26, %arg1 : i32
    %mul3A_28 = arith.constant 128 : i32
    %mul3A_29 = arith.muli %add3A_27, %mul3A_28 : i32
    %dma_start3A_30 = arith.constant 0 : i32
    %dma_start3A_31 = tpu.memref_slice %arg13[%mul3A_29, %dma_start3A_30] : memref<10240x128xf32, #tpu.memory_space<vmem_shared>> -> memref<128x128xf32, #tpu.memory_space<vmem_shared>>
    %dma_start3A_32 = arith.constant 0 : i32
    %dma_start3A_33 = tpu.memref_slice %arg5[%mul3A_29, %dma_start3A_32] : memref<10240x128xf32, #tpu.memory_space<hbm>> -> memref<128x128xf32, #tpu.memory_space<hbm>>
    tpu.enqueue_dma source(%dma_start3A_33 : memref<128x128xf32, #tpu.memory_space<hbm>>) target(%dma_start3A_31 : memref<128x128xf32, #tpu.memory_space<vmem_shared>>) target_semaphore(%arg17 : memref<!tpu.dma_semaphore, #tpu.memory_space<semaphore_mem>>)
    %dma_wait3A = arith.constant 0 : i32
    %dma_wait3A_34 = arith.constant 0 : i32
    %dma_wait3A_35 = tpu.memref_slice %arg13[%dma_wait3A, %dma_wait3A_34] : memref<10240x128xf32, #tpu.memory_space<vmem_shared>> -> memref<128x128xf32, #tpu.memory_space<vmem_shared>>
    %dma_wait3A_36 = arith.constant 0 : i32
    %dma_wait3A_37 = arith.constant 0 : i32
    %dma_wait3A_38 = tpu.memref_slice %arg5[%dma_wait3A_36, %dma_wait3A_37] : memref<10240x128xf32, #tpu.memory_space<hbm>> -> memref<128x128xf32, #tpu.memory_space<hbm>>
    tpu.wait_dma2 semaphore(%arg14 : memref<!tpu.dma_semaphore, #tpu.memory_space<semaphore_mem>>) src(%dma_wait3A_38 : memref<128x128xf32, #tpu.memory_space<hbm>>) dst(%dma_wait3A_35 : memref<128x128xf32, #tpu.memory_space<vmem_shared>>)
    %add3A_39 = arith.constant 64 : i32
    %add3A_40 = arith.addi %add3A_39, %arg1 : i32
    %mul3A_41 = arith.constant 128 : i32
    %mul3A_42 = arith.muli %add3A_40, %mul3A_41 : i32
    %dma_start3A_43 = arith.constant 0 : i32
    %dma_start3A_44 = tpu.memref_slice %arg13[%mul3A_42, %dma_start3A_43] : memref<10240x128xf32, #tpu.memory_space<vmem_shared>> -> memref<128x128xf32, #tpu.memory_space<vmem_shared>>
    %dma_start3A_45 = arith.constant 0 : i32
    %dma_start3A_46 = tpu.memref_slice %arg5[%mul3A_42, %dma_start3A_45] : memref<10240x128xf32, #tpu.memory_space<hbm>> -> memref<128x128xf32, #tpu.memory_space<hbm>>
    tpu.enqueue_dma source(%dma_start3A_46 : memref<128x128xf32, #tpu.memory_space<hbm>>) target(%dma_start3A_44 : memref<128x128xf32, #tpu.memory_space<vmem_shared>>) target_semaphore(%arg14 : memref<!tpu.dma_semaphore, #tpu.memory_space<semaphore_mem>>)
    %dma_wait3A_47 = arith.constant 0 : i32
    %dma_wait3A_48 = arith.constant 0 : i32
    %dma_wait3A_49 = tpu.memref_slice %arg13[%dma_wait3A_47, %dma_wait3A_48] : memref<10240x128xf32, #tpu.memory_space<vmem_shared>> -> memref<128x128xf32, #tpu.memory_space<vmem_shared>>
    %dma_wait3A_50 = arith.constant 0 : i32
    %dma_wait3A_51 = arith.constant 0 : i32
    %dma_wait3A_52 = tpu.memref_slice %arg5[%dma_wait3A_50, %dma_wait3A_51] : memref<10240x128xf32, #tpu.memory_space<hbm>> -> memref<128x128xf32, #tpu.memory_space<hbm>>
    tpu.wait_dma2 semaphore(%arg14 : memref<!tpu.dma_semaphore, #tpu.memory_space<semaphore_mem>>) src(%dma_wait3A_52 : memref<128x128xf32, #tpu.memory_space<hbm>>) dst(%dma_wait3A_49 : memref<128x128xf32, #tpu.memory_space<vmem_shared>>)
    %dma_wait3A_53 = arith.constant 0 : i32
    %dma_wait3A_54 = arith.constant 0 : i32
    %dma_wait3A_55 = tpu.memref_slice %arg13[%dma_wait3A_53, %dma_wait3A_54] : memref<10240x128xf32, #tpu.memory_space<vmem_shared>> -> memref<128x128xf32, #tpu.memory_space<vmem_shared>>
    %dma_wait3A_56 = arith.constant 0 : i32
    %dma_wait3A_57 = arith.constant 0 : i32
    %dma_wait3A_58 = tpu.memref_slice %arg5[%dma_wait3A_56, %dma_wait3A_57] : memref<10240x128xf32, #tpu.memory_space<hbm>> -> memref<128x128xf32, #tpu.memory_space<hbm>>
    tpu.wait_dma2 semaphore(%arg15 : memref<!tpu.dma_semaphore, #tpu.memory_space<semaphore_mem>>) src(%dma_wait3A_58 : memref<128x128xf32, #tpu.memory_space<hbm>>) dst(%dma_wait3A_55 : memref<128x128xf32, #tpu.memory_space<vmem_shared>>)
    %dma_wait3A_59 = arith.constant 0 : i32
    %dma_wait3A_60 = arith.constant 0 : i32
    %dma_wait3A_61 = tpu.memref_slice %arg13[%dma_wait3A_59, %dma_wait3A_60] : memref<10240x128xf32, #tpu.memory_space<vmem_shared>> -> memref<128x128xf32, #tpu.memory_space<vmem_shared>>
    %dma_wait3A_62 = arith.constant 0 : i32
    %dma_wait3A_63 = arith.constant 0 : i32
    %dma_wait3A_64 = tpu.memref_slice %arg5[%dma_wait3A_62, %dma_wait3A_63] : memref<10240x128xf32, #tpu.memory_space<hbm>> -> memref<128x128xf32, #tpu.memory_space<hbm>>
    tpu.wait_dma2 semaphore(%arg16 : memref<!tpu.dma_semaphore, #tpu.memory_space<semaphore_mem>>) src(%dma_wait3A_64 : memref<128x128xf32, #tpu.memory_space<hbm>>) dst(%dma_wait3A_61 : memref<128x128xf32, #tpu.memory_space<vmem_shared>>)
    %dma_wait3A_65 = arith.constant 0 : i32
    %dma_wait3A_66 = arith.constant 0 : i32
    %dma_wait3A_67 = tpu.memref_slice %arg13[%dma_wait3A_65, %dma_wait3A_66] : memref<10240x128xf32, #tpu.memory_space<vmem_shared>> -> memref<128x128xf32, #tpu.memory_space<vmem_shared>>
    %dma_wait3A_68 = arith.constant 0 : i32
    %dma_wait3A_69 = arith.constant 0 : i32
    %dma_wait3A_70 = tpu.memref_slice %arg5[%dma_wait3A_68, %dma_wait3A_69] : memref<10240x128xf32, #tpu.memory_space<hbm>> -> memref<128x128xf32, #tpu.memory_space<hbm>>
    tpu.wait_dma2 semaphore(%arg17 : memref<!tpu.dma_semaphore, #tpu.memory_space<semaphore_mem>>) src(%dma_wait3A_70 : memref<128x128xf32, #tpu.memory_space<hbm>>) dst(%dma_wait3A_67 : memref<128x128xf32, #tpu.memory_space<vmem_shared>>)
    %barrier3A = arith.constant 0 : index
    tpu.barrier barrier_id(%barrier3A)
    %mul3A_71 = arith.constant 10208 : i32
    %mul3A_72 = arith.muli %add3A, %mul3A_71 : i32
    "tpu.region"() ({
      %run_scoped3A = tpu.sem_alloc : memref<!tpu.dma_semaphore, #tpu.memory_space<semaphore_mem>>
      %dma_start3A_162 = tpu.memref_slice %arg3[%mul3A_72] : memref<326656xi32, #tpu.memory_space<hbm>> -> memref<176xi32, #tpu.memory_space<hbm>>
      %dma_start3A_163 = tpu.memref_slice %arg3[%mul3A_72] : memref<326656xi32, #tpu.memory_space<hbm>> -> memref<176xi32, #tpu.memory_space<hbm>>
      tpu.enqueue_dma source(%dma_start3A_163 : memref<176xi32, #tpu.memory_space<hbm>>) target(%arg7 : memref<176xi32, #tpu.memory_space<vmem>>) target_semaphore(%run_scoped3A : memref<!tpu.dma_semaphore, #tpu.memory_space<semaphore_mem>>)
      %dma_wait3A_164 = tpu.memref_slice %arg3[%mul3A_72] : memref<326656xi32, #tpu.memory_space<hbm>> -> memref<176xi32, #tpu.memory_space<hbm>>
      %dma_wait3A_165 = tpu.memref_slice %arg3[%mul3A_72] : memref<326656xi32, #tpu.memory_space<hbm>> -> memref<176xi32, #tpu.memory_space<hbm>>
      tpu.wait_dma2 semaphore(%run_scoped3A : memref<!tpu.dma_semaphore, #tpu.memory_space<semaphore_mem>>) src(%dma_wait3A_165 : memref<176xi32, #tpu.memory_space<hbm>>) dst(%arg7 : memref<176xi32, #tpu.memory_space<vmem>>)
      tpu.yield
    }) : () -> ()
    "tpu.region"() ({
      %run_scoped3A = tpu.sem_alloc : memref<!tpu.dma_semaphore, #tpu.memory_space<semaphore_mem>>
      %dma_start3A_162 = tpu.memref_slice %arg4[%mul3A_72] : memref<326656xi32, #tpu.memory_space<hbm>> -> memref<176xi32, #tpu.memory_space<hbm>>
      %dma_start3A_163 = tpu.memref_slice %arg4[%mul3A_72] : memref<326656xi32, #tpu.memory_space<hbm>> -> memref<176xi32, #tpu.memory_space<hbm>>
      tpu.enqueue_dma source(%dma_start3A_163 : memref<176xi32, #tpu.memory_space<hbm>>) target(%arg9 : memref<176xi32, #tpu.memory_space<vmem>>) target_semaphore(%run_scoped3A : memref<!tpu.dma_semaphore, #tpu.memory_space<semaphore_mem>>)
      %dma_wait3A_164 = tpu.memref_slice %arg4[%mul3A_72] : memref<326656xi32, #tpu.memory_space<hbm>> -> memref<176xi32, #tpu.memory_space<hbm>>
      %dma_wait3A_165 = tpu.memref_slice %arg4[%mul3A_72] : memref<326656xi32, #tpu.memory_space<hbm>> -> memref<176xi32, #tpu.memory_space<hbm>>
      tpu.wait_dma2 semaphore(%run_scoped3A : memref<!tpu.dma_semaphore, #tpu.memory_space<semaphore_mem>>) src(%dma_wait3A_165 : memref<176xi32, #tpu.memory_space<hbm>>) dst(%arg9 : memref<176xi32, #tpu.memory_space<vmem>>)
      tpu.yield
    }) : () -> ()
    %dma_start3A_73 = arith.constant 0 : i32
    %dma_start3A_74 = arith.constant 0 : i32
    %dma_start3A_75 = tpu.memref_slice %arg2[%dma_start3A_73, %dma_start3A_74] : memref<10000x128xf32, #tpu.memory_space<hbm>> -> memref<10000x128xf32, #tpu.memory_space<hbm>>
    tpu.enqueue_indirect_dma source(%dma_start3A_75 : memref<10000x128xf32, #tpu.memory_space<hbm>>) target(%arg11 : memref<176x128xf32, #tpu.memory_space<vmem>>) offsets(%arg7 : memref<176xi32, #tpu.memory_space<vmem>>) semaphore(%arg14 : memref<!tpu.dma_semaphore, #tpu.memory_space<semaphore_mem>>)
    %scan3A = arith.constant 0 : i32
    %scan3A_76 = arith.constant 0 : i32
    %scan3A_77 = arith.constant 29 : i32
    %scan3A_78 = arith.addi %scan3A_76, %scan3A_77 : i32
    %scan3A_79 = arith.constant 1 : i32
    scf.for %scan3A_162 = %scan3A_76 to %scan3A_78 step %scan3A_79  : i32 {
      %mul3A_163 = arith.constant 2 : i32
      %mul3A_164 = arith.muli %scan3A_162, %mul3A_163 : i32
      %add3A_165 = arith.constant 0 : i32
      %add3A_166 = arith.addi %mul3A_164, %add3A_165 : i32
      %add3A_167 = arith.constant 1 : i32
      %add3A_168 = arith.addi %add3A_166, %add3A_167 : i32
      %lt3A = arith.constant 58 : i32
      %lt3A_169 = arith.cmpi slt, %add3A_168, %lt3A : i32
      %convert_element_type3A = arith.extui %lt3A_169 : i1 to i32
      %cond3A = arith.constant 0 : i32
      %cond3A_170 = arith.cmpi ne, %convert_element_type3A, %cond3A : i32
      scf.if %cond3A_170 {
        %add3A_220 = arith.constant 1 : i32
        %add3A_221 = arith.addi %add3A_166, %add3A_220 : i32
        %mul3A_222 = arith.constant 176 : i32
        %mul3A_223 = arith.muli %add3A_221, %mul3A_222 : i32
        %add3A_224 = arith.addi %mul3A_72, %mul3A_223 : i32
        %dma_start3A_225 = tpu.memref_slice %arg3[%add3A_224] : memref<326656xi32, #tpu.memory_space<hbm>> -> memref<176xi32, #tpu.memory_space<hbm>>
        %dma_start3A_226 = tpu.memref_slice %arg3[%add3A_224] : memref<326656xi32, #tpu.memory_space<hbm>> -> memref<176xi32, #tpu.memory_space<hbm>>
        tpu.enqueue_dma source(%dma_start3A_226 : memref<176xi32, #tpu.memory_space<hbm>>) target(%arg8 : memref<176xi32, #tpu.memory_space<vmem>>) target_semaphore(%arg18 : memref<!tpu.dma_semaphore, #tpu.memory_space<semaphore_mem>>)
        %dma_start3A_227 = tpu.memref_slice %arg4[%add3A_224] : memref<326656xi32, #tpu.memory_space<hbm>> -> memref<176xi32, #tpu.memory_space<hbm>>
        %dma_start3A_228 = tpu.memref_slice %arg4[%add3A_224] : memref<326656xi32, #tpu.memory_space<hbm>> -> memref<176xi32, #tpu.memory_space<hbm>>
        tpu.enqueue_dma source(%dma_start3A_228 : memref<176xi32, #tpu.memory_space<hbm>>) target(%arg10 : memref<176xi32, #tpu.memory_space<vmem>>) target_semaphore(%arg18 : memref<!tpu.dma_semaphore, #tpu.memory_space<semaphore_mem>>)
      } else {
      }
      %dma_wait3A_171 = arith.constant 0 : i32
      %dma_wait3A_172 = arith.constant 0 : i32
      %dma_wait3A_173 = tpu.memref_slice %arg2[%dma_wait3A_171, %dma_wait3A_172] : memref<10000x128xf32, #tpu.memory_space<hbm>> -> memref<10000x128xf32, #tpu.memory_space<hbm>>
      tpu.wait_indirect_dma semaphore(%arg14 : memref<!tpu.dma_semaphore, #tpu.memory_space<semaphore_mem>>) src(%dma_wait3A_173 : memref<10000x128xf32, #tpu.memory_space<hbm>>) dst(%arg11 : memref<176x128xf32, #tpu.memory_space<vmem>>)
      %dma_start3A_174 = arith.constant 0 : i32
      %dma_start3A_175 = arith.constant 0 : i32
      %dma_start3A_176 = tpu.memref_slice %arg13[%dma_start3A_174, %dma_start3A_175] : memref<10240x128xf32, #tpu.memory_space<vmem_shared>> -> memref<10240x128xf32, #tpu.memory_space<vmem_shared>>
      tpu.enqueue_indirect_dma source(%arg11 : memref<176x128xf32, #tpu.memory_space<vmem>>) target(%dma_start3A_176 : memref<10240x128xf32, #tpu.memory_space<vmem_shared>>) offsets(%arg9 : memref<176xi32, #tpu.memory_space<vmem>>) semaphore(%arg15 : memref<!tpu.dma_semaphore, #tpu.memory_space<semaphore_mem>>) {add = true}
      %add3A_177 = arith.constant 1 : i32
      %add3A_178 = arith.addi %add3A_166, %add3A_177 : i32
      %lt3A_179 = arith.constant 58 : i32
      %lt3A_180 = arith.cmpi slt, %add3A_178, %lt3A_179 : i32
      %convert_element_type3A_181 = arith.extui %lt3A_180 : i1 to i32
      %cond3A_182 = arith.constant 0 : i32
      %cond3A_183 = arith.cmpi ne, %convert_element_type3A_181, %cond3A_182 : i32
      scf.if %cond3A_183 {
        %dma_wait3A_220 = arith.constant 0 : i32
        %dma_wait3A_221 = tpu.memref_slice %arg3[%dma_wait3A_220] : memref<326656xi32, #tpu.memory_space<hbm>> -> memref<176xi32, #tpu.memory_space<hbm>>
        %dma_wait3A_222 = arith.constant 0 : i32
        %dma_wait3A_223 = tpu.memref_slice %arg3[%dma_wait3A_222] : memref<326656xi32, #tpu.memory_space<hbm>> -> memref<176xi32, #tpu.memory_space<hbm>>
        tpu.wait_dma2 semaphore(%arg18 : memref<!tpu.dma_semaphore, #tpu.memory_space<semaphore_mem>>) src(%dma_wait3A_223 : memref<176xi32, #tpu.memory_space<hbm>>) dst(%arg8 : memref<176xi32, #tpu.memory_space<vmem>>)
        %dma_wait3A_224 = arith.constant 0 : i32
        %dma_wait3A_225 = tpu.memref_slice %arg4[%dma_wait3A_224] : memref<326656xi32, #tpu.memory_space<hbm>> -> memref<176xi32, #tpu.memory_space<hbm>>
        %dma_wait3A_226 = arith.constant 0 : i32
        %dma_wait3A_227 = tpu.memref_slice %arg4[%dma_wait3A_226] : memref<326656xi32, #tpu.memory_space<hbm>> -> memref<176xi32, #tpu.memory_space<hbm>>
        tpu.wait_dma2 semaphore(%arg18 : memref<!tpu.dma_semaphore, #tpu.memory_space<semaphore_mem>>) src(%dma_wait3A_227 : memref<176xi32, #tpu.memory_space<hbm>>) dst(%arg10 : memref<176xi32, #tpu.memory_space<vmem>>)
        %dma_start3A_228 = arith.constant 0 : i32
        %dma_start3A_229 = arith.constant 0 : i32
        %dma_start3A_230 = tpu.memref_slice %arg2[%dma_start3A_228, %dma_start3A_229] : memref<10000x128xf32, #tpu.memory_space<hbm>> -> memref<10000x128xf32, #tpu.memory_space<hbm>>
        tpu.enqueue_indirect_dma source(%dma_start3A_230 : memref<10000x128xf32, #tpu.memory_space<hbm>>) target(%arg12 : memref<176x128xf32, #tpu.memory_space<vmem>>) offsets(%arg8 : memref<176xi32, #tpu.memory_space<vmem>>) semaphore(%arg14 : memref<!tpu.dma_semaphore, #tpu.memory_space<semaphore_mem>>)
      } else {
      }
      %dma_wait3A_184 = arith.constant 0 : i32
      %dma_wait3A_185 = arith.constant 0 : i32
      %dma_wait3A_186 = tpu.memref_slice %arg13[%dma_wait3A_184, %dma_wait3A_185] : memref<10240x128xf32, #tpu.memory_space<vmem_shared>> -> memref<176x128xf32, #tpu.memory_space<vmem_shared>>
      %dma_wait3A_187 = arith.constant 0 : i32
      %dma_wait3A_188 = arith.constant 0 : i32
      %dma_wait3A_189 = tpu.memref_slice %arg13[%dma_wait3A_187, %dma_wait3A_188] : memref<10240x128xf32, #tpu.memory_space<vmem_shared>> -> memref<176x128xf32, #tpu.memory_space<vmem_shared>>
      tpu.wait_dma2 semaphore(%arg15 : memref<!tpu.dma_semaphore, #tpu.memory_space<semaphore_mem>>) src(%arg11 : memref<176x128xf32, #tpu.memory_space<vmem>>) dst(%dma_wait3A_189 : memref<176x128xf32, #tpu.memory_space<vmem_shared>>)
      %mul3A_190 = arith.constant 2 : i32
      %mul3A_191 = arith.muli %scan3A_162, %mul3A_190 : i32
      %add3A_192 = arith.constant 1 : i32
      %add3A_193 = arith.addi %mul3A_191, %add3A_192 : i32
      %add3A_194 = arith.constant 1 : i32
      %add3A_195 = arith.addi %add3A_193, %add3A_194 : i32
      %lt3A_196 = arith.constant 58 : i32
      %lt3A_197 = arith.cmpi slt, %add3A_195, %lt3A_196 : i32
      %convert_element_type3A_198 = arith.extui %lt3A_197 : i1 to i32
      %cond3A_199 = arith.constant 0 : i32
      %cond3A_200 = arith.cmpi ne, %convert_element_type3A_198, %cond3A_199 : i32
      scf.if %cond3A_200 {
        %add3A_220 = arith.constant 1 : i32
        %add3A_221 = arith.addi %add3A_193, %add3A_220 : i32
        %mul3A_222 = arith.constant 176 : i32
        %mul3A_223 = arith.muli %add3A_221, %mul3A_222 : i32
        %add3A_224 = arith.addi %mul3A_72, %mul3A_223 : i32
        %dma_start3A_225 = tpu.memref_slice %arg3[%add3A_224] : memref<326656xi32, #tpu.memory_space<hbm>> -> memref<176xi32, #tpu.memory_space<hbm>>
        %dma_start3A_226 = tpu.memref_slice %arg3[%add3A_224] : memref<326656xi32, #tpu.memory_space<hbm>> -> memref<176xi32, #tpu.memory_space<hbm>>
        tpu.enqueue_dma source(%dma_start3A_226 : memref<176xi32, #tpu.memory_space<hbm>>) target(%arg7 : memref<176xi32, #tpu.memory_space<vmem>>) target_semaphore(%arg18 : memref<!tpu.dma_semaphore, #tpu.memory_space<semaphore_mem>>)
        %dma_start3A_227 = tpu.memref_slice %arg4[%add3A_224] : memref<326656xi32, #tpu.memory_space<hbm>> -> memref<176xi32, #tpu.memory_space<hbm>>
        %dma_start3A_228 = tpu.memref_slice %arg4[%add3A_224] : memref<326656xi32, #tpu.memory_space<hbm>> -> memref<176xi32, #tpu.memory_space<hbm>>
        tpu.enqueue_dma source(%dma_start3A_228 : memref<176xi32, #tpu.memory_space<hbm>>) target(%arg9 : memref<176xi32, #tpu.memory_space<vmem>>) target_semaphore(%arg18 : memref<!tpu.dma_semaphore, #tpu.memory_space<semaphore_mem>>)
      } else {
      }
      %dma_wait3A_201 = arith.constant 0 : i32
      %dma_wait3A_202 = arith.constant 0 : i32
      %dma_wait3A_203 = tpu.memref_slice %arg2[%dma_wait3A_201, %dma_wait3A_202] : memref<10000x128xf32, #tpu.memory_space<hbm>> -> memref<10000x128xf32, #tpu.memory_space<hbm>>
      tpu.wait_indirect_dma semaphore(%arg14 : memref<!tpu.dma_semaphore, #tpu.memory_space<semaphore_mem>>) src(%dma_wait3A_203 : memref<10000x128xf32, #tpu.memory_space<hbm>>) dst(%arg12 : memref<176x128xf32, #tpu.memory_space<vmem>>)
      %dma_start3A_204 = arith.constant 0 : i32
      %dma_start3A_205 = arith.constant 0 : i32
      %dma_start3A_206 = tpu.memref_slice %arg13[%dma_start3A_204, %dma_start3A_205] : memref<10240x128xf32, #tpu.memory_space<vmem_shared>> -> memref<10240x128xf32, #tpu.memory_space<vmem_shared>>
      tpu.enqueue_indirect_dma source(%arg12 : memref<176x128xf32, #tpu.memory_space<vmem>>) target(%dma_start3A_206 : memref<10240x128xf32, #tpu.memory_space<vmem_shared>>) offsets(%arg10 : memref<176xi32, #tpu.memory_space<vmem>>) semaphore(%arg15 : memref<!tpu.dma_semaphore, #tpu.memory_space<semaphore_mem>>) {add = true}
      %add3A_207 = arith.constant 1 : i32
      %add3A_208 = arith.addi %add3A_193, %add3A_207 : i32
      %lt3A_209 = arith.constant 58 : i32
      %lt3A_210 = arith.cmpi slt, %add3A_208, %lt3A_209 : i32
      %convert_element_type3A_211 = arith.extui %lt3A_210 : i1 to i32
      %cond3A_212 = arith.constant 0 : i32
      %cond3A_213 = arith.cmpi ne, %convert_element_type3A_211, %cond3A_212 : i32
      scf.if %cond3A_213 {
        %dma_wait3A_220 = arith.constant 0 : i32
        %dma_wait3A_221 = tpu.memref_slice %arg3[%dma_wait3A_220] : memref<326656xi32, #tpu.memory_space<hbm>> -> memref<176xi32, #tpu.memory_space<hbm>>
        %dma_wait3A_222 = arith.constant 0 : i32
        %dma_wait3A_223 = tpu.memref_slice %arg3[%dma_wait3A_222] : memref<326656xi32, #tpu.memory_space<hbm>> -> memref<176xi32, #tpu.memory_space<hbm>>
        tpu.wait_dma2 semaphore(%arg18 : memref<!tpu.dma_semaphore, #tpu.memory_space<semaphore_mem>>) src(%dma_wait3A_223 : memref<176xi32, #tpu.memory_space<hbm>>) dst(%arg7 : memref<176xi32, #tpu.memory_space<vmem>>)
        %dma_wait3A_224 = arith.constant 0 : i32
        %dma_wait3A_225 = tpu.memref_slice %arg4[%dma_wait3A_224] : memref<326656xi32, #tpu.memory_space<hbm>> -> memref<176xi32, #tpu.memory_space<hbm>>
        %dma_wait3A_226 = arith.constant 0 : i32
        %dma_wait3A_227 = tpu.memref_slice %arg4[%dma_wait3A_226] : memref<326656xi32, #tpu.memory_space<hbm>> -> memref<176xi32, #tpu.memory_space<hbm>>
        tpu.wait_dma2 semaphore(%arg18 : memref<!tpu.dma_semaphore, #tpu.memory_space<semaphore_mem>>) src(%dma_wait3A_227 : memref<176xi32, #tpu.memory_space<hbm>>) dst(%arg9 : memref<176xi32, #tpu.memory_space<vmem>>)
        %dma_start3A_228 = arith.constant 0 : i32
        %dma_start3A_229 = arith.constant 0 : i32
        %dma_start3A_230 = tpu.memref_slice %arg2[%dma_start3A_228, %dma_start3A_229] : memref<10000x128xf32, #tpu.memory_space<hbm>> -> memref<10000x128xf32, #tpu.memory_space<hbm>>
        tpu.enqueue_indirect_dma source(%dma_start3A_230 : memref<10000x128xf32, #tpu.memory_space<hbm>>) target(%arg11 : memref<176x128xf32, #tpu.memory_space<vmem>>) offsets(%arg7 : memref<176xi32, #tpu.memory_space<vmem>>) semaphore(%arg14 : memref<!tpu.dma_semaphore, #tpu.memory_space<semaphore_mem>>)
      } else {
      }
      %dma_wait3A_214 = arith.constant 0 : i32
      %dma_wait3A_215 = arith.constant 0 : i32
      %dma_wait3A_216 = tpu.memref_slice %arg13[%dma_wait3A_214, %dma_wait3A_215] : memref<10240x128xf32, #tpu.memory_space<vmem_shared>> -> memref<176x128xf32, #tpu.memory_space<vmem_shared>>
      %dma_wait3A_217 = arith.constant 0 : i32
      %dma_wait3A_218 = arith.constant 0 : i32
      %dma_wait3A_219 = tpu.memref_slice %arg13[%dma_wait3A_217, %dma_wait3A_218] : memref<10240x128xf32, #tpu.memory_space<vmem_shared>> -> memref<176x128xf32, #tpu.memory_space<vmem_shared>>
      tpu.wait_dma2 semaphore(%arg15 : memref<!tpu.dma_semaphore, #tpu.memory_space<semaphore_mem>>) src(%arg12 : memref<176x128xf32, #tpu.memory_space<vmem>>) dst(%dma_wait3A_219 : memref<176x128xf32, #tpu.memory_space<vmem_shared>>)
    }
    %scan3A_80 = arith.constant 29 : i32
    %barrier3A_81 = arith.constant 0 : index
    tpu.barrier barrier_id(%barrier3A_81)
    %add3A_82 = arith.constant 0 : i32
    %add3A_83 = arith.addi %add3A_82, %arg1 : i32
    %mul3A_84 = arith.constant 128 : i32
    %mul3A_85 = arith.muli %add3A_83, %mul3A_84 : i32
    %dma_start3A_86 = arith.constant 0 : i32
    %dma_start3A_87 = tpu.memref_slice %arg6[%arg0, %mul3A_85, %dma_start3A_86] : memref<2x10240x128xf32, #tpu.memory_space<hbm>> -> memref<1x128x128xf32, #tpu.memory_space<hbm>>
    %dma_start3A_88 = tpu.memref_squeeze %dma_start3A_87 : memref<1x128x128xf32, #tpu.memory_space<hbm>> -> memref<128x128xf32, #tpu.memory_space<hbm>>
    %dma_start3A_89 = arith.constant 0 : i32
    %dma_start3A_90 = tpu.memref_slice %arg13[%mul3A_85, %dma_start3A_89] : memref<10240x128xf32, #tpu.memory_space<vmem_shared>> -> memref<128x128xf32, #tpu.memory_space<vmem_shared>>
    tpu.enqueue_dma source(%dma_start3A_90 : memref<128x128xf32, #tpu.memory_space<vmem_shared>>) target(%dma_start3A_88 : memref<128x128xf32, #tpu.memory_space<hbm>>) target_semaphore(%arg14 : memref<!tpu.dma_semaphore, #tpu.memory_space<semaphore_mem>>)
    %add3A_91 = arith.constant 16 : i32
    %add3A_92 = arith.addi %add3A_91, %arg1 : i32
    %mul3A_93 = arith.constant 128 : i32
    %mul3A_94 = arith.muli %add3A_92, %mul3A_93 : i32
    %dma_start3A_95 = arith.constant 0 : i32
    %dma_start3A_96 = tpu.memref_slice %arg6[%arg0, %mul3A_94, %dma_start3A_95] : memref<2x10240x128xf32, #tpu.memory_space<hbm>> -> memref<1x128x128xf32, #tpu.memory_space<hbm>>
    %dma_start3A_97 = tpu.memref_squeeze %dma_start3A_96 : memref<1x128x128xf32, #tpu.memory_space<hbm>> -> memref<128x128xf32, #tpu.memory_space<hbm>>
    %dma_start3A_98 = arith.constant 0 : i32
    %dma_start3A_99 = tpu.memref_slice %arg13[%mul3A_94, %dma_start3A_98] : memref<10240x128xf32, #tpu.memory_space<vmem_shared>> -> memref<128x128xf32, #tpu.memory_space<vmem_shared>>
    tpu.enqueue_dma source(%dma_start3A_99 : memref<128x128xf32, #tpu.memory_space<vmem_shared>>) target(%dma_start3A_97 : memref<128x128xf32, #tpu.memory_space<hbm>>) target_semaphore(%arg15 : memref<!tpu.dma_semaphore, #tpu.memory_space<semaphore_mem>>)
    %add3A_100 = arith.constant 32 : i32
    %add3A_101 = arith.addi %add3A_100, %arg1 : i32
    %mul3A_102 = arith.constant 128 : i32
    %mul3A_103 = arith.muli %add3A_101, %mul3A_102 : i32
    %dma_start3A_104 = arith.constant 0 : i32
    %dma_start3A_105 = tpu.memref_slice %arg6[%arg0, %mul3A_103, %dma_start3A_104] : memref<2x10240x128xf32, #tpu.memory_space<hbm>> -> memref<1x128x128xf32, #tpu.memory_space<hbm>>
    %dma_start3A_106 = tpu.memref_squeeze %dma_start3A_105 : memref<1x128x128xf32, #tpu.memory_space<hbm>> -> memref<128x128xf32, #tpu.memory_space<hbm>>
    %dma_start3A_107 = arith.constant 0 : i32
    %dma_start3A_108 = tpu.memref_slice %arg13[%mul3A_103, %dma_start3A_107] : memref<10240x128xf32, #tpu.memory_space<vmem_shared>> -> memref<128x128xf32, #tpu.memory_space<vmem_shared>>
    tpu.enqueue_dma source(%dma_start3A_108 : memref<128x128xf32, #tpu.memory_space<vmem_shared>>) target(%dma_start3A_106 : memref<128x128xf32, #tpu.memory_space<hbm>>) target_semaphore(%arg16 : memref<!tpu.dma_semaphore, #tpu.memory_space<semaphore_mem>>)
    %add3A_109 = arith.constant 48 : i32
    %add3A_110 = arith.addi %add3A_109, %arg1 : i32
    %mul3A_111 = arith.constant 128 : i32
    %mul3A_112 = arith.muli %add3A_110, %mul3A_111 : i32
    %dma_start3A_113 = arith.constant 0 : i32
    %dma_start3A_114 = tpu.memref_slice %arg6[%arg0, %mul3A_112, %dma_start3A_113] : memref<2x10240x128xf32, #tpu.memory_space<hbm>> -> memref<1x128x128xf32, #tpu.memory_space<hbm>>
    %dma_start3A_115 = tpu.memref_squeeze %dma_start3A_114 : memref<1x128x128xf32, #tpu.memory_space<hbm>> -> memref<128x128xf32, #tpu.memory_space<hbm>>
    %dma_start3A_116 = arith.constant 0 : i32
    %dma_start3A_117 = tpu.memref_slice %arg13[%mul3A_112, %dma_start3A_116] : memref<10240x128xf32, #tpu.memory_space<vmem_shared>> -> memref<128x128xf32, #tpu.memory_space<vmem_shared>>
    tpu.enqueue_dma source(%dma_start3A_117 : memref<128x128xf32, #tpu.memory_space<vmem_shared>>) target(%dma_start3A_115 : memref<128x128xf32, #tpu.memory_space<hbm>>) target_semaphore(%arg17 : memref<!tpu.dma_semaphore, #tpu.memory_space<semaphore_mem>>)
    %dma_wait3A_118 = arith.constant 0 : i32
    %dma_wait3A_119 = arith.constant 0 : i32
    %dma_wait3A_120 = tpu.memref_slice %arg6[%arg0, %dma_wait3A_118, %dma_wait3A_119] : memref<2x10240x128xf32, #tpu.memory_space<hbm>> -> memref<1x128x128xf32, #tpu.memory_space<hbm>>
    %dma_wait3A_121 = tpu.memref_squeeze %dma_wait3A_120 : memref<1x128x128xf32, #tpu.memory_space<hbm>> -> memref<128x128xf32, #tpu.memory_space<hbm>>
    %dma_wait3A_122 = arith.constant 0 : i32
    %dma_wait3A_123 = arith.constant 0 : i32
    %dma_wait3A_124 = tpu.memref_slice %arg13[%dma_wait3A_122, %dma_wait3A_123] : memref<10240x128xf32, #tpu.memory_space<vmem_shared>> -> memref<128x128xf32, #tpu.memory_space<vmem_shared>>
    tpu.wait_dma2 semaphore(%arg14 : memref<!tpu.dma_semaphore, #tpu.memory_space<semaphore_mem>>) src(%dma_wait3A_124 : memref<128x128xf32, #tpu.memory_space<vmem_shared>>) dst(%dma_wait3A_121 : memref<128x128xf32, #tpu.memory_space<hbm>>)
    %add3A_125 = arith.constant 64 : i32
    %add3A_126 = arith.addi %add3A_125, %arg1 : i32
    %mul3A_127 = arith.constant 128 : i32
    %mul3A_128 = arith.muli %add3A_126, %mul3A_127 : i32
    %dma_start3A_129 = arith.constant 0 : i32
    %dma_start3A_130 = tpu.memref_slice %arg6[%arg0, %mul3A_128, %dma_start3A_129] : memref<2x10240x128xf32, #tpu.memory_space<hbm>> -> memref<1x128x128xf32, #tpu.memory_space<hbm>>
    %dma_start3A_131 = tpu.memref_squeeze %dma_start3A_130 : memref<1x128x128xf32, #tpu.memory_space<hbm>> -> memref<128x128xf32, #tpu.memory_space<hbm>>
    %dma_start3A_132 = arith.constant 0 : i32
    %dma_start3A_133 = tpu.memref_slice %arg13[%mul3A_128, %dma_start3A_132] : memref<10240x128xf32, #tpu.memory_space<vmem_shared>> -> memref<128x128xf32, #tpu.memory_space<vmem_shared>>
    tpu.enqueue_dma source(%dma_start3A_133 : memref<128x128xf32, #tpu.memory_space<vmem_shared>>) target(%dma_start3A_131 : memref<128x128xf32, #tpu.memory_space<hbm>>) target_semaphore(%arg14 : memref<!tpu.dma_semaphore, #tpu.memory_space<semaphore_mem>>)
    %dma_wait3A_134 = arith.constant 0 : i32
    %dma_wait3A_135 = arith.constant 0 : i32
    %dma_wait3A_136 = tpu.memref_slice %arg6[%arg0, %dma_wait3A_134, %dma_wait3A_135] : memref<2x10240x128xf32, #tpu.memory_space<hbm>> -> memref<1x128x128xf32, #tpu.memory_space<hbm>>
    %dma_wait3A_137 = tpu.memref_squeeze %dma_wait3A_136 : memref<1x128x128xf32, #tpu.memory_space<hbm>> -> memref<128x128xf32, #tpu.memory_space<hbm>>
    %dma_wait3A_138 = arith.constant 0 : i32
    %dma_wait3A_139 = arith.constant 0 : i32
    %dma_wait3A_140 = tpu.memref_slice %arg13[%dma_wait3A_138, %dma_wait3A_139] : memref<10240x128xf32, #tpu.memory_space<vmem_shared>> -> memref<128x128xf32, #tpu.memory_space<vmem_shared>>
    tpu.wait_dma2 semaphore(%arg14 : memref<!tpu.dma_semaphore, #tpu.memory_space<semaphore_mem>>) src(%dma_wait3A_140 : memref<128x128xf32, #tpu.memory_space<vmem_shared>>) dst(%dma_wait3A_137 : memref<128x128xf32, #tpu.memory_space<hbm>>)
    %dma_wait3A_141 = arith.constant 0 : i32
    %dma_wait3A_142 = arith.constant 0 : i32
    %dma_wait3A_143 = tpu.memref_slice %arg6[%arg0, %dma_wait3A_141, %dma_wait3A_142] : memref<2x10240x128xf32, #tpu.memory_space<hbm>> -> memref<1x128x128xf32, #tpu.memory_space<hbm>>
    %dma_wait3A_144 = tpu.memref_squeeze %dma_wait3A_143 : memref<1x128x128xf32, #tpu.memory_space<hbm>> -> memref<128x128xf32, #tpu.memory_space<hbm>>
    %dma_wait3A_145 = arith.constant 0 : i32
    %dma_wait3A_146 = arith.constant 0 : i32
    %dma_wait3A_147 = tpu.memref_slice %arg13[%dma_wait3A_145, %dma_wait3A_146] : memref<10240x128xf32, #tpu.memory_space<vmem_shared>> -> memref<128x128xf32, #tpu.memory_space<vmem_shared>>
    tpu.wait_dma2 semaphore(%arg15 : memref<!tpu.dma_semaphore, #tpu.memory_space<semaphore_mem>>) src(%dma_wait3A_147 : memref<128x128xf32, #tpu.memory_space<vmem_shared>>) dst(%dma_wait3A_144 : memref<128x128xf32, #tpu.memory_space<hbm>>)
    %dma_wait3A_148 = arith.constant 0 : i32
    %dma_wait3A_149 = arith.constant 0 : i32
    %dma_wait3A_150 = tpu.memref_slice %arg6[%arg0, %dma_wait3A_148, %dma_wait3A_149] : memref<2x10240x128xf32, #tpu.memory_space<hbm>> -> memref<1x128x128xf32, #tpu.memory_space<hbm>>
    %dma_wait3A_151 = tpu.memref_squeeze %dma_wait3A_150 : memref<1x128x128xf32, #tpu.memory_space<hbm>> -> memref<128x128xf32, #tpu.memory_space<hbm>>
    %dma_wait3A_152 = arith.constant 0 : i32
    %dma_wait3A_153 = arith.constant 0 : i32
    %dma_wait3A_154 = tpu.memref_slice %arg13[%dma_wait3A_152, %dma_wait3A_153] : memref<10240x128xf32, #tpu.memory_space<vmem_shared>> -> memref<128x128xf32, #tpu.memory_space<vmem_shared>>
    tpu.wait_dma2 semaphore(%arg16 : memref<!tpu.dma_semaphore, #tpu.memory_space<semaphore_mem>>) src(%dma_wait3A_154 : memref<128x128xf32, #tpu.memory_space<vmem_shared>>) dst(%dma_wait3A_151 : memref<128x128xf32, #tpu.memory_space<hbm>>)
    %dma_wait3A_155 = arith.constant 0 : i32
    %dma_wait3A_156 = arith.constant 0 : i32
    %dma_wait3A_157 = tpu.memref_slice %arg6[%arg0, %dma_wait3A_155, %dma_wait3A_156] : memref<2x10240x128xf32, #tpu.memory_space<hbm>> -> memref<1x128x128xf32, #tpu.memory_space<hbm>>
    %dma_wait3A_158 = tpu.memref_squeeze %dma_wait3A_157 : memref<1x128x128xf32, #tpu.memory_space<hbm>> -> memref<128x128xf32, #tpu.memory_space<hbm>>
    %dma_wait3A_159 = arith.constant 0 : i32
    %dma_wait3A_160 = arith.constant 0 : i32
    %dma_wait3A_161 = tpu.memref_slice %arg13[%dma_wait3A_159, %dma_wait3A_160] : memref<10240x128xf32, #tpu.memory_space<vmem_shared>> -> memref<128x128xf32, #tpu.memory_space<vmem_shared>>
    tpu.wait_dma2 semaphore(%arg17 : memref<!tpu.dma_semaphore, #tpu.memory_space<semaphore_mem>>) src(%dma_wait3A_161 : memref<128x128xf32, #tpu.memory_space<vmem_shared>>) dst(%dma_wait3A_158 : memref<128x128xf32, #tpu.memory_space<hbm>>)
    return
  }
}

module attributes {stable_mosaic.version = 14 : i64} {
  func.func @body(%arg0: i32, %arg1: memref<1x2000x128xf32, #tpu.memory_space<vmem>>, %arg2: memref<1x2000x128xf32, #tpu.memory_space<vmem>>, %arg3: memref<2000x128xf32, #tpu.memory_space<vmem>>, %arg4: memref<128x40xf32, #tpu.memory_space<vmem>>, %arg5: memref<128x40xf32, #tpu.memory_space<vmem>>, %arg6: memref<1x40xf32, #tpu.memory_space<vmem>>, %arg7: memref<2000x40xf32, #tpu.memory_space<vmem>>) attributes {dimension_semantics = [#tpu.dimension_semantics<arbitrary>], iteration_bounds = array<i64: 5>, scalar_prefetch = 0 : i64, scratch_operands = 0 : i64, tpu.core_type = #tpu.core_type<tc>, window_params = [{transform_indices = @transform_0, window_bounds = array<i64: 1, 2000, 128>}, {transform_indices = @transform_1, window_bounds = array<i64: 1, 2000, 128>}, {transform_indices = @transform_2, window_bounds = array<i64: 2000, 128>}, {pipeline_mode = #tpu.pipeline_mode<synchronous>, transform_indices = @transform_3, window_bounds = array<i64: 128, 40>}, {pipeline_mode = #tpu.pipeline_mode<synchronous>, transform_indices = @transform_4, window_bounds = array<i64: 128, 40>}, {pipeline_mode = #tpu.pipeline_mode<synchronous>, transform_indices = @transform_5, window_bounds = array<i64: 1, 40>}, {transform_indices = @transform_6, window_bounds = array<i64: 2000, 40>}]} {
    %get3A = arith.constant 0 : index
    %get3A_0 = arith.constant 0 : index
    %get3A_1 = arith.constant 0 : index
    %get3A_2 = vector.load %arg1[%get3A, %get3A_0, %get3A_1] : memref<1x2000x128xf32, #tpu.memory_space<vmem>>, vector<1x2000x128xf32>
    %get3A_3 = vector.shape_cast %get3A_2 : vector<1x2000x128xf32> to vector<2000x128xf32>
    %get3A_4 = arith.constant 0 : index
    %get3A_5 = arith.constant 0 : index
    %get3A_6 = arith.constant 0 : index
    %get3A_7 = vector.load %arg2[%get3A_4, %get3A_5, %get3A_6] : memref<1x2000x128xf32, #tpu.memory_space<vmem>>, vector<1x2000x128xf32>
    %get3A_8 = vector.shape_cast %get3A_7 : vector<1x2000x128xf32> to vector<2000x128xf32>
    %add3A = arith.addf %get3A_3, %get3A_8 : vector<2000x128xf32>
    %get3A_9 = arith.constant 0 : index
    %get3A_10 = arith.constant 0 : index
    %get3A_11 = vector.load %arg4[%get3A_9, %get3A_10] : memref<128x40xf32, #tpu.memory_space<vmem>>, vector<128x40xf32>
    %dot_general3A = arith.constant dense<0.000000e+00> : vector<2000x40xf32>
    %dot_general3A_12 = tpu.matmul %add3A, %get3A_11, %dot_general3A {dimension_numbers = #tpu.dot_dimension_numbers<[1], [0], [0], [1], [0, 0, 1, 1], [], []>, transpose_lhs_hint = false} : vector<2000x128xf32>, vector<128x40xf32>, vector<2000x40xf32> -> vector<2000x40xf32>
    %get3A_13 = arith.constant 0 : index
    %get3A_14 = arith.constant 0 : index
    %get3A_15 = vector.load %arg3[%get3A_13, %get3A_14] : memref<2000x128xf32, #tpu.memory_space<vmem>>, vector<2000x128xf32>
    %get3A_16 = arith.constant 0 : index
    %get3A_17 = arith.constant 0 : index
    %get3A_18 = vector.load %arg5[%get3A_16, %get3A_17] : memref<128x40xf32, #tpu.memory_space<vmem>>, vector<128x40xf32>
    %dot_general3A_19 = arith.constant dense<0.000000e+00> : vector<2000x40xf32>
    %dot_general3A_20 = tpu.matmul %get3A_15, %get3A_18, %dot_general3A_19 {dimension_numbers = #tpu.dot_dimension_numbers<[1], [0], [0], [1], [0, 0, 1, 1], [], []>, transpose_lhs_hint = false} : vector<2000x128xf32>, vector<128x40xf32>, vector<2000x40xf32> -> vector<2000x40xf32>
    %add3A_21 = arith.addf %dot_general3A_12, %dot_general3A_20 : vector<2000x40xf32>
    %get3A_22 = arith.constant 0 : index
    %get3A_23 = arith.constant 0 : index
    %get3A_24 = vector.load %arg6[%get3A_22, %get3A_23] : memref<1x40xf32, #tpu.memory_space<vmem>>, vector<1x40xf32>
    %add3A_25 = vector.broadcast %get3A_24 : vector<1x40xf32> to vector<2000x40xf32>
    %add3A_26 = arith.addf %add3A_21, %add3A_25 : vector<2000x40xf32>
    %reduce_max3A = arith.constant dense<0xFF800000> : vector<2000xf32>
    %reduce_max3A_27 = vector.multi_reduction <maximumf>, %add3A_26, %reduce_max3A [1] : vector<2000x40xf32> to vector<2000xf32>
    %broadcast_in_dim3A = vector.shape_cast %reduce_max3A_27 : vector<2000xf32> to vector<2000x1xf32>
    %sub3A = vector.broadcast %broadcast_in_dim3A : vector<2000x1xf32> to vector<2000x40xf32>
    %sub3A_28 = arith.subf %add3A_26, %sub3A : vector<2000x40xf32>
    %exp3A = math.exp %sub3A_28 : vector<2000x40xf32>
    %reduce_sum3A = arith.constant dense<0.000000e+00> : vector<2000xf32>
    %reduce_sum3A_29 = vector.multi_reduction <add>, %exp3A, %reduce_sum3A [1] : vector<2000x40xf32> to vector<2000xf32>
    %broadcast_in_dim3A_30 = vector.shape_cast %reduce_sum3A_29 : vector<2000xf32> to vector<2000x1xf32>
    %log3A = math.log %broadcast_in_dim3A_30 : vector<2000x1xf32>
    %sub3A_31 = vector.broadcast %log3A : vector<2000x1xf32> to vector<2000x40xf32>
    %sub3A_32 = arith.subf %sub3A_28, %sub3A_31 : vector<2000x40xf32>
    %swap3A = arith.constant 0 : index
    %swap3A_33 = arith.constant 0 : index
    %swap3A_34 = vector.load %arg7[%swap3A, %swap3A_33] : memref<2000x40xf32, #tpu.memory_space<vmem>>, vector<2000x40xf32>
    tpu.vector_store %arg7[%swap3A, %swap3A_33], %sub3A_32 {strides = array<i32>} : memref<2000x40xf32, #tpu.memory_space<vmem>>, vector<2000x40xf32>,
    return
  }
  func.func @transform_0(%arg0: i32) -> (i32, i32, i32) {
    %c0_i32 = arith.constant 0 : i32
    %c0_i32_0 = arith.constant 0 : i32
    %c0_i32_1 = arith.constant 0 : i32
    return %c0_i32, %arg0, %c0_i32_0 : i32, i32, i32
  }
  func.func @transform_1(%arg0: i32) -> (i32, i32, i32) {
    %c1_i32 = arith.constant 1 : i32
    %c0_i32 = arith.constant 0 : i32
    %c0_i32_0 = arith.constant 0 : i32
    return %c1_i32, %arg0, %c0_i32 : i32, i32, i32
  }
  func.func @transform_2(%arg0: i32) -> (i32, i32) {
    %c0_i32 = arith.constant 0 : i32
    %c0_i32_0 = arith.constant 0 : i32
    return %arg0, %c0_i32 : i32, i32
  }
  func.func @transform_3(%arg0: i32) -> (i32, i32) {
    %c0_i32 = arith.constant 0 : i32
    %c0_i32_0 = arith.constant 0 : i32
    %c0_i32_1 = arith.constant 0 : i32
    return %c0_i32, %c0_i32_0 : i32, i32
  }
  func.func @transform_4(%arg0: i32) -> (i32, i32) {
    %c0_i32 = arith.constant 0 : i32
    %c0_i32_0 = arith.constant 0 : i32
    %c0_i32_1 = arith.constant 0 : i32
    return %c0_i32, %c0_i32_0 : i32, i32
  }
  func.func @transform_5(%arg0: i32) -> (i32, i32) {
    %c0_i32 = arith.constant 0 : i32
    %c0_i32_0 = arith.constant 0 : i32
    %c0_i32_1 = arith.constant 0 : i32
    return %c0_i32, %c0_i32_0 : i32, i32
  }
  func.func @transform_6(%arg0: i32) -> (i32, i32) {
    %c0_i32 = arith.constant 0 : i32
    %c0_i32_0 = arith.constant 0 : i32
    return %arg0, %c0_i32 : i32, i32
  }
}

module attributes {stable_mosaic.version = 14 : i64} {
  func.func @body(%arg0: i32, %arg1: memref<1x2000x128xf32, #tpu.memory_space<vmem>>, %arg2: memref<1x2000x128xf32, #tpu.memory_space<vmem>>, %arg3: memref<2000x128xf32, #tpu.memory_space<vmem>>, %arg4: memref<128x128xf32, #tpu.memory_space<vmem>>, %arg5: memref<128x128xf32, #tpu.memory_space<vmem>>, %arg6: memref<1x128xf32, #tpu.memory_space<vmem>>, %arg7: memref<2000x128xf32, #tpu.memory_space<vmem>>) attributes {dimension_semantics = [#tpu.dimension_semantics<arbitrary>], iteration_bounds = array<i64: 5>, scalar_prefetch = 0 : i64, scratch_operands = 0 : i64, tpu.core_type = #tpu.core_type<tc>, window_params = [{transform_indices = @transform_0, window_bounds = array<i64: 1, 2000, 128>}, {transform_indices = @transform_1, window_bounds = array<i64: 1, 2000, 128>}, {transform_indices = @transform_2, window_bounds = array<i64: 2000, 128>}, {pipeline_mode = #tpu.pipeline_mode<synchronous>, transform_indices = @transform_3, window_bounds = array<i64: 128, 128>}, {pipeline_mode = #tpu.pipeline_mode<synchronous>, transform_indices = @transform_4, window_bounds = array<i64: 128, 128>}, {pipeline_mode = #tpu.pipeline_mode<synchronous>, transform_indices = @transform_5, window_bounds = array<i64: 1, 128>}, {transform_indices = @transform_6, window_bounds = array<i64: 2000, 128>}]} {
    %get3A = arith.constant 0 : index
    %get3A_0 = arith.constant 0 : index
    %get3A_1 = arith.constant 0 : index
    %get3A_2 = vector.load %arg1[%get3A, %get3A_0, %get3A_1] : memref<1x2000x128xf32, #tpu.memory_space<vmem>>, vector<1x2000x128xf32>
    %get3A_3 = vector.shape_cast %get3A_2 : vector<1x2000x128xf32> to vector<2000x128xf32>
    %get3A_4 = arith.constant 0 : index
    %get3A_5 = arith.constant 0 : index
    %get3A_6 = arith.constant 0 : index
    %get3A_7 = vector.load %arg2[%get3A_4, %get3A_5, %get3A_6] : memref<1x2000x128xf32, #tpu.memory_space<vmem>>, vector<1x2000x128xf32>
    %get3A_8 = vector.shape_cast %get3A_7 : vector<1x2000x128xf32> to vector<2000x128xf32>
    %add3A = arith.addf %get3A_3, %get3A_8 : vector<2000x128xf32>
    %get3A_9 = arith.constant 0 : index
    %get3A_10 = arith.constant 0 : index
    %get3A_11 = vector.load %arg4[%get3A_9, %get3A_10] : memref<128x128xf32, #tpu.memory_space<vmem>>, vector<128x128xf32>
    %dot_general3A = arith.constant dense<0.000000e+00> : vector<2000x128xf32>
    %dot_general3A_12 = tpu.matmul %add3A, %get3A_11, %dot_general3A {dimension_numbers = #tpu.dot_dimension_numbers<[1], [0], [0], [1], [0, 0, 1, 1], [], []>, transpose_lhs_hint = false} : vector<2000x128xf32>, vector<128x128xf32>, vector<2000x128xf32> -> vector<2000x128xf32>
    %get3A_13 = arith.constant 0 : index
    %get3A_14 = arith.constant 0 : index
    %get3A_15 = vector.load %arg3[%get3A_13, %get3A_14] : memref<2000x128xf32, #tpu.memory_space<vmem>>, vector<2000x128xf32>
    %get3A_16 = arith.constant 0 : index
    %get3A_17 = arith.constant 0 : index
    %get3A_18 = vector.load %arg5[%get3A_16, %get3A_17] : memref<128x128xf32, #tpu.memory_space<vmem>>, vector<128x128xf32>
    %dot_general3A_19 = arith.constant dense<0.000000e+00> : vector<2000x128xf32>
    %dot_general3A_20 = tpu.matmul %get3A_15, %get3A_18, %dot_general3A_19 {dimension_numbers = #tpu.dot_dimension_numbers<[1], [0], [0], [1], [0, 0, 1, 1], [], []>, transpose_lhs_hint = false} : vector<2000x128xf32>, vector<128x128xf32>, vector<2000x128xf32> -> vector<2000x128xf32>
    %add3A_21 = arith.addf %dot_general3A_12, %dot_general3A_20 : vector<2000x128xf32>
    %get3A_22 = arith.constant 0 : index
    %get3A_23 = arith.constant 0 : index
    %get3A_24 = vector.load %arg6[%get3A_22, %get3A_23] : memref<1x128xf32, #tpu.memory_space<vmem>>, vector<1x128xf32>
    %add3A_25 = vector.broadcast %get3A_24 : vector<1x128xf32> to vector<2000x128xf32>
    %add3A_26 = arith.addf %add3A_21, %add3A_25 : vector<2000x128xf32>
    %swap3A = arith.constant 0 : index
    %swap3A_27 = arith.constant 0 : index
    %swap3A_28 = vector.load %arg7[%swap3A, %swap3A_27] : memref<2000x128xf32, #tpu.memory_space<vmem>>, vector<2000x128xf32>
    tpu.vector_store %arg7[%swap3A, %swap3A_27], %add3A_26 {strides = array<i32>} : memref<2000x128xf32, #tpu.memory_space<vmem>>, vector<2000x128xf32>,
    return
  }
  func.func @transform_0(%arg0: i32) -> (i32, i32, i32) {
    %c0_i32 = arith.constant 0 : i32
    %c0_i32_0 = arith.constant 0 : i32
    %c0_i32_1 = arith.constant 0 : i32
    return %c0_i32, %arg0, %c0_i32_0 : i32, i32, i32
  }
  func.func @transform_1(%arg0: i32) -> (i32, i32, i32) {
    %c1_i32 = arith.constant 1 : i32
    %c0_i32 = arith.constant 0 : i32
    %c0_i32_0 = arith.constant 0 : i32
    return %c1_i32, %arg0, %c0_i32 : i32, i32, i32
  }
  func.func @transform_2(%arg0: i32) -> (i32, i32) {
    %c0_i32 = arith.constant 0 : i32
    %c0_i32_0 = arith.constant 0 : i32
    return %arg0, %c0_i32 : i32, i32
  }
  func.func @transform_3(%arg0: i32) -> (i32, i32) {
    %c0_i32 = arith.constant 0 : i32
    %c0_i32_0 = arith.constant 0 : i32
    %c0_i32_1 = arith.constant 0 : i32
    return %c0_i32, %c0_i32_0 : i32, i32
  }
  func.func @transform_4(%arg0: i32) -> (i32, i32) {
    %c0_i32 = arith.constant 0 : i32
    %c0_i32_0 = arith.constant 0 : i32
    %c0_i32_1 = arith.constant 0 : i32
    return %c0_i32, %c0_i32_0 : i32, i32
  }
  func.func @transform_5(%arg0: i32) -> (i32, i32) {
    %c0_i32 = arith.constant 0 : i32
    %c0_i32_0 = arith.constant 0 : i32
    %c0_i32_1 = arith.constant 0 : i32
    return %c0_i32, %c0_i32_0 : i32, i32
  }
  func.func @transform_6(%arg0: i32) -> (i32, i32) {
    %c0_i32 = arith.constant 0 : i32
    %c0_i32_0 = arith.constant 0 : i32
    return %arg0, %c0_i32 : i32, i32
  }
}

</mosaic_0001>

<sc_bundles>
// kernel: kernel.11.cloned.1.call-start
scs
__scs_entry_jumppad:
0x0: {  	(pc) =	sbr.rel $0x88, $3  }
0x1: {  	(tag) =	ssettag $0x0;
	lr =	simm.s32 $0x1  }
0x2: {  	[smem:$0x3F96] =	sst lr;
	_ =	strace $0xD0000000  }
0x3: {  	_ = 	snop  }
0x4: {  	_ = 	snop  }
0x5: {  	_ = 	snop  }
0x6: {  	_ = 	snop  }
0x7: {  	_ = 	snop  }
__scs_overlays_trampoline_lowered:
0x8: {  	[smem:$0x3FA5] =	sst s0  }
0x9: {  	[smem:$0x3FA6] =	sst s1  }
0xa: {  	[smem:$0x3FA7] =	sst s2  }
0xb: {  	[smem:$0x3FA8] =	sst s3  }
0xc: {  	[smem:$0x3FA9] =	sst s4  }
0xd: {  	[smem:$0x3FAA] =	sst s5  }
0xe: {  	[smem:$0x3FAB] =	sst s6  }
0xf: {  	[smem:$0x3FAC] =	sst s7  }
0x10: {  	[smem:$0x3FAD] =	sst s8  }
0x11: {  	[smem:$0x3FAE] =	sst s9;
	s0 =	simm.s32 @!p0 $0x0  }
0x12: {  	s1 =	sld [smem:$0x3F94];
	s0 =	simm.s32 @p0 $0x1  }
0x13: {  	[smem:$0x3FAF] =	sst s0;
	s0 =	simm.s32 @!p1 $0x0  }
0x14: {  	s2 =	sld [smem:$0x3F93];
	s0 =	simm.s32 @p1 $0x1  }
0x15: {  	[smem:$0x3FB0] =	sst s0;
	s0 =	simm.s32 @!p2 $0x0  }
0x16: {  	s3 =	sld [smem:$0x3FDB];
	s0 =	simm.s32 @p2 $0x1  }
0x17: {  	s4 =	simm.s32 $0x1BF5;
	[smem:$0x3FB2] =	sst s0  }
0x18: {  	s0 =	sld [smem:$0x3F95];
	_ =	swait.ge [sflag:s4], $0x0  }
0x19: {  	s7 =	sld [smem:$0x3F96]  }
0x1a: {  	s8 =	sadd.s32 $0xFFFFE003, lr  }
0x1b: {  	s9 =	sadd.s32 $0xFFFFFEF7, lr;
	s5 =	simm.s32 $0xFFFFFFFF;
	p2 =	slt.u32 s8, $0xFFFFF086  }
0x1c: {  	p1 =	slt.u32 s9, $0xF7A;
	s5 =	simm.s32 @!p2 $0x0  }
0x1d: {  	s5 =	simm.s32 @p1 $0x1;
	p0 =	seq.s32 s7, s2  }
0x1e: {  	s7 =	smul.u32 @!p0 $0xF7A, s2;
	p2 =	seq.s32 @!p0 s5, $0x0  }
0x1f: {  	s9 =	smul.u32 $0xF7A, s1;
	s8 =	simm.s32 @!p0 $0x1BF5;
	p2 =	por !p2, p0  }
0x20: {  	[sflag:s8] =	ssyncset.s32 @!p0 $0xFFFFF086;
	s6 =	sadd.s32 @!p0 s3, s7;
	s7 =	simm.s32 @!p0 $0x108  }
0x21: {  	s3 =	sadd.s32 s3, s9;
	s6 =	sadd.s32 @!p0 $0x88, s6;
	s7 =	simm.s32 @p2 $0x1082  }
0x22: {  	[simem:s7], [sflag:s8] =	dma.local @!p0 [hbm:s6], $0xF7A  }
0x23: {  	s9 =	sor.u32 $0xD0000000, s2;
	s6 =	simm.s32 $0x108;
	_ =	swait.ge @!p0 [sflag:s8], $0x0  }
0x24: {  	s3 =	sadd.s32 $0x88, s3;
	s6 =	simm.s32 @!p1 $0x1082;
	[sflag:s4] =	ssyncset.s32 $0xFFFFF086  }
0x25: {  	[simem:s6], [sflag:s4] =	dma.local [hbm:s3], $0xF7A  }
0x26: {  	[smem:$0x3F96] =	sst s1;
	(tag) =	ssettag s2;
	_ =	strace s9  }
0x27: {  	s1 =	sld [smem:$0x3FA6]  }
0x28: {  	s2 =	sld [smem:$0x3FA7]  }
0x29: {  	s4 =	sld [smem:$0x3FA9]  }
0x2a: {  	p0 =	seq.s32 s5, $0x0;
	s5 =	sld [smem:$0x3FAA]  }
0x2b: {  	s6 =	sld [smem:$0x3FAB]  }
0x2c: {  	s7 =	sld [smem:$0x3FAC]  }
0x2d: {  	s3 =	simm.s32 $0x108;
	s8 =	sld [smem:$0x3FAD]  }
0x2e: {  	s3 =	simm.s32 @!p0 $0x1082;
	s9 =	sld [smem:$0x3FAE]  }
0x2f: {  	lr =	sadd.s32 s0, s3;
	s0 =	sld [smem:$0x3FA5]  }
0x30: {  	s3 =	sld [smem:$0x3FA8]  }
0x31: {  	[smem:$0x3FB1] =	sst s10  }
0x32: {  	s10 =	sld [smem:$0x3FAF];
	_ =	sdelay $0x3  }
0x33: {  	p0 =	seq.s32 s10, $0x1;
	s10 =	sld [smem:$0x3FB1];
	_ =	sdelay $0x3  }
0x34: {  	[smem:$0x3FB1] =	sst s10  }
0x35: {  	s10 =	sld [smem:$0x3FB0];
	_ =	sdelay $0x3  }
0x36: {  	p1 =	seq.s32 s10, $0x1;
	s10 =	sld [smem:$0x3FB1];
	_ =	sdelay $0x3  }
0x37: {  	[smem:$0x3FB1] =	sst s10  }
0x38: {  	s10 =	sld [smem:$0x3FB2]  }
0x39: {  	_ = 	snop;
	(pc) =	sbr.ind lr, $3  }
0x3a: {  	_ = 	snop  }
0x3b: {  	_ = 	snop  }
0x3c: {  	p2 =	seq.s32 s10, $0x1;
	s10 =	sld [smem:$0x3FB1]  }
0x3d: {  	_ =	shalt  }
0x3e: {  	_ =	shalt  }
0x3f: {  	_ =	shalt  }
0x40: {  	_ =	shalt  }
0x41: {  	_ =	shalt  }
0x42: {  	_ =	shalt  }
0x43: {  	_ =	shalt  }
0x44: {  	_ =	shalt  }
0x45: {  	_ =	shalt  }
0x46: {  	_ =	shalt  }
0x47: {  	_ =	shalt  }
0x48: {  	_ =	shalt  }
0x49: {  	_ =	shalt  }
0x4a: {  	_ =	shalt  }
0x4b: {  	_ =	shalt  }
0x4c: {  	_ =	shalt  }
0x4d: {  	_ =	shalt  }
0x4e: {  	_ =	shalt  }
0x4f: {  	_ =	shalt  }
0x50: {  	_ =	shalt  }
0x51: {  	_ =	shalt  }
0x52: {  	_ =	shalt  }
0x53: {  	_ =	shalt  }
0x54: {  	_ =	shalt  }
0x55: {  	_ =	shalt  }
0x56: {  	_ =	shalt  }
0x57: {  	_ =	shalt  }
0x58: {  	_ =	shalt  }
0x59: {  	_ =	shalt  }
0x5a: {  	_ =	shalt  }
0x5b: {  	_ =	shalt  }
0x5c: {  	_ =	shalt  }
0x5d: {  	_ =	shalt  }
0x5e: {  	_ =	shalt  }
0x5f: {  	_ =	shalt  }
0x60: {  	_ =	shalt  }
0x61: {  	_ =	shalt  }
0x62: {  	_ =	shalt  }
0x63: {  	_ =	shalt  }
0x64: {  	_ =	shalt  }
0x65: {  	_ =	shalt  }
0x66: {  	_ =	shalt  }
0x67: {  	_ =	shalt  }
0x68: {  	_ =	shalt  }
0x69: {  	_ =	shalt  }
0x6a: {  	_ =	shalt  }
0x6b: {  	_ =	shalt  }
0x6c: {  	_ =	shalt  }
0x6d: {  	_ =	shalt  }
0x6e: {  	_ =	shalt  }
0x6f: {  	_ =	shalt  }
0x70: {  	_ =	shalt  }
0x71: {  	_ =	shalt  }
0x72: {  	_ =	shalt  }
0x73: {  	_ =	shalt  }
0x74: {  	_ =	shalt  }
0x75: {  	_ =	shalt  }
0x76: {  	_ =	shalt  }
0x77: {  	_ =	shalt  }
0x78: {  	_ =	shalt  }
0x79: {  	_ =	shalt  }
0x7a: {  	_ =	shalt  }
0x7b: {  	_ =	shalt  }
0x7c: {  	_ =	shalt  }
0x7d: {  	_ =	shalt  }
0x7e: {  	_ =	shalt  }
0x7f: {  	_ =	shalt  }
0x80: {  	_ =	shalt  }
0x81: {  	_ =	shalt  }
0x82: {  	_ =	shalt  }
0x83: {  	_ =	shalt  }
0x84: {  	_ =	shalt  }
0x85: {  	_ =	shalt  }
0x86: {  	_ =	shalt  }
0x87: {  	_ =	shalt  }
.Lfunc_end0:
.L_simem_size_0:
called_computation.1_lowered:
.L_overlay_start_0:
0x88: {  	s2 =	sld [smem:$0x3FD9]  }
0x89: {  	s3 =	sld [smem:$0x3FFE];
	_ =	sdelay $0x1  }
0x8a: {  	s1 =	srdreg.scid  }
0x8b: {  	s0 =	sand.u32 $0x1, s1  }
0x8c: {  	s17 =	sshll.u32 s0, $0xA;
	s2 =	sadd.s32 s3, s2  }
0x8d: {  	s2 =	sadd.s32 s2, s17  }
0x8e: {  	[smem:$0x3FBD] =	sst s2  }
0x8f: {  	_ = 	snop  }
0x90: {  	s2 =	sld [smem:$0x3FD0];
	(tm) =	ssettm $0x1  }
0x91: {  	s18 =	sld [smem:$0x3FFB];
	_ =	sdelay $0x3  }
0x92: {  	_ =	strace s18  }
0x93: {  	s3 =	sld [smem:$0x3FFC];
	_ =	sdelay $0x3  }
0x94: {  	_ =	strace s3  }
0x95: {  	s3 =	sld [smem:$0x3FFD];
	_ =	sdelay $0x3  }
0x96: {  	_ =	strace s3  }
0x97: {  	_ =	strace $0x8FFFFFFF  }
0x98: {  	s19 =	sld [smem:$0x3FDB];
	_ =	sdelay $0x1  }
0x99: {  	s4 =	simm.s32 $_scs_section_size  }
0x9a: {  	s5 =	simm.s32 $_size__tile_overlayer_lowered;
	s6 =	simm.s32 $_tile_overlayer_lowered  }
0x9b: {  	s22 =	simm.s32 $0x1BFF;
	s21 =	sshll.u32 s6, $0x1;
	s3 =	sadd.s32 s4, s19  }
0x9c: {  	s7 =	simm.s32 $0x0;
	s20 =	sshll.u32 s5, $0x1;
	s5 =	sadd.s32 s21, s3  }
0x9d: {  	[timem:s7], [sflag:s22] =	dma.local [hbm:s5], s20  }
0x9e: {  	_ =	swait.ge [sflag:s22], s20  }
0x9f: {  	s4 =	ssub.s32 $0x0, s20;
	[sflag:s22] =	ssyncset.done $0x0  }
0xa0: {  	[sflag:s22] =	ssyncadd.s32 s4;
	_ =	sdelay $0x1  }
0xa1: {  	s23 =	simm.s32 $0x1B8B  }
0xa2: {  	_ =	swait.ge [sflag:s23], $0x1  }
0xa3: {  	[sflag:s23] =	ssyncset.done $0x0  }
0xa4: {  	s25 =	simm.s32 $0x1B8E;
	s24 =	sld [smem:$0x3FFE];
	[sflag:s23] =	ssyncadd.s32 $0xFFFFFFFF  }
0xa5: {  	s26 =	simm.s32 $execute0_lowered;
	[smem:$0x3FD2] =	sst s25  }
0xa6: {  	s5 =	sshll.u32 s26, $0x1;
	_ =	strace $0x80000049;
	[dreg:$0x1] =	wrdreg $0xFFFFFFFF  }
0xa7: {  	s28 =	simm.s32 $_size_execute0_lowered;
	s3 =	sadd.s32 s3, s5;
	[dreg:$0x0] =	wrdreg $0x0  }
0xa8: {  	s5 =	sshll.u32 s28, $0x1;
	[dreg:$0x2] =	wrdreg s3  }
0xa9: {  	[dreg:$0x3] =	wrdreg s5  }
0xaa: {  	[dreg:$0x4] =	wrdreg $0xC0  }
0xab: {  	_ =	task [dreg:s7], $0x5FFFF  }
0xac: {  	[dreg:$0x1] =	wrdreg $0xFFFFFFFF  }
0xad: {  	[dreg:$0x0] =	wrdreg $0x60  }
0xae: {  	[dreg:$0x2] =	wrdreg s24  }
0xaf: {  	[dreg:$0x3] =	wrdreg s2  }
0xb0: {  	[dreg:$0x4] =	wrdreg $0xB4000  }
0xb1: {  	[dreg:$0x5] =	wrdreg $0x9  }
0xb2: {  	_ =	task.clear_ibuf [dreg:s7], $0x6FFFF;
	_ =	strace $0x90000049  }
0xb3: {  	s29 =	simm.s32 $0x9;
	_ =	strace $0x8000004B  }
0xb4: {  	_ =	swait.ge [sflag:s29], $0x1  }
0xb5: {  	[sflag:s29] =	ssyncadd.s32 $0xFFFFFFFF  }
0xb6: {  	_ =	strace $0x9000004B  }
0xb7: {  	_ =	sfence  }
0xb8: {  	s30 =	sld [smem:$0x0];
	_ =	sdelay $0x2  }
0xb9: {  	s31 =	sshll.u32 s1, $0xD;
	s1 =	sshrl.u32 s1, $0x2  }
0xba: {  	s3 =	sand.u32 $0x4000, s31;
	s1 =	sadd.s32 s1, s30  }
0xbb: {  	s0 =	sor.u32 s3, s0;
	s1 =	sshll.u32 s1, $0x11  }
0xbc: {  	s0 =	sor.u32 s1, s0  }
0xbd: {  	s0 =	sadd.s32 $0x8F2B, s0  }
0xbe: {  	[sflag:s0] =	ssyncadd.remote.s32 $0x1  }
0xbf: {  	_ =	sfence.sel $0xFFFF  }
0xc0: {  	[dreg:$0x0] =	wrdreg $0xFFFFFFFF;
	(pc) =	sbr.abs _section_cstart, $3  }
0xc1: {  	[dreg:$0x1] =	wrdreg $0xFFFFFFFF  }
0xc2: {  	_ =	task.clear_ibuf [dreg:s7], $0x2FFFF;
	_ =	strace $0x9FFFFFFF  }
0xc3: {  	(tm) =	ssettm $0x7FFFFFFF  }
tec
execute0_lowered:
.L_overlay_start_1:
0x0: {  	(tag) =	ssettag $0x1  }
0x1: {  	s0 =	rddreg [dreg:$0x0]  }
0x2: {  	s1 =	rddreg [dreg:$0x1]  }
0x3: {  	s2 =	rddreg [dreg:$0x2]  }
0x4: {  	s3 =	simm.s32 $0x0;
	s5 =	srdreg.scid;
	s18 =	stileid.u32  }
0x5: {  	[smem:$0x7FF] =	sst s3;
	s4 =	sadd.s32 $0x34E00, s0;
	s5 =	sand.u32 $0x1, s5  }
0x6: {  	s6 =	sadd.s32 $0x2E00, s0;
	s7 =	sadd.s32 $0xCE00, s0;
	s0 =	sadd.s32 $0x5C000, s0  }
0x7: {  	s19 =	sshll.u32 s18, $0xE;
	s11 =	sshll.u32 s18, $0xB;
	s12 =	sshll.u32 s18, $0x7  }
0x8: {  	_ =	strace $0x8000004A;
	s8 =	ssub.s32 $0x2, s5;
	s10 =	sshll.u32 s5, $0x4  }
0x9: {  	s13 =	sadd.s32 s19, s2;
	s11 =	sadd.s32 s7, s11;
	s20 =	sor.u32 $0x800, s12  }
0xa: {  	s14 =	sor.u32 $0x1000, s12;
	s24 =	sor.u32 $0x1800, s12;
	s17 =	smul.u32 $0x140000, s5  }
0xb: {  	s12 =	sor.u32 $0x2000, s12;
	s5 =	smul.u32 $0x27E00, s5;
	[dreg:$0x4] =	wrdreg s13  }
0xc: {  	s9 =	sshrl.u32 s8, $0x1;
	s10 =	sor.u32 s18, s10;
	[dreg:$0x5] =	wrdreg s11  }
0xd: {  	s21 =	sshll.u32 s20, $0x7;
	s11 =	sshll.u32 s20, $0x4;
	s22 =	sshll.u32 s14, $0x7  }
0xe: {  	s14 =	sshll.u32 s14, $0x4;
	s25 =	sshll.u32 s24, $0x7;
	s16 =	sshll.u32 s12, $0x4  }
0xf: {  	s12 =	sshll.u32 s12, $0x7;
	s8 =	ssub.s32 s8, s9;
	s15 =	sadd.s32 s21, s2  }
0x10: {  	s11 =	sadd.s32 s7, s11;
	s23 =	sadd.s32 s22, s2;
	[dreg:$0x6] =	wrdreg s15  }
0x11: {  	s14 =	sadd.s32 s7, s14;
	s26 =	smul.u32 $0x27E0, s10;
	[dreg:$0x7] =	wrdreg s11  }
0x12: {  	s28 =	sor.u32 s19, s17;
	s29 =	sadd.s32 s17, s21;
	[dreg:$0x8] =	wrdreg s23  }
0x13: {  	s19 =	sadd.s32 s25, s2;
	s20 =	sadd.s32 s12, s2;
	[dreg:$0x9] =	wrdreg s14  }
0x14: {  	s15 =	sshll.u32 s24, $0x4;
	s9 =	sshrl.u32 s28, $0x3;
	[dreg:$0x11] =	wrdreg s19  }
0x15: {  	s11 =	sadd.s32 s17, s22;
	[dreg:$0x12] =	wrdreg s20;
	s22 =	smax.u32 s8, $0x1  }
0x16: {  	s10 =	sshrl.u32 s29, $0x3;
	s29 =	sshll.u32 s18, $0x6;
	[dreg:$0x14] =	wrdreg s22  }
0x17: {  	s19 =	simm.s32 $0x4;
	s15 =	sadd.s32 s7, s15;
	[dreg:$0x19] =	wrdreg s29  }
0x18: {  	s14 =	simm.s32 $0x100;
	s7 =	sadd.s32 s7, s16;
	[dreg:$0xa] =	wrdreg s15  }
0x19: {  	s9 =	sadd.s32 s0, s9;
	s10 =	sadd.s32 s0, s10;
	[dreg:$0xb] =	wrdreg s7  }
0x1a: {  	s13 =	sshrl.u32 s11, $0x3;
	s16 =	sadd.s32 s17, s12;
	[dreg:$0xc] =	wrdreg s9  }
0x1b: {  	s11 =	simm.s32 $0x200;
	s12 =	simm.s32 $0xB0;
	[dreg:$0xd] =	wrdreg s10  }
0x1c: {  	s9 =	sadd.s32 s0, s13;
	s15 =	sadd.s32 s17, s25;
	s10 =	sshrl.u32 s16, $0x3  }
0x1d: {  	s17 =	smul.u32 $0x27E0, s18;
	s7 =	sshrl.u32 s26, $0x3;
	s13 =	simm.s32 $0x400  }
0x1e: {  	s16 =	simm.s32 $0x5;
	s18 =	simm.s32 $0x0;
	[dreg:$0xe] =	wrdreg s9  }
0x1f: {  	s9 =	sshrl.u32 s15, $0x3;
	s21 =	sadd.s32 s1, s7;
	s23 =	sadd.s32 s6, s7  }
0x20: {  	s24 =	sadd.s32 $0x4E6, s7;
	s7 =	simm.s32 $0x2;
	[dreg:$0x13] =	wrdreg s21  }
0x21: {  	s15 =	simm.s32 $0x300;
	s9 =	sadd.s32 s0, s9;
	[dreg:$0x15] =	wrdreg s23  }
0x22: {  	s0 =	sadd.s32 s0, s10;
	s26 =	sadd.s32 s1, s24;
	[dreg:$0xf] =	wrdreg s9  }
0x23: {  	s10 =	simm.s32 $0x3;
	[dreg:$0x10] =	wrdreg s0;
	s0 =	sadd.s32 s17, s5  }
0x24: {  	[dreg:$0x16] =	wrdreg s26;
	s5 =	sadd.s32 s6, s24;
	s17 =	simm.s32 $0x5C00  }
0x25: {  	s25 =	sadd.s32 $0xB0, s0;
	[dreg:$0x17] =	wrdreg s5;
	s0 =	sadd.s32 $0x160, s0  }
0x26: {  	s5 =	simm.s32 $0x1;
	s28 =	sshrl.u32 s25, $0x3;
	[dreg:$0x18] =	wrdreg s0  }
0x27: {  	s0 =	sor.u32 $0x1C01, s29;
	s30 =	sadd.s32 s28, s6;
	s31 =	sadd.s32 s28, s1  }
.LBB2_1:
0x28: {  	s8 =	rddreg [dreg:$0x4]  }
0x29: {  	s24 =	rddreg [dreg:$0x5];
	s9 =	sshrl.u32 s8, $0x3  }
0x2a: {  	[dreg:$0x1a] =	wrdreg s9  }
0x2b: {  	[spmem:s9], [sflag:s0] =	dma.local [hbm:s24], $0x800  }
0x2c: {  	s9 =	rddreg [dreg:$0x19]  }
0x2d: {  	s8 =	rddreg [dreg:$0x6]  }
0x2e: {  	s25 =	rddreg [dreg:$0x7];
	s20 =	sor.u32 $0x1C02, s9;
	s21 =	sshrl.u32 s8, $0x3  }
0x2f: {  	[spmem:s21], [sflag:s20] =	dma.local [hbm:s25], $0x800  }
0x30: {  	s8 =	rddreg [dreg:$0x8]  }
0x31: {  	s22 =	sor.u32 $0x1C03, s9;
	s26 =	rddreg [dreg:$0x9];
	s23 =	sshrl.u32 s8, $0x3  }
0x32: {  	[spmem:s23], [sflag:s22] =	dma.local [hbm:s26], $0x800  }
0x33: {  	s8 =	rddreg [dreg:$0x11]  }
0x34: {  	s24 =	sor.u32 $0x1C04, s9;
	s9 =	rddreg [dreg:$0xa];
	s25 =	sshrl.u32 s8, $0x3  }
0x35: {  	[spmem:s25], [sflag:s24] =	dma.local [hbm:s9], $0x800  }
0x36: {  	_ =	swait.ge [sflag:s5], $0x800  }
0x37: {  	[sflag:s5] =	ssyncset.done $0x0;
	s26 =	rddreg [dreg:$0x12]  }
0x38: {  	s9 =	rddreg [dreg:$0xb];
	[sflag:s5] =	ssyncadd.s32 $0xFFFFF800;
	s26 =	sshrl.u32 s26, $0x3  }
0x39: {  	[spmem:s26], [sflag:s0] =	dma.local [hbm:s9], $0x800  }
0x3a: {  	_ =	swait.ge [sflag:s5], $0x800  }
0x3b: {  	[sflag:s5] =	ssyncset.done $0x0  }
0x3c: {  	[sflag:s5] =	ssyncadd.s32 $0xFFFFF800  }
0x3d: {  	_ =	swait.ge [sflag:s7], $0x800  }
0x3e: {  	[sflag:s7] =	ssyncset.done $0x0  }
0x3f: {  	[sflag:s7] =	ssyncadd.s32 $0xFFFFF800  }
0x40: {  	_ =	swait.ge [sflag:s10], $0x800  }
0x41: {  	[sflag:s10] =	ssyncset.done $0x0  }
0x42: {  	[sflag:s10] =	ssyncadd.s32 $0xFFFFF800  }
0x43: {  	_ =	swait.ge [sflag:s19], $0x800  }
0x44: {  	[sflag:s19] =	ssyncset.done $0x0  }
0x45: {  	[sflag:s19] =	ssyncadd.s32 $0xFFFFF800  }
0x46: {  	[bflag:$0x0] =	sbarrier.arrive $0xFFFF  }
0x47: {  	s10 =	simm.s32 $0x6;
	s9 =	rddreg [dreg:$0x13]  }
0x48: {  	[tilespmem:s3], [sflag:$0x6] =	stream.linear.gather [hbm4b:s9+s3], $0xB0, $0x38;
	[tilespmem:$0x1F400] =	vst v63  }
0x49: {  	_ =	swait.ge [sflag:s10], $0xB0  }
0x4a: {  	[sflag:s10] =	ssyncset.done $0x0  }
0x4b: {  	s19 =	rddreg [dreg:$0x15];
	[sflag:s10] =	ssyncadd.s32 $0xFFFFFF50  }
0x4c: {  	[tilespmem:s11], [sflag:$0x6] =	stream.linear.gather [hbm4b:s19+s3], $0xB0, $0x38;
	[tilespmem:$0x1F400] =	vst v63  }
0x4d: {  	_ =	swait.ge [sflag:s10], $0xB0  }
0x4e: {  	[sflag:s10] =	ssyncset.done $0x0  }
0x4f: {  	[sflag:s10] =	ssyncadd.s32 $0xFFFFFF50  }
0x50: {  	[tilespmem:s13], [sflag:$0x1] =	stream.indirect.gather [hbm4b:s4+s12], $0x80, s3, s12, $0xb8;
	[tilespmem:$0x1F400] =	vst v63  }
0x51: {  	s9 =	sadd.s32 $0x0, s31  }
0x52: {  	[tilespmem:s14], [sflag:$0x5] =	stream.linear.gather [hbm4b:s9+s3], $0xB0, $0x38;
	[tilespmem:$0x1F400] =	vst v63  }
0x53: {  	s10 =	sadd.s32 $0x0, s30  }
0x54: {  	[tilespmem:s15], [sflag:$0x5] =	stream.linear.gather [hbm4b:s10+s3], $0xB0, $0x38;
	[tilespmem:$0x1F400] =	vst v63  }
0x55: {  	_ =	swait.ge [sflag:s5], $0x5800  }
0x56: {  	[sflag:s5] =	ssyncset.done $0x0  }
0x57: {  	[sflag:s5] =	ssyncadd.s32 $0xFFFFA800  }
0x58: {  	[spmem:s2] =	stream.indirect.scatter.add.f32 [tilespmem:s13], [sflag:$0x2], $0x80, s11, s12, $0xb8;
	[tilespmem:$0x1F400] =	vst v63  }
0x59: {  	_ =	swait.ge [sflag:s16], $0xB0  }
0x5a: {  	[sflag:s16] =	ssyncset.done $0x0  }
0x5b: {  	[sflag:s16] =	ssyncadd.s32 $0xFFFFFF50  }
0x5c: {  	_ =	swait.ge [sflag:s16], $0xB0  }
0x5d: {  	[sflag:s16] =	ssyncset.done $0x0  }
0x5e: {  	[sflag:s16] =	ssyncadd.s32 $0xFFFFFF50  }
0x5f: {  	[tilespmem:s17], [sflag:$0x1] =	stream.indirect.gather [hbm4b:s4+s12], $0x80, s14, s12, $0xb8;
	[tilespmem:$0x1F400] =	vst v63  }
0x60: {  	_ =	swait.ge [sflag:s7], $0x5800  }
0x61: {  	s10 =	rddreg [dreg:$0x18]  }
0x62: {  	[sflag:s7] =	ssyncset.done $0x0;
	s8 =	sshrl.u32 s10, $0x3  }
0x63: {  	[sflag:s7] =	ssyncadd.s32 $0xFFFFA800;
	s19 =	sadd.s32 s1, s8  }
0x64: {  	[tilespmem:s3], [sflag:$0x5] =	stream.linear.gather [hbm4b:s19+s3], $0xB0, $0x38;
	[tilespmem:$0x1F400] =	vst v63  }
0x65: {  	s8 =	sadd.s32 s6, s8  }
0x66: {  	[tilespmem:s11], [sflag:$0x5] =	stream.linear.gather [hbm4b:s8+s3], $0xB0, $0x38;
	[tilespmem:$0x1F400] =	vst v63  }
0x67: {  	_ =	swait.ge [sflag:s5], $0x5800  }
0x68: {  	[sflag:s5] =	ssyncset.done $0x0  }
0x69: {  	[sflag:s5] =	ssyncadd.s32 $0xFFFFA800  }
0x6a: {  	[spmem:s2] =	stream.indirect.scatter.add.f32 [tilespmem:s17], [sflag:$0x2], $0x80, s15, s12, $0xb8;
	[tilespmem:$0x1F400] =	vst v63  }
0x6b: {  	_ =	swait.ge [sflag:s16], $0xB0  }
0x6c: {  	[sflag:s16] =	ssyncset.done $0x0  }
0x6d: {  	[sflag:s16] =	ssyncadd.s32 $0xFFFFFF50  }
0x6e: {  	_ =	swait.ge [sflag:s16], $0xB0  }
0x6f: {  	[sflag:s16] =	ssyncset.done $0x0  }
0x70: {  	[sflag:s16] =	ssyncadd.s32 $0xFFFFFF50  }
0x71: {  	[tilespmem:s13], [sflag:$0x1] =	stream.indirect.gather [hbm4b:s4+s12], $0x80, s3, s12, $0xb8;
	[tilespmem:$0x1F400] =	vst v63  }
0x72: {  	s29 =	simm.s32 $0x2C;
	_ =	swait.ge [sflag:s7], $0x5800  }
0x73: {  	s28 =	sadd.s32 $0x160, s10;
	s8 =	simm.s32 $0x58;
	[sflag:s7] =	ssyncset.done $0x0  }
.LBB2_2:
0x74: {  	s10 =	sadd.s32 s29, s31  }
0x75: {  	[sflag:s7] =	ssyncadd.s32 $0xFFFFA800;
	s19 =	smov.u32 s8;
	s9 =	sadd.s32 $0x2C, s8  }
0x76: {  	[tilespmem:s14], [sflag:$0x5] =	stream.linear.gather [hbm4b:s10+s3], $0xB0, $0x38;
	[tilespmem:$0x1F400] =	vst v63  }
0x77: {  	p0 =	sne.s32 s8, $0x4A4;
	s8 =	sadd.s32 s29, s30;
	s29 =	smov.u32 s19  }
0x78: {  	[tilespmem:s15], [sflag:$0x5] =	stream.linear.gather [hbm4b:s8+s3], $0xB0, $0x38;
	[tilespmem:$0x1F400] =	vst v63  }
0x79: {  	_ =	swait.ge [sflag:s5], $0x5800  }
0x7a: {  	[sflag:s5] =	ssyncset.done $0x0  }
0x7b: {  	[sflag:s5] =	ssyncadd.s32 $0xFFFFA800  }
0x7c: {  	[spmem:s2] =	stream.indirect.scatter.add.f32 [tilespmem:s13], [sflag:$0x2], $0x80, s11, s12, $0xb8;
	[tilespmem:$0x1F400] =	vst v63  }
0x7d: {  	_ =	swait.ge [sflag:s16], $0xB0  }
0x7e: {  	[sflag:s16] =	ssyncset.done $0x0  }
0x7f: {  	[sflag:s16] =	ssyncadd.s32 $0xFFFFFF50  }
0x80: {  	_ =	swait.ge [sflag:s16], $0xB0  }
0x81: {  	[sflag:s16] =	ssyncset.done $0x0  }
0x82: {  	[sflag:s16] =	ssyncadd.s32 $0xFFFFFF50  }
0x83: {  	[tilespmem:s17], [sflag:$0x1] =	stream.indirect.gather [hbm4b:s4+s12], $0x80, s14, s12, $0xb8;
	[tilespmem:$0x1F400] =	vst v63  }
0x84: {  	_ =	swait.ge [sflag:s7], $0x5800  }
0x85: {  	s8 =	sshrl.u32 s28, $0x3;
	[sflag:s7] =	ssyncset.done $0x0  }
0x86: {  	s10 =	sadd.s32 s1, s8;
	[sflag:s7] =	ssyncadd.s32 $0xFFFFA800  }
0x87: {  	[tilespmem:s3], [sflag:$0x5] =	stream.linear.gather [hbm4b:s10+s3], $0xB0, $0x38;
	[tilespmem:$0x1F400] =	vst v63  }
0x88: {  	s8 =	sadd.s32 s6, s8  }
0x89: {  	[tilespmem:s11], [sflag:$0x5] =	stream.linear.gather [hbm4b:s8+s3], $0xB0, $0x38;
	[tilespmem:$0x1F400] =	vst v63  }
0x8a: {  	_ =	swait.ge [sflag:s5], $0x5800  }
0x8b: {  	[sflag:s5] =	ssyncset.done $0x0  }
0x8c: {  	[sflag:s5] =	ssyncadd.s32 $0xFFFFA800  }
0x8d: {  	[spmem:s2] =	stream.indirect.scatter.add.f32 [tilespmem:s17], [sflag:$0x2], $0x80, s15, s12, $0xb8;
	[tilespmem:$0x1F400] =	vst v63  }
0x8e: {  	_ =	swait.ge [sflag:s16], $0xB0  }
0x8f: {  	[sflag:s16] =	ssyncset.done $0x0  }
0x90: {  	[sflag:s16] =	ssyncadd.s32 $0xFFFFFF50  }
0x91: {  	_ =	swait.ge [sflag:s16], $0xB0  }
.Ltmp0:
0x92: {  	[sflag:s16] =	ssyncset.done $0x0;
	(pc) =	sbr.rel @p0 .LBB2_2-.Ltmp0, $4  }
0x93: {  	[sflag:s16] =	ssyncadd.s32 $0xFFFFFF50  }
0x94: {  	[tilespmem:s13], [sflag:$0x1] =	stream.indirect.gather [hbm4b:s4+s12], $0x80, s3, s12, $0xb8;
	[tilespmem:$0x1F400] =	vst v63  }
0x95: {  	_ =	swait.ge [sflag:s7], $0x5800  }
0x96: {  	s28 =	sadd.s32 $0x160, s28;
	s8 =	smov.u32 s9;
	[sflag:s7] =	ssyncset.done $0x0  }
0x97: {  	s8 =	sadd.s32 s29, s31;
	[sflag:s7] =	ssyncadd.s32 $0xFFFFA800  }
0x98: {  	[tilespmem:s14], [sflag:$0x5] =	stream.linear.gather [hbm4b:s8+s3], $0xB0, $0x38;
	[tilespmem:$0x1F400] =	vst v63  }
0x99: {  	s19 =	sadd.s32 s29, s30  }
0x9a: {  	[tilespmem:s15], [sflag:$0x5] =	stream.linear.gather [hbm4b:s19+s3], $0xB0, $0x38;
	[tilespmem:$0x1F400] =	vst v63  }
0x9b: {  	_ =	swait.ge [sflag:s5], $0x5800  }
0x9c: {  	[sflag:s5] =	ssyncset.done $0x0  }
0x9d: {  	[sflag:s5] =	ssyncadd.s32 $0xFFFFA800  }
0x9e: {  	[spmem:s2] =	stream.indirect.scatter.add.f32 [tilespmem:s13], [sflag:$0x2], $0x80, s11, s12, $0xb8;
	[tilespmem:$0x1F400] =	vst v63  }
0x9f: {  	_ =	swait.ge [sflag:s16], $0xB0  }
0xa0: {  	[sflag:s16] =	ssyncset.done $0x0  }
0xa1: {  	[sflag:s16] =	ssyncadd.s32 $0xFFFFFF50  }
0xa2: {  	_ =	swait.ge [sflag:s16], $0xB0  }
0xa3: {  	[sflag:s16] =	ssyncset.done $0x0  }
0xa4: {  	[sflag:s16] =	ssyncadd.s32 $0xFFFFFF50  }
0xa5: {  	[tilespmem:s17], [sflag:$0x1] =	stream.indirect.gather [hbm4b:s4+s12], $0x80, s14, s12, $0xb8;
	[tilespmem:$0x1F400] =	vst v63  }
0xa6: {  	_ =	swait.ge [sflag:s7], $0x5800  }
0xa7: {  	s28 =	sshrl.u32 s28, $0x3;
	[sflag:s7] =	ssyncset.done $0x0  }
0xa8: {  	s9 =	sadd.s32 s1, s28;
	[sflag:s7] =	ssyncadd.s32 $0xFFFFA800  }
0xa9: {  	[tilespmem:s3], [sflag:$0x5] =	stream.linear.gather [hbm4b:s9+s3], $0xB0, $0x38;
	[tilespmem:$0x1F400] =	vst v63  }
0xaa: {  	s8 =	sadd.s32 s6, s28  }
0xab: {  	[tilespmem:s11], [sflag:$0x5] =	stream.linear.gather [hbm4b:s8+s3], $0xB0, $0x38;
	[tilespmem:$0x1F400] =	vst v63  }
0xac: {  	_ =	swait.ge [sflag:s5], $0x5800  }
0xad: {  	[sflag:s5] =	ssyncset.done $0x0  }
0xae: {  	[sflag:s5] =	ssyncadd.s32 $0xFFFFA800  }
0xaf: {  	[spmem:s2] =	stream.indirect.scatter.add.f32 [tilespmem:s17], [sflag:$0x2], $0x80, s15, s12, $0xb8;
	[tilespmem:$0x1F400] =	vst v63  }
0xb0: {  	_ =	swait.ge [sflag:s16], $0xB0  }
0xb1: {  	[sflag:s16] =	ssyncset.done $0x0  }
0xb2: {  	[sflag:s16] =	ssyncadd.s32 $0xFFFFFF50  }
0xb3: {  	_ =	swait.ge [sflag:s16], $0xB0  }
0xb4: {  	[sflag:s16] =	ssyncset.done $0x0  }
0xb5: {  	[sflag:s16] =	ssyncadd.s32 $0xFFFFFF50  }
0xb6: {  	[tilespmem:s13], [sflag:$0x1] =	stream.indirect.gather [hbm4b:s4+s12], $0x80, s3, s12, $0xb8;
	[tilespmem:$0x1F400] =	vst v63  }
0xb7: {  	_ =	swait.ge [sflag:s7], $0x5800  }
0xb8: {  	[sflag:s7] =	ssyncset.done $0x0  }
0xb9: {  	s29 =	rddreg [dreg:$0x16];
	[sflag:s7] =	ssyncadd.s32 $0xFFFFA800  }
0xba: {  	[tilespmem:s14], [sflag:$0x5] =	stream.linear.gather [hbm4b:s29+s3], $0xB0, $0x38;
	[tilespmem:$0x1F400] =	vst v63  }
0xbb: {  	s9 =	rddreg [dreg:$0x17]  }
0xbc: {  	[tilespmem:s15], [sflag:$0x5] =	stream.linear.gather [hbm4b:s9+s3], $0xB0, $0x38;
	[tilespmem:$0x1F400] =	vst v63  }
0xbd: {  	_ =	swait.ge [sflag:s5], $0x5800  }
0xbe: {  	[sflag:s5] =	ssyncset.done $0x0  }
0xbf: {  	[sflag:s5] =	ssyncadd.s32 $0xFFFFA800  }
0xc0: {  	[spmem:s2] =	stream.indirect.scatter.add.f32 [tilespmem:s13], [sflag:$0x2], $0x80, s11, s12, $0xb8;
	[tilespmem:$0x1F400] =	vst v63  }
0xc1: {  	_ =	swait.ge [sflag:s16], $0xB0  }
0xc2: {  	[sflag:s16] =	ssyncset.done $0x0  }
0xc3: {  	[sflag:s16] =	ssyncadd.s32 $0xFFFFFF50  }
0xc4: {  	_ =	swait.ge [sflag:s16], $0xB0  }
0xc5: {  	[sflag:s16] =	ssyncset.done $0x0  }
0xc6: {  	[sflag:s16] =	ssyncadd.s32 $0xFFFFFF50  }
0xc7: {  	[tilespmem:s17], [sflag:$0x1] =	stream.indirect.gather [hbm4b:s4+s12], $0x80, s14, s12, $0xb8;
	[tilespmem:$0x1F400] =	vst v63  }
0xc8: {  	_ =	swait.ge [sflag:s7], $0x5800  }
0xc9: {  	[sflag:s7] =	ssyncset.done $0x0  }
0xca: {  	[sflag:s7] =	ssyncadd.s32 $0xFFFFA800  }
0xcb: {  	_ =	swait.ge [sflag:s5], $0x5800  }
0xcc: {  	[sflag:s5] =	ssyncset.done $0x0  }
0xcd: {  	[sflag:s5] =	ssyncadd.s32 $0xFFFFA800  }
0xce: {  	[spmem:s2] =	stream.indirect.scatter.add.f32 [tilespmem:s17], [sflag:$0x2], $0x80, s15, s12, $0xb8;
	[tilespmem:$0x1F400] =	vst v63  }
0xcf: {  	_ =	swait.ge [sflag:s7], $0x5800  }
0xd0: {  	[sflag:s7] =	ssyncset.done $0x0  }
0xd1: {  	[sflag:s7] =	ssyncadd.s32 $0xFFFFA800  }
0xd2: {  	[bflag:$0x0] =	sbarrier.arrive $0xFFFF  }
0xd3: {  	s10 =	rddreg [dreg:$0xc]  }
0xd4: {  	s19 =	rddreg [dreg:$0x1a]  }
0xd5: {  	[hbm:s10], [sflag:s0] =	dma.local [spmem:s19], $0x800  }
0xd6: {  	s8 =	rddreg [dreg:$0xd]  }
0xd7: {  	[hbm:s8], [sflag:s20] =	dma.local [spmem:s21], $0x800  }
0xd8: {  	s8 =	rddreg [dreg:$0xe]  }
0xd9: {  	[hbm:s8], [sflag:s22] =	dma.local [spmem:s23], $0x800  }
0xda: {  	s8 =	rddreg [dreg:$0xf]  }
0xdb: {  	[hbm:s8], [sflag:s24] =	dma.local [spmem:s25], $0x800  }
0xdc: {  	_ =	swait.ge [sflag:s5], $0x800  }
0xdd: {  	[sflag:s5] =	ssyncset.done $0x0  }
0xde: {  	s28 =	rddreg [dreg:$0x10];
	[sflag:s5] =	ssyncadd.s32 $0xFFFFF800  }
0xdf: {  	[hbm:s28], [sflag:s0] =	dma.local [spmem:s26], $0x800  }
0xe0: {  	_ =	swait.ge [sflag:s5], $0x800  }
0xe1: {  	[sflag:s5] =	ssyncset.done $0x0  }
0xe2: {  	[sflag:s5] =	ssyncadd.s32 $0xFFFFF800  }
0xe3: {  	_ =	swait.ge [sflag:s7], $0x800  }
0xe4: {  	[sflag:s7] =	ssyncset.done $0x0  }
0xe5: {  	s10 =	simm.s32 $0x3;
	[sflag:s7] =	ssyncadd.s32 $0xFFFFF800  }
0xe6: {  	_ =	swait.ge [sflag:s10], $0x800  }
0xe7: {  	[sflag:s10] =	ssyncset.done $0x0  }
0xe8: {  	s19 =	simm.s32 $0x4;
	[sflag:s10] =	ssyncadd.s32 $0xFFFFF800  }
0xe9: {  	_ =	swait.ge [sflag:s19], $0x800  }
0xea: {  	s18 =	sadd.s32 $0x1, s18;
	s29 =	rddreg [dreg:$0x14]  }
0xeb: {  	p0 =	sne.s32 s18, s29  }
.Ltmp1:
0xec: {  	_ = 	snop;
	(pc) =	sbr.rel @p0 .LBB2_1-.Ltmp1, $3  }
0xed: {  	_ =	sdelay $0x1  }
0xee: {  	[sflag:s19] =	ssyncset.done $0x0  }
0xef: {  	[sflag:s19] =	ssyncadd.s32 $0xFFFFF800  }
0xf0: {  	_ =	sfence.sel $0x180000  }
0xf1: {  	[bflag:$0x0] =	sbarrier.arrive $0xFFFF  }
0xf2: {  	_ =	strace $0x9000004A  }
0xf3: {  	s0 =	stileid.u32;
	[bflag:$0x2] =	sbarrier.arrive $0xFFFF  }
0xf4: {  	p0 =	sne.s32 s0, $0x0;
	s0 =	rddreg [dreg:$0x3]  }
0xf5: {  	s0 =	sadd.s32 @!p0 $0x100000, s0  }
0xf6: {  	[sflag:s0] =	ssyncadd.tile.s32 @!p0 $0x1;
	_ =	shalt  }
.Lfunc_end2:
_tile_overlayer_lowered:
.L_overlay_start_2:
0xf7: {  	(tag) =	ssettag $0x2  }
0xf8: {  	s0 =	rddreg [dreg:$0x0];
	s2 =	stileid.u32  }
0xf9: {  	s1 =	rddreg [dreg:$0x1];
	p0 =	sne.s32 s2, $0x0  }
0xfa: {  	s3 =	rddreg [dreg:$0x2];
	[bflag:$0x3] =	sbarrier.arrive $0xFFFF;
	s2 =	simm.s32 @!p0 $0x1C06  }
0xfb: {  	[timem:s3], [sflag:s2] =	dma.local @!p0 [hbm:s0], s1  }
0xfc: {  	s0 =	simm.s32 @!p0 $0x6  }
0xfd: {  	_ =	swait.ge @!p0 [sflag:s0], s1  }
0xfe: {  	s1 =	ssub.s32 @!p0 $0x0, s1;
	[sflag:s0] =	ssyncset.done @!p0 $0x0  }
0xff: {  	[sflag:s0] =	ssyncadd.s32 @!p0 s1  }
0x100: {  	[bflag:$0x3] =	sbarrier.arrive $0xFFFF  }
0x101: {  	_ =	shalt  }

// kernel: kernel.14.cloned.1.call-start
scs
__scs_entry_jumppad:
0x0: {  	(pc) =	sbr.rel $0x88, $3  }
0x1: {  	(tag) =	ssettag $0x0;
	lr =	simm.s32 $0x1  }
0x2: {  	[smem:$0x3F96] =	sst lr;
	_ =	strace $0xD0000000  }
0x3: {  	_ = 	snop  }
0x4: {  	_ = 	snop  }
0x5: {  	_ = 	snop  }
0x6: {  	_ = 	snop  }
0x7: {  	_ = 	snop  }
__scs_overlays_trampoline_lowered:
0x8: {  	[smem:$0x3FA5] =	sst s0  }
0x9: {  	[smem:$0x3FA6] =	sst s1  }
0xa: {  	[smem:$0x3FA7] =	sst s2  }
0xb: {  	[smem:$0x3FA8] =	sst s3  }
0xc: {  	[smem:$0x3FA9] =	sst s4  }
0xd: {  	[smem:$0x3FAA] =	sst s5  }
0xe: {  	[smem:$0x3FAB] =	sst s6  }
0xf: {  	[smem:$0x3FAC] =	sst s7  }
0x10: {  	[smem:$0x3FAD] =	sst s8  }
0x11: {  	[smem:$0x3FAE] =	sst s9;
	s0 =	simm.s32 @!p0 $0x0  }
0x12: {  	s1 =	sld [smem:$0x3F94];
	s0 =	simm.s32 @p0 $0x1  }
0x13: {  	[smem:$0x3FAF] =	sst s0;
	s0 =	simm.s32 @!p1 $0x0  }
0x14: {  	s2 =	sld [smem:$0x3F93];
	s0 =	simm.s32 @p1 $0x1  }
0x15: {  	[smem:$0x3FB0] =	sst s0;
	s0 =	simm.s32 @!p2 $0x0  }
0x16: {  	s3 =	sld [smem:$0x3FDB];
	s0 =	simm.s32 @p2 $0x1  }
0x17: {  	s4 =	simm.s32 $0x1BF5;
	[smem:$0x3FB2] =	sst s0  }
0x18: {  	s0 =	sld [smem:$0x3F95];
	_ =	swait.ge [sflag:s4], $0x0  }
0x19: {  	s7 =	sld [smem:$0x3F96]  }
0x1a: {  	s8 =	sadd.s32 $0xFFFFE003, lr  }
0x1b: {  	s9 =	sadd.s32 $0xFFFFFEF7, lr;
	s5 =	simm.s32 $0xFFFFFFFF;
	p2 =	slt.u32 s8, $0xFFFFF086  }
0x1c: {  	p1 =	slt.u32 s9, $0xF7A;
	s5 =	simm.s32 @!p2 $0x0  }
0x1d: {  	s5 =	simm.s32 @p1 $0x1;
	p0 =	seq.s32 s7, s2  }
0x1e: {  	s7 =	smul.u32 @!p0 $0xF7A, s2;
	p2 =	seq.s32 @!p0 s5, $0x0  }
0x1f: {  	s9 =	smul.u32 $0xF7A, s1;
	s8 =	simm.s32 @!p0 $0x1BF5;
	p2 =	por !p2, p0  }
0x20: {  	[sflag:s8] =	ssyncset.s32 @!p0 $0xFFFFF086;
	s6 =	sadd.s32 @!p0 s3, s7;
	s7 =	simm.s32 @!p0 $0x108  }
0x21: {  	s3 =	sadd.s32 s3, s9;
	s6 =	sadd.s32 @!p0 $0x88, s6;
	s7 =	simm.s32 @p2 $0x1082  }
0x22: {  	[simem:s7], [sflag:s8] =	dma.local @!p0 [hbm:s6], $0xF7A  }
0x23: {  	s9 =	sor.u32 $0xD0000000, s2;
	s6 =	simm.s32 $0x108;
	_ =	swait.ge @!p0 [sflag:s8], $0x0  }
0x24: {  	s3 =	sadd.s32 $0x88, s3;
	s6 =	simm.s32 @!p1 $0x1082;
	[sflag:s4] =	ssyncset.s32 $0xFFFFF086  }
0x25: {  	[simem:s6], [sflag:s4] =	dma.local [hbm:s3], $0xF7A  }
0x26: {  	[smem:$0x3F96] =	sst s1;
	(tag) =	ssettag s2;
	_ =	strace s9  }
0x27: {  	s1 =	sld [smem:$0x3FA6]  }
0x28: {  	s2 =	sld [smem:$0x3FA7]  }
0x29: {  	s4 =	sld [smem:$0x3FA9]  }
0x2a: {  	p0 =	seq.s32 s5, $0x0;
	s5 =	sld [smem:$0x3FAA]  }
0x2b: {  	s6 =	sld [smem:$0x3FAB]  }
0x2c: {  	s7 =	sld [smem:$0x3FAC]  }
0x2d: {  	s3 =	simm.s32 $0x108;
	s8 =	sld [smem:$0x3FAD]  }
0x2e: {  	s3 =	simm.s32 @!p0 $0x1082;
	s9 =	sld [smem:$0x3FAE]  }
0x2f: {  	lr =	sadd.s32 s0, s3;
	s0 =	sld [smem:$0x3FA5]  }
0x30: {  	s3 =	sld [smem:$0x3FA8]  }
0x31: {  	[smem:$0x3FB1] =	sst s10  }
0x32: {  	s10 =	sld [smem:$0x3FAF];
	_ =	sdelay $0x3  }
0x33: {  	p0 =	seq.s32 s10, $0x1;
	s10 =	sld [smem:$0x3FB1];
	_ =	sdelay $0x3  }
0x34: {  	[smem:$0x3FB1] =	sst s10  }
0x35: {  	s10 =	sld [smem:$0x3FB0];
	_ =	sdelay $0x3  }
0x36: {  	p1 =	seq.s32 s10, $0x1;
	s10 =	sld [smem:$0x3FB1];
	_ =	sdelay $0x3  }
0x37: {  	[smem:$0x3FB1] =	sst s10  }
0x38: {  	s10 =	sld [smem:$0x3FB2]  }
0x39: {  	_ = 	snop;
	(pc) =	sbr.ind lr, $3  }
0x3a: {  	_ = 	snop  }
0x3b: {  	_ = 	snop  }
0x3c: {  	p2 =	seq.s32 s10, $0x1;
	s10 =	sld [smem:$0x3FB1]  }
0x3d: {  	_ =	shalt  }
0x3e: {  	_ =	shalt  }
0x3f: {  	_ =	shalt  }
0x40: {  	_ =	shalt  }
0x41: {  	_ =	shalt  }
0x42: {  	_ =	shalt  }
0x43: {  	_ =	shalt  }
0x44: {  	_ =	shalt  }
0x45: {  	_ =	shalt  }
0x46: {  	_ =	shalt  }
0x47: {  	_ =	shalt  }
0x48: {  	_ =	shalt  }
0x49: {  	_ =	shalt  }
0x4a: {  	_ =	shalt  }
0x4b: {  	_ =	shalt  }
0x4c: {  	_ =	shalt  }
0x4d: {  	_ =	shalt  }
0x4e: {  	_ =	shalt  }
0x4f: {  	_ =	shalt  }
0x50: {  	_ =	shalt  }
0x51: {  	_ =	shalt  }
0x52: {  	_ =	shalt  }
0x53: {  	_ =	shalt  }
0x54: {  	_ =	shalt  }
0x55: {  	_ =	shalt  }
0x56: {  	_ =	shalt  }
0x57: {  	_ =	shalt  }
0x58: {  	_ =	shalt  }
0x59: {  	_ =	shalt  }
0x5a: {  	_ =	shalt  }
0x5b: {  	_ =	shalt  }
0x5c: {  	_ =	shalt  }
0x5d: {  	_ =	shalt  }
0x5e: {  	_ =	shalt  }
0x5f: {  	_ =	shalt  }
0x60: {  	_ =	shalt  }
0x61: {  	_ =	shalt  }
0x62: {  	_ =	shalt  }
0x63: {  	_ =	shalt  }
0x64: {  	_ =	shalt  }
0x65: {  	_ =	shalt  }
0x66: {  	_ =	shalt  }
0x67: {  	_ =	shalt  }
0x68: {  	_ =	shalt  }
0x69: {  	_ =	shalt  }
0x6a: {  	_ =	shalt  }
0x6b: {  	_ =	shalt  }
0x6c: {  	_ =	shalt  }
0x6d: {  	_ =	shalt  }
0x6e: {  	_ =	shalt  }
0x6f: {  	_ =	shalt  }
0x70: {  	_ =	shalt  }
0x71: {  	_ =	shalt  }
0x72: {  	_ =	shalt  }
0x73: {  	_ =	shalt  }
0x74: {  	_ =	shalt  }
0x75: {  	_ =	shalt  }
0x76: {  	_ =	shalt  }
0x77: {  	_ =	shalt  }
0x78: {  	_ =	shalt  }
0x79: {  	_ =	shalt  }
0x7a: {  	_ =	shalt  }
0x7b: {  	_ =	shalt  }
0x7c: {  	_ =	shalt  }
0x7d: {  	_ =	shalt  }
0x7e: {  	_ =	shalt  }
0x7f: {  	_ =	shalt  }
0x80: {  	_ =	shalt  }
0x81: {  	_ =	shalt  }
0x82: {  	_ =	shalt  }
0x83: {  	_ =	shalt  }
0x84: {  	_ =	shalt  }
0x85: {  	_ =	shalt  }
0x86: {  	_ =	shalt  }
0x87: {  	_ =	shalt  }
.Lfunc_end0:
.L_simem_size_0:
called_computation.2_lowered:
.L_overlay_start_0:
0x88: {  	s2 =	sld [smem:$0x3FD9]  }
0x89: {  	s3 =	sld [smem:$0x3FFE];
	_ =	sdelay $0x1  }
0x8a: {  	s1 =	srdreg.scid  }
0x8b: {  	s0 =	sand.u32 $0x1, s1  }
0x8c: {  	s17 =	sshll.u32 s0, $0xA;
	s2 =	sadd.s32 s3, s2  }
0x8d: {  	s2 =	sadd.s32 s2, s17  }
0x8e: {  	[smem:$0x3FBD] =	sst s2  }
0x8f: {  	_ = 	snop  }
0x90: {  	s2 =	sld [smem:$0x3FD0];
	(tm) =	ssettm $0x1  }
0x91: {  	s18 =	sld [smem:$0x3FFB];
	_ =	sdelay $0x3  }
0x92: {  	_ =	strace s18  }
0x93: {  	s3 =	sld [smem:$0x3FFC];
	_ =	sdelay $0x3  }
0x94: {  	_ =	strace s3  }
0x95: {  	s3 =	sld [smem:$0x3FFD];
	_ =	sdelay $0x3  }
0x96: {  	_ =	strace s3  }
0x97: {  	_ =	strace $0x8FFFFFFF  }
0x98: {  	s19 =	sld [smem:$0x3FDB];
	_ =	sdelay $0x1  }
0x99: {  	s4 =	simm.s32 $_scs_section_size  }
0x9a: {  	s5 =	simm.s32 $_size__tile_overlayer_lowered;
	s6 =	simm.s32 $_tile_overlayer_lowered  }
0x9b: {  	s22 =	simm.s32 $0x1BFF;
	s21 =	sshll.u32 s6, $0x1;
	s3 =	sadd.s32 s4, s19  }
0x9c: {  	s7 =	simm.s32 $0x0;
	s20 =	sshll.u32 s5, $0x1;
	s5 =	sadd.s32 s21, s3  }
0x9d: {  	[timem:s7], [sflag:s22] =	dma.local [hbm:s5], s20  }
0x9e: {  	_ =	swait.ge [sflag:s22], s20  }
0x9f: {  	s4 =	ssub.s32 $0x0, s20;
	[sflag:s22] =	ssyncset.done $0x0  }
0xa0: {  	[sflag:s22] =	ssyncadd.s32 s4;
	_ =	sdelay $0x1  }
0xa1: {  	s23 =	simm.s32 $0x1B8B  }
0xa2: {  	_ =	swait.ge [sflag:s23], $0x1  }
0xa3: {  	[sflag:s23] =	ssyncset.done $0x0  }
0xa4: {  	s25 =	simm.s32 $0x1B8E;
	s24 =	sld [smem:$0x3FFE];
	[sflag:s23] =	ssyncadd.s32 $0xFFFFFFFF  }
0xa5: {  	s26 =	simm.s32 $execute0_lowered;
	[smem:$0x3FD2] =	sst s25  }
0xa6: {  	s5 =	sshll.u32 s26, $0x1;
	_ =	strace $0x8000004C;
	[dreg:$0x1] =	wrdreg $0xFFFFFFFF  }
0xa7: {  	s28 =	simm.s32 $_size_execute0_lowered;
	s3 =	sadd.s32 s3, s5;
	[dreg:$0x0] =	wrdreg $0x0  }
0xa8: {  	s5 =	sshll.u32 s28, $0x1;
	[dreg:$0x2] =	wrdreg s3  }
0xa9: {  	[dreg:$0x3] =	wrdreg s5  }
0xaa: {  	[dreg:$0x4] =	wrdreg $0xC0  }
0xab: {  	_ =	task [dreg:s7], $0x5FFFF  }
0xac: {  	[dreg:$0x1] =	wrdreg $0xFFFFFFFF  }
0xad: {  	[dreg:$0x0] =	wrdreg $0x60  }
0xae: {  	[dreg:$0x2] =	wrdreg s24  }
0xaf: {  	[dreg:$0x3] =	wrdreg s2  }
0xb0: {  	[dreg:$0x4] =	wrdreg $0xB4000  }
0xb1: {  	[dreg:$0x5] =	wrdreg $0x9  }
0xb2: {  	_ =	task.clear_ibuf [dreg:s7], $0x6FFFF;
	_ =	strace $0x9000004C  }
0xb3: {  	s29 =	simm.s32 $0x9;
	_ =	strace $0x8000004E  }
0xb4: {  	_ =	swait.ge [sflag:s29], $0x1  }
0xb5: {  	[sflag:s29] =	ssyncadd.s32 $0xFFFFFFFF  }
0xb6: {  	_ =	strace $0x9000004E  }
0xb7: {  	_ =	sfence  }
0xb8: {  	s30 =	sld [smem:$0x0];
	_ =	sdelay $0x2  }
0xb9: {  	s31 =	sshll.u32 s1, $0xD;
	s1 =	sshrl.u32 s1, $0x2  }
0xba: {  	s3 =	sand.u32 $0x4000, s31;
	s1 =	sadd.s32 s1, s30  }
0xbb: {  	s0 =	sor.u32 s3, s0;
	s1 =	sshll.u32 s1, $0x11  }
0xbc: {  	s0 =	sor.u32 s1, s0  }
0xbd: {  	s0 =	sadd.s32 $0x8F2B, s0  }
0xbe: {  	[sflag:s0] =	ssyncadd.remote.s32 $0x1  }
0xbf: {  	_ =	sfence.sel $0xFFFF  }
0xc0: {  	[dreg:$0x0] =	wrdreg $0xFFFFFFFF;
	(pc) =	sbr.abs _section_cstart, $3  }
0xc1: {  	[dreg:$0x1] =	wrdreg $0xFFFFFFFF  }
0xc2: {  	_ =	task.clear_ibuf [dreg:s7], $0x2FFFF;
	_ =	strace $0x9FFFFFFF  }
0xc3: {  	(tm) =	ssettm $0x7FFFFFFF  }
tec
execute0_lowered:
.L_overlay_start_1:
0x0: {  	(tag) =	ssettag $0x1  }
0x1: {  	s0 =	rddreg [dreg:$0x0]  }
0x2: {  	s1 =	rddreg [dreg:$0x1]  }
0x3: {  	s2 =	rddreg [dreg:$0x2]  }
0x4: {  	s3 =	simm.s32 $0x0;
	s5 =	srdreg.scid;
	s18 =	stileid.u32  }
0x5: {  	[smem:$0x7FF] =	sst s3;
	s4 =	sadd.s32 $0x34E00, s0;
	s5 =	sand.u32 $0x1, s5  }
0x6: {  	s6 =	sadd.s32 $0x2E00, s0;
	s7 =	sadd.s32 $0xCE00, s0;
	s0 =	sadd.s32 $0x5C000, s0  }
0x7: {  	s19 =	sshll.u32 s18, $0xE;
	s11 =	sshll.u32 s18, $0xB;
	s12 =	sshll.u32 s18, $0x7  }
0x8: {  	_ =	strace $0x8000004D;
	s8 =	ssub.s32 $0x2, s5;
	s10 =	sshll.u32 s5, $0x4  }
0x9: {  	s13 =	sadd.s32 s19, s2;
	s11 =	sadd.s32 s7, s11;
	s20 =	sor.u32 $0x800, s12  }
0xa: {  	s14 =	sor.u32 $0x1000, s12;
	s24 =	sor.u32 $0x1800, s12;
	s17 =	smul.u32 $0x140000, s5  }
0xb: {  	s12 =	sor.u32 $0x2000, s12;
	s5 =	smul.u32 $0x27E00, s5;
	[dreg:$0x4] =	wrdreg s13  }
0xc: {  	s9 =	sshrl.u32 s8, $0x1;
	s10 =	sor.u32 s18, s10;
	[dreg:$0x5] =	wrdreg s11  }
0xd: {  	s21 =	sshll.u32 s20, $0x7;
	s11 =	sshll.u32 s20, $0x4;
	s22 =	sshll.u32 s14, $0x7  }
0xe: {  	s14 =	sshll.u32 s14, $0x4;
	s25 =	sshll.u32 s24, $0x7;
	s16 =	sshll.u32 s12, $0x4  }
0xf: {  	s12 =	sshll.u32 s12, $0x7;
	s8 =	ssub.s32 s8, s9;
	s15 =	sadd.s32 s21, s2  }
0x10: {  	s11 =	sadd.s32 s7, s11;
	s23 =	sadd.s32 s22, s2;
	[dreg:$0x6] =	wrdreg s15  }
0x11: {  	s14 =	sadd.s32 s7, s14;
	s26 =	smul.u32 $0x27E0, s10;
	[dreg:$0x7] =	wrdreg s11  }
0x12: {  	s28 =	sor.u32 s19, s17;
	s29 =	sadd.s32 s17, s21;
	[dreg:$0x8] =	wrdreg s23  }
0x13: {  	s19 =	sadd.s32 s25, s2;
	s20 =	sadd.s32 s12, s2;
	[dreg:$0x9] =	wrdreg s14  }
0x14: {  	s15 =	sshll.u32 s24, $0x4;
	s9 =	sshrl.u32 s28, $0x3;
	[dreg:$0x11] =	wrdreg s19  }
0x15: {  	s11 =	sadd.s32 s17, s22;
	[dreg:$0x12] =	wrdreg s20;
	s22 =	smax.u32 s8, $0x1  }
0x16: {  	s10 =	sshrl.u32 s29, $0x3;
	s29 =	sshll.u32 s18, $0x6;
	[dreg:$0x14] =	wrdreg s22  }
0x17: {  	s19 =	simm.s32 $0x4;
	s15 =	sadd.s32 s7, s15;
	[dreg:$0x19] =	wrdreg s29  }
0x18: {  	s14 =	simm.s32 $0x100;
	s7 =	sadd.s32 s7, s16;
	[dreg:$0xa] =	wrdreg s15  }
0x19: {  	s9 =	sadd.s32 s0, s9;
	s10 =	sadd.s32 s0, s10;
	[dreg:$0xb] =	wrdreg s7  }
0x1a: {  	s13 =	sshrl.u32 s11, $0x3;
	s16 =	sadd.s32 s17, s12;
	[dreg:$0xc] =	wrdreg s9  }
0x1b: {  	s11 =	simm.s32 $0x200;
	s12 =	simm.s32 $0xB0;
	[dreg:$0xd] =	wrdreg s10  }
0x1c: {  	s9 =	sadd.s32 s0, s13;
	s15 =	sadd.s32 s17, s25;
	s10 =	sshrl.u32 s16, $0x3  }
0x1d: {  	s17 =	smul.u32 $0x27E0, s18;
	s7 =	sshrl.u32 s26, $0x3;
	s13 =	simm.s32 $0x400  }
0x1e: {  	s16 =	simm.s32 $0x5;
	s18 =	simm.s32 $0x0;
	[dreg:$0xe] =	wrdreg s9  }
0x1f: {  	s9 =	sshrl.u32 s15, $0x3;
	s21 =	sadd.s32 s1, s7;
	s23 =	sadd.s32 s6, s7  }
0x20: {  	s24 =	sadd.s32 $0x4E6, s7;
	s7 =	simm.s32 $0x2;
	[dreg:$0x13] =	wrdreg s21  }
0x21: {  	s15 =	simm.s32 $0x300;
	s9 =	sadd.s32 s0, s9;
	[dreg:$0x15] =	wrdreg s23  }
0x22: {  	s0 =	sadd.s32 s0, s10;
	s26 =	sadd.s32 s1, s24;
	[dreg:$0xf] =	wrdreg s9  }
0x23: {  	s10 =	simm.s32 $0x3;
	[dreg:$0x10] =	wrdreg s0;
	s0 =	sadd.s32 s17, s5  }
0x24: {  	[dreg:$0x16] =	wrdreg s26;
	s5 =	sadd.s32 s6, s24;
	s17 =	simm.s32 $0x5C00  }
0x25: {  	s25 =	sadd.s32 $0xB0, s0;
	[dreg:$0x17] =	wrdreg s5;
	s0 =	sadd.s32 $0x160, s0  }
0x26: {  	s5 =	simm.s32 $0x1;
	s28 =	sshrl.u32 s25, $0x3;
	[dreg:$0x18] =	wrdreg s0  }
0x27: {  	s0 =	sor.u32 $0x1C01, s29;
	s30 =	sadd.s32 s28, s6;
	s31 =	sadd.s32 s28, s1  }
.LBB2_1:
0x28: {  	s8 =	rddreg [dreg:$0x4]  }
0x29: {  	s24 =	rddreg [dreg:$0x5];
	s9 =	sshrl.u32 s8, $0x3  }
0x2a: {  	[dreg:$0x1a] =	wrdreg s9  }
0x2b: {  	[spmem:s9], [sflag:s0] =	dma.local [hbm:s24], $0x800  }
0x2c: {  	s9 =	rddreg [dreg:$0x19]  }
0x2d: {  	s8 =	rddreg [dreg:$0x6]  }
0x2e: {  	s25 =	rddreg [dreg:$0x7];
	s20 =	sor.u32 $0x1C02, s9;
	s21 =	sshrl.u32 s8, $0x3  }
0x2f: {  	[spmem:s21], [sflag:s20] =	dma.local [hbm:s25], $0x800  }
0x30: {  	s8 =	rddreg [dreg:$0x8]  }
0x31: {  	s22 =	sor.u32 $0x1C03, s9;
	s26 =	rddreg [dreg:$0x9];
	s23 =	sshrl.u32 s8, $0x3  }
0x32: {  	[spmem:s23], [sflag:s22] =	dma.local [hbm:s26], $0x800  }
0x33: {  	s8 =	rddreg [dreg:$0x11]  }
0x34: {  	s24 =	sor.u32 $0x1C04, s9;
	s9 =	rddreg [dreg:$0xa];
	s25 =	sshrl.u32 s8, $0x3  }
0x35: {  	[spmem:s25], [sflag:s24] =	dma.local [hbm:s9], $0x800  }
0x36: {  	_ =	swait.ge [sflag:s5], $0x800  }
0x37: {  	[sflag:s5] =	ssyncset.done $0x0;
	s26 =	rddreg [dreg:$0x12]  }
0x38: {  	s9 =	rddreg [dreg:$0xb];
	[sflag:s5] =	ssyncadd.s32 $0xFFFFF800;
	s26 =	sshrl.u32 s26, $0x3  }
0x39: {  	[spmem:s26], [sflag:s0] =	dma.local [hbm:s9], $0x800  }
0x3a: {  	_ =	swait.ge [sflag:s5], $0x800  }
0x3b: {  	[sflag:s5] =	ssyncset.done $0x0  }
0x3c: {  	[sflag:s5] =	ssyncadd.s32 $0xFFFFF800  }
0x3d: {  	_ =	swait.ge [sflag:s7], $0x800  }
0x3e: {  	[sflag:s7] =	ssyncset.done $0x0  }
0x3f: {  	[sflag:s7] =	ssyncadd.s32 $0xFFFFF800  }
0x40: {  	_ =	swait.ge [sflag:s10], $0x800  }
0x41: {  	[sflag:s10] =	ssyncset.done $0x0  }
0x42: {  	[sflag:s10] =	ssyncadd.s32 $0xFFFFF800  }
0x43: {  	_ =	swait.ge [sflag:s19], $0x800  }
0x44: {  	[sflag:s19] =	ssyncset.done $0x0  }
0x45: {  	[sflag:s19] =	ssyncadd.s32 $0xFFFFF800  }
0x46: {  	[bflag:$0x0] =	sbarrier.arrive $0xFFFF  }
0x47: {  	s10 =	simm.s32 $0x6;
	s9 =	rddreg [dreg:$0x13]  }
0x48: {  	[tilespmem:s3], [sflag:$0x6] =	stream.linear.gather [hbm4b:s9+s3], $0xB0, $0x38;
	[tilespmem:$0x1F400] =	vst v63  }
0x49: {  	_ =	swait.ge [sflag:s10], $0xB0  }
0x4a: {  	[sflag:s10] =	ssyncset.done $0x0  }
0x4b: {  	s19 =	rddreg [dreg:$0x15];
	[sflag:s10] =	ssyncadd.s32 $0xFFFFFF50  }
0x4c: {  	[tilespmem:s11], [sflag:$0x6] =	stream.linear.gather [hbm4b:s19+s3], $0xB0, $0x38;
	[tilespmem:$0x1F400] =	vst v63  }
0x4d: {  	_ =	swait.ge [sflag:s10], $0xB0  }
0x4e: {  	[sflag:s10] =	ssyncset.done $0x0  }
0x4f: {  	[sflag:s10] =	ssyncadd.s32 $0xFFFFFF50  }
0x50: {  	[tilespmem:s13], [sflag:$0x1] =	stream.indirect.gather [hbm4b:s4+s12], $0x80, s3, s12, $0xb8;
	[tilespmem:$0x1F400] =	vst v63  }
0x51: {  	s9 =	sadd.s32 $0x0, s31  }
0x52: {  	[tilespmem:s14], [sflag:$0x5] =	stream.linear.gather [hbm4b:s9+s3], $0xB0, $0x38;
	[tilespmem:$0x1F400] =	vst v63  }
0x53: {  	s10 =	sadd.s32 $0x0, s30  }
0x54: {  	[tilespmem:s15], [sflag:$0x5] =	stream.linear.gather [hbm4b:s10+s3], $0xB0, $0x38;
	[tilespmem:$0x1F400] =	vst v63  }
0x55: {  	_ =	swait.ge [sflag:s5], $0x5800  }
0x56: {  	[sflag:s5] =	ssyncset.done $0x0  }
0x57: {  	[sflag:s5] =	ssyncadd.s32 $0xFFFFA800  }
0x58: {  	[spmem:s2] =	stream.indirect.scatter.add.f32 [tilespmem:s13], [sflag:$0x2], $0x80, s11, s12, $0xb8;
	[tilespmem:$0x1F400] =	vst v63  }
0x59: {  	_ =	swait.ge [sflag:s16], $0xB0  }
0x5a: {  	[sflag:s16] =	ssyncset.done $0x0  }
0x5b: {  	[sflag:s16] =	ssyncadd.s32 $0xFFFFFF50  }
0x5c: {  	_ =	swait.ge [sflag:s16], $0xB0  }
0x5d: {  	[sflag:s16] =	ssyncset.done $0x0  }
0x5e: {  	[sflag:s16] =	ssyncadd.s32 $0xFFFFFF50  }
0x5f: {  	[tilespmem:s17], [sflag:$0x1] =	stream.indirect.gather [hbm4b:s4+s12], $0x80, s14, s12, $0xb8;
	[tilespmem:$0x1F400] =	vst v63  }
0x60: {  	_ =	swait.ge [sflag:s7], $0x5800  }
0x61: {  	s10 =	rddreg [dreg:$0x18]  }
0x62: {  	[sflag:s7] =	ssyncset.done $0x0;
	s8 =	sshrl.u32 s10, $0x3  }
0x63: {  	[sflag:s7] =	ssyncadd.s32 $0xFFFFA800;
	s19 =	sadd.s32 s1, s8  }
0x64: {  	[tilespmem:s3], [sflag:$0x5] =	stream.linear.gather [hbm4b:s19+s3], $0xB0, $0x38;
	[tilespmem:$0x1F400] =	vst v63  }
0x65: {  	s8 =	sadd.s32 s6, s8  }
0x66: {  	[tilespmem:s11], [sflag:$0x5] =	stream.linear.gather [hbm4b:s8+s3], $0xB0, $0x38;
	[tilespmem:$0x1F400] =	vst v63  }
0x67: {  	_ =	swait.ge [sflag:s5], $0x5800  }
0x68: {  	[sflag:s5] =	ssyncset.done $0x0  }
0x69: {  	[sflag:s5] =	ssyncadd.s32 $0xFFFFA800  }
0x6a: {  	[spmem:s2] =	stream.indirect.scatter.add.f32 [tilespmem:s17], [sflag:$0x2], $0x80, s15, s12, $0xb8;
	[tilespmem:$0x1F400] =	vst v63  }
0x6b: {  	_ =	swait.ge [sflag:s16], $0xB0  }
0x6c: {  	[sflag:s16] =	ssyncset.done $0x0  }
0x6d: {  	[sflag:s16] =	ssyncadd.s32 $0xFFFFFF50  }
0x6e: {  	_ =	swait.ge [sflag:s16], $0xB0  }
0x6f: {  	[sflag:s16] =	ssyncset.done $0x0  }
0x70: {  	[sflag:s16] =	ssyncadd.s32 $0xFFFFFF50  }
0x71: {  	[tilespmem:s13], [sflag:$0x1] =	stream.indirect.gather [hbm4b:s4+s12], $0x80, s3, s12, $0xb8;
	[tilespmem:$0x1F400] =	vst v63  }
0x72: {  	s29 =	simm.s32 $0x2C;
	_ =	swait.ge [sflag:s7], $0x5800  }
0x73: {  	s28 =	sadd.s32 $0x160, s10;
	s8 =	simm.s32 $0x58;
	[sflag:s7] =	ssyncset.done $0x0  }
.LBB2_2:
0x74: {  	s10 =	sadd.s32 s29, s31  }
0x75: {  	[sflag:s7] =	ssyncadd.s32 $0xFFFFA800;
	s19 =	smov.u32 s8;
	s9 =	sadd.s32 $0x2C, s8  }
0x76: {  	[tilespmem:s14], [sflag:$0x5] =	stream.linear.gather [hbm4b:s10+s3], $0xB0, $0x38;
	[tilespmem:$0x1F400] =	vst v63  }
0x77: {  	p0 =	sne.s32 s8, $0x4A4;
	s8 =	sadd.s32 s29, s30;
	s29 =	smov.u32 s19  }
0x78: {  	[tilespmem:s15], [sflag:$0x5] =	stream.linear.gather [hbm4b:s8+s3], $0xB0, $0x38;
	[tilespmem:$0x1F400] =	vst v63  }
0x79: {  	_ =	swait.ge [sflag:s5], $0x5800  }
0x7a: {  	[sflag:s5] =	ssyncset.done $0x0  }
0x7b: {  	[sflag:s5] =	ssyncadd.s32 $0xFFFFA800  }
0x7c: {  	[spmem:s2] =	stream.indirect.scatter.add.f32 [tilespmem:s13], [sflag:$0x2], $0x80, s11, s12, $0xb8;
	[tilespmem:$0x1F400] =	vst v63  }
0x7d: {  	_ =	swait.ge [sflag:s16], $0xB0  }
0x7e: {  	[sflag:s16] =	ssyncset.done $0x0  }
0x7f: {  	[sflag:s16] =	ssyncadd.s32 $0xFFFFFF50  }
0x80: {  	_ =	swait.ge [sflag:s16], $0xB0  }
0x81: {  	[sflag:s16] =	ssyncset.done $0x0  }
0x82: {  	[sflag:s16] =	ssyncadd.s32 $0xFFFFFF50  }
0x83: {  	[tilespmem:s17], [sflag:$0x1] =	stream.indirect.gather [hbm4b:s4+s12], $0x80, s14, s12, $0xb8;
	[tilespmem:$0x1F400] =	vst v63  }
0x84: {  	_ =	swait.ge [sflag:s7], $0x5800  }
0x85: {  	s8 =	sshrl.u32 s28, $0x3;
	[sflag:s7] =	ssyncset.done $0x0  }
0x86: {  	s10 =	sadd.s32 s1, s8;
	[sflag:s7] =	ssyncadd.s32 $0xFFFFA800  }
0x87: {  	[tilespmem:s3], [sflag:$0x5] =	stream.linear.gather [hbm4b:s10+s3], $0xB0, $0x38;
	[tilespmem:$0x1F400] =	vst v63  }
0x88: {  	s8 =	sadd.s32 s6, s8  }
0x89: {  	[tilespmem:s11], [sflag:$0x5] =	stream.linear.gather [hbm4b:s8+s3], $0xB0, $0x38;
	[tilespmem:$0x1F400] =	vst v63  }
0x8a: {  	_ =	swait.ge [sflag:s5], $0x5800  }
0x8b: {  	[sflag:s5] =	ssyncset.done $0x0  }
0x8c: {  	[sflag:s5] =	ssyncadd.s32 $0xFFFFA800  }
0x8d: {  	[spmem:s2] =	stream.indirect.scatter.add.f32 [tilespmem:s17], [sflag:$0x2], $0x80, s15, s12, $0xb8;
	[tilespmem:$0x1F400] =	vst v63  }
0x8e: {  	_ =	swait.ge [sflag:s16], $0xB0  }
0x8f: {  	[sflag:s16] =	ssyncset.done $0x0  }
0x90: {  	[sflag:s16] =	ssyncadd.s32 $0xFFFFFF50  }
0x91: {  	_ =	swait.ge [sflag:s16], $0xB0  }
.Ltmp0:
0x92: {  	[sflag:s16] =	ssyncset.done $0x0;
	(pc) =	sbr.rel @p0 .LBB2_2-.Ltmp0, $4  }
0x93: {  	[sflag:s16] =	ssyncadd.s32 $0xFFFFFF50  }
0x94: {  	[tilespmem:s13], [sflag:$0x1] =	stream.indirect.gather [hbm4b:s4+s12], $0x80, s3, s12, $0xb8;
	[tilespmem:$0x1F400] =	vst v63  }
0x95: {  	_ =	swait.ge [sflag:s7], $0x5800  }
0x96: {  	s28 =	sadd.s32 $0x160, s28;
	s8 =	smov.u32 s9;
	[sflag:s7] =	ssyncset.done $0x0  }
0x97: {  	s8 =	sadd.s32 s29, s31;
	[sflag:s7] =	ssyncadd.s32 $0xFFFFA800  }
0x98: {  	[tilespmem:s14], [sflag:$0x5] =	stream.linear.gather [hbm4b:s8+s3], $0xB0, $0x38;
	[tilespmem:$0x1F400] =	vst v63  }
0x99: {  	s19 =	sadd.s32 s29, s30  }
0x9a: {  	[tilespmem:s15], [sflag:$0x5] =	stream.linear.gather [hbm4b:s19+s3], $0xB0, $0x38;
	[tilespmem:$0x1F400] =	vst v63  }
0x9b: {  	_ =	swait.ge [sflag:s5], $0x5800  }
0x9c: {  	[sflag:s5] =	ssyncset.done $0x0  }
0x9d: {  	[sflag:s5] =	ssyncadd.s32 $0xFFFFA800  }
0x9e: {  	[spmem:s2] =	stream.indirect.scatter.add.f32 [tilespmem:s13], [sflag:$0x2], $0x80, s11, s12, $0xb8;
	[tilespmem:$0x1F400] =	vst v63  }
0x9f: {  	_ =	swait.ge [sflag:s16], $0xB0  }
0xa0: {  	[sflag:s16] =	ssyncset.done $0x0  }
0xa1: {  	[sflag:s16] =	ssyncadd.s32 $0xFFFFFF50  }
0xa2: {  	_ =	swait.ge [sflag:s16], $0xB0  }
0xa3: {  	[sflag:s16] =	ssyncset.done $0x0  }
0xa4: {  	[sflag:s16] =	ssyncadd.s32 $0xFFFFFF50  }
0xa5: {  	[tilespmem:s17], [sflag:$0x1] =	stream.indirect.gather [hbm4b:s4+s12], $0x80, s14, s12, $0xb8;
	[tilespmem:$0x1F400] =	vst v63  }
0xa6: {  	_ =	swait.ge [sflag:s7], $0x5800  }
0xa7: {  	s28 =	sshrl.u32 s28, $0x3;
	[sflag:s7] =	ssyncset.done $0x0  }
0xa8: {  	s9 =	sadd.s32 s1, s28;
	[sflag:s7] =	ssyncadd.s32 $0xFFFFA800  }
0xa9: {  	[tilespmem:s3], [sflag:$0x5] =	stream.linear.gather [hbm4b:s9+s3], $0xB0, $0x38;
	[tilespmem:$0x1F400] =	vst v63  }
0xaa: {  	s8 =	sadd.s32 s6, s28  }
0xab: {  	[tilespmem:s11], [sflag:$0x5] =	stream.linear.gather [hbm4b:s8+s3], $0xB0, $0x38;
	[tilespmem:$0x1F400] =	vst v63  }
0xac: {  	_ =	swait.ge [sflag:s5], $0x5800  }
0xad: {  	[sflag:s5] =	ssyncset.done $0x0  }
0xae: {  	[sflag:s5] =	ssyncadd.s32 $0xFFFFA800  }
0xaf: {  	[spmem:s2] =	stream.indirect.scatter.add.f32 [tilespmem:s17], [sflag:$0x2], $0x80, s15, s12, $0xb8;
	[tilespmem:$0x1F400] =	vst v63  }
0xb0: {  	_ =	swait.ge [sflag:s16], $0xB0  }
0xb1: {  	[sflag:s16] =	ssyncset.done $0x0  }
0xb2: {  	[sflag:s16] =	ssyncadd.s32 $0xFFFFFF50  }
0xb3: {  	_ =	swait.ge [sflag:s16], $0xB0  }
0xb4: {  	[sflag:s16] =	ssyncset.done $0x0  }
0xb5: {  	[sflag:s16] =	ssyncadd.s32 $0xFFFFFF50  }
0xb6: {  	[tilespmem:s13], [sflag:$0x1] =	stream.indirect.gather [hbm4b:s4+s12], $0x80, s3, s12, $0xb8;
	[tilespmem:$0x1F400] =	vst v63  }
0xb7: {  	_ =	swait.ge [sflag:s7], $0x5800  }
0xb8: {  	[sflag:s7] =	ssyncset.done $0x0  }
0xb9: {  	s29 =	rddreg [dreg:$0x16];
	[sflag:s7] =	ssyncadd.s32 $0xFFFFA800  }
0xba: {  	[tilespmem:s14], [sflag:$0x5] =	stream.linear.gather [hbm4b:s29+s3], $0xB0, $0x38;
	[tilespmem:$0x1F400] =	vst v63  }
0xbb: {  	s9 =	rddreg [dreg:$0x17]  }
0xbc: {  	[tilespmem:s15], [sflag:$0x5] =	stream.linear.gather [hbm4b:s9+s3], $0xB0, $0x38;
	[tilespmem:$0x1F400] =	vst v63  }
0xbd: {  	_ =	swait.ge [sflag:s5], $0x5800  }
0xbe: {  	[sflag:s5] =	ssyncset.done $0x0  }
0xbf: {  	[sflag:s5] =	ssyncadd.s32 $0xFFFFA800  }
0xc0: {  	[spmem:s2] =	stream.indirect.scatter.add.f32 [tilespmem:s13], [sflag:$0x2], $0x80, s11, s12, $0xb8;
	[tilespmem:$0x1F400] =	vst v63  }
0xc1: {  	_ =	swait.ge [sflag:s16], $0xB0  }
0xc2: {  	[sflag:s16] =	ssyncset.done $0x0  }
0xc3: {  	[sflag:s16] =	ssyncadd.s32 $0xFFFFFF50  }
0xc4: {  	_ =	swait.ge [sflag:s16], $0xB0  }
0xc5: {  	[sflag:s16] =	ssyncset.done $0x0  }
0xc6: {  	[sflag:s16] =	ssyncadd.s32 $0xFFFFFF50  }
0xc7: {  	[tilespmem:s17], [sflag:$0x1] =	stream.indirect.gather [hbm4b:s4+s12], $0x80, s14, s12, $0xb8;
	[tilespmem:$0x1F400] =	vst v63  }
0xc8: {  	_ =	swait.ge [sflag:s7], $0x5800  }
0xc9: {  	[sflag:s7] =	ssyncset.done $0x0  }
0xca: {  	[sflag:s7] =	ssyncadd.s32 $0xFFFFA800  }
0xcb: {  	_ =	swait.ge [sflag:s5], $0x5800  }
0xcc: {  	[sflag:s5] =	ssyncset.done $0x0  }
0xcd: {  	[sflag:s5] =	ssyncadd.s32 $0xFFFFA800  }
0xce: {  	[spmem:s2] =	stream.indirect.scatter.add.f32 [tilespmem:s17], [sflag:$0x2], $0x80, s15, s12, $0xb8;
	[tilespmem:$0x1F400] =	vst v63  }
0xcf: {  	_ =	swait.ge [sflag:s7], $0x5800  }
0xd0: {  	[sflag:s7] =	ssyncset.done $0x0  }
0xd1: {  	[sflag:s7] =	ssyncadd.s32 $0xFFFFA800  }
0xd2: {  	[bflag:$0x0] =	sbarrier.arrive $0xFFFF  }
0xd3: {  	s10 =	rddreg [dreg:$0xc]  }
0xd4: {  	s19 =	rddreg [dreg:$0x1a]  }
0xd5: {  	[hbm:s10], [sflag:s0] =	dma.local [spmem:s19], $0x800  }
0xd6: {  	s8 =	rddreg [dreg:$0xd]  }
0xd7: {  	[hbm:s8], [sflag:s20] =	dma.local [spmem:s21], $0x800  }
0xd8: {  	s8 =	rddreg [dreg:$0xe]  }
0xd9: {  	[hbm:s8], [sflag:s22] =	dma.local [spmem:s23], $0x800  }
0xda: {  	s8 =	rddreg [dreg:$0xf]  }
0xdb: {  	[hbm:s8], [sflag:s24] =	dma.local [spmem:s25], $0x800  }
0xdc: {  	_ =	swait.ge [sflag:s5], $0x800  }
0xdd: {  	[sflag:s5] =	ssyncset.done $0x0  }
0xde: {  	s28 =	rddreg [dreg:$0x10];
	[sflag:s5] =	ssyncadd.s32 $0xFFFFF800  }
0xdf: {  	[hbm:s28], [sflag:s0] =	dma.local [spmem:s26], $0x800  }
0xe0: {  	_ =	swait.ge [sflag:s5], $0x800  }
0xe1: {  	[sflag:s5] =	ssyncset.done $0x0  }
0xe2: {  	[sflag:s5] =	ssyncadd.s32 $0xFFFFF800  }
0xe3: {  	_ =	swait.ge [sflag:s7], $0x800  }
0xe4: {  	[sflag:s7] =	ssyncset.done $0x0  }
0xe5: {  	s10 =	simm.s32 $0x3;
	[sflag:s7] =	ssyncadd.s32 $0xFFFFF800  }
0xe6: {  	_ =	swait.ge [sflag:s10], $0x800  }
0xe7: {  	[sflag:s10] =	ssyncset.done $0x0  }
0xe8: {  	s19 =	simm.s32 $0x4;
	[sflag:s10] =	ssyncadd.s32 $0xFFFFF800  }
0xe9: {  	_ =	swait.ge [sflag:s19], $0x800  }
0xea: {  	s18 =	sadd.s32 $0x1, s18;
	s29 =	rddreg [dreg:$0x14]  }
0xeb: {  	p0 =	sne.s32 s18, s29  }
.Ltmp1:
0xec: {  	_ = 	snop;
	(pc) =	sbr.rel @p0 .LBB2_1-.Ltmp1, $3  }
0xed: {  	_ =	sdelay $0x1  }
0xee: {  	[sflag:s19] =	ssyncset.done $0x0  }
0xef: {  	[sflag:s19] =	ssyncadd.s32 $0xFFFFF800  }
0xf0: {  	_ =	sfence.sel $0x180000  }
0xf1: {  	[bflag:$0x0] =	sbarrier.arrive $0xFFFF  }
0xf2: {  	_ =	strace $0x9000004D  }
0xf3: {  	s0 =	stileid.u32;
	[bflag:$0x2] =	sbarrier.arrive $0xFFFF  }
0xf4: {  	p0 =	sne.s32 s0, $0x0;
	s0 =	rddreg [dreg:$0x3]  }
0xf5: {  	s0 =	sadd.s32 @!p0 $0x100000, s0  }
0xf6: {  	[sflag:s0] =	ssyncadd.tile.s32 @!p0 $0x1;
	_ =	shalt  }
.Lfunc_end2:
_tile_overlayer_lowered:
.L_overlay_start_2:
0xf7: {  	(tag) =	ssettag $0x2  }
0xf8: {  	s0 =	rddreg [dreg:$0x0];
	s2 =	stileid.u32  }
0xf9: {  	s1 =	rddreg [dreg:$0x1];
	p0 =	sne.s32 s2, $0x0  }
0xfa: {  	s3 =	rddreg [dreg:$0x2];
	[bflag:$0x3] =	sbarrier.arrive $0xFFFF;
	s2 =	simm.s32 @!p0 $0x1C06  }
0xfb: {  	[timem:s3], [sflag:s2] =	dma.local @!p0 [hbm:s0], s1  }
0xfc: {  	s0 =	simm.s32 @!p0 $0x6  }
0xfd: {  	_ =	swait.ge @!p0 [sflag:s0], s1  }
0xfe: {  	s1 =	ssub.s32 @!p0 $0x0, s1;
	[sflag:s0] =	ssyncset.done @!p0 $0x0  }
0xff: {  	[sflag:s0] =	ssyncadd.s32 @!p0 s1  }
0x100: {  	[bflag:$0x3] =	sbarrier.arrive $0xFFFF  }
0x101: {  	_ =	shalt  }

// kernel: kernel.8.cloned.1.call-start
scs
__scs_entry_jumppad:
0x0: {  	(pc) =	sbr.rel $0x88, $3  }
0x1: {  	(tag) =	ssettag $0x0;
	lr =	simm.s32 $0x1  }
0x2: {  	[smem:$0x3F96] =	sst lr;
	_ =	strace $0xD0000000  }
0x3: {  	_ = 	snop  }
0x4: {  	_ = 	snop  }
0x5: {  	_ = 	snop  }
0x6: {  	_ = 	snop  }
0x7: {  	_ = 	snop  }
__scs_overlays_trampoline_lowered:
0x8: {  	[smem:$0x3FA5] =	sst s0  }
0x9: {  	[smem:$0x3FA6] =	sst s1  }
0xa: {  	[smem:$0x3FA7] =	sst s2  }
0xb: {  	[smem:$0x3FA8] =	sst s3  }
0xc: {  	[smem:$0x3FA9] =	sst s4  }
0xd: {  	[smem:$0x3FAA] =	sst s5  }
0xe: {  	[smem:$0x3FAB] =	sst s6  }
0xf: {  	[smem:$0x3FAC] =	sst s7  }
0x10: {  	[smem:$0x3FAD] =	sst s8  }
0x11: {  	[smem:$0x3FAE] =	sst s9;
	s0 =	simm.s32 @!p0 $0x0  }
0x12: {  	s1 =	sld [smem:$0x3F94];
	s0 =	simm.s32 @p0 $0x1  }
0x13: {  	[smem:$0x3FAF] =	sst s0;
	s0 =	simm.s32 @!p1 $0x0  }
0x14: {  	s2 =	sld [smem:$0x3F93];
	s0 =	simm.s32 @p1 $0x1  }
0x15: {  	[smem:$0x3FB0] =	sst s0;
	s0 =	simm.s32 @!p2 $0x0  }
0x16: {  	s3 =	sld [smem:$0x3FDB];
	s0 =	simm.s32 @p2 $0x1  }
0x17: {  	s4 =	simm.s32 $0x1BF5;
	[smem:$0x3FB2] =	sst s0  }
0x18: {  	s0 =	sld [smem:$0x3F95];
	_ =	swait.ge [sflag:s4], $0x0  }
0x19: {  	s7 =	sld [smem:$0x3F96]  }
0x1a: {  	s8 =	sadd.s32 $0xFFFFE003, lr  }
0x1b: {  	s9 =	sadd.s32 $0xFFFFFEF7, lr;
	s5 =	simm.s32 $0xFFFFFFFF;
	p2 =	slt.u32 s8, $0xFFFFF086  }
0x1c: {  	p1 =	slt.u32 s9, $0xF7A;
	s5 =	simm.s32 @!p2 $0x0  }
0x1d: {  	s5 =	simm.s32 @p1 $0x1;
	p0 =	seq.s32 s7, s2  }
0x1e: {  	s7 =	smul.u32 @!p0 $0xF7A, s2;
	p2 =	seq.s32 @!p0 s5, $0x0  }
0x1f: {  	s9 =	smul.u32 $0xF7A, s1;
	s8 =	simm.s32 @!p0 $0x1BF5;
	p2 =	por !p2, p0  }
0x20: {  	[sflag:s8] =	ssyncset.s32 @!p0 $0xFFFFF086;
	s6 =	sadd.s32 @!p0 s3, s7;
	s7 =	simm.s32 @!p0 $0x108  }
0x21: {  	s3 =	sadd.s32 s3, s9;
	s6 =	sadd.s32 @!p0 $0x88, s6;
	s7 =	simm.s32 @p2 $0x1082  }
0x22: {  	[simem:s7], [sflag:s8] =	dma.local @!p0 [hbm:s6], $0xF7A  }
0x23: {  	s9 =	sor.u32 $0xD0000000, s2;
	s6 =	simm.s32 $0x108;
	_ =	swait.ge @!p0 [sflag:s8], $0x0  }
0x24: {  	s3 =	sadd.s32 $0x88, s3;
	s6 =	simm.s32 @!p1 $0x1082;
	[sflag:s4] =	ssyncset.s32 $0xFFFFF086  }
0x25: {  	[simem:s6], [sflag:s4] =	dma.local [hbm:s3], $0xF7A  }
0x26: {  	[smem:$0x3F96] =	sst s1;
	(tag) =	ssettag s2;
	_ =	strace s9  }
0x27: {  	s1 =	sld [smem:$0x3FA6]  }
0x28: {  	s2 =	sld [smem:$0x3FA7]  }
0x29: {  	s4 =	sld [smem:$0x3FA9]  }
0x2a: {  	p0 =	seq.s32 s5, $0x0;
	s5 =	sld [smem:$0x3FAA]  }
0x2b: {  	s6 =	sld [smem:$0x3FAB]  }
0x2c: {  	s7 =	sld [smem:$0x3FAC]  }
0x2d: {  	s3 =	simm.s32 $0x108;
	s8 =	sld [smem:$0x3FAD]  }
0x2e: {  	s3 =	simm.s32 @!p0 $0x1082;
	s9 =	sld [smem:$0x3FAE]  }
0x2f: {  	lr =	sadd.s32 s0, s3;
	s0 =	sld [smem:$0x3FA5]  }
0x30: {  	s3 =	sld [smem:$0x3FA8]  }
0x31: {  	[smem:$0x3FB1] =	sst s10  }
0x32: {  	s10 =	sld [smem:$0x3FAF];
	_ =	sdelay $0x3  }
0x33: {  	p0 =	seq.s32 s10, $0x1;
	s10 =	sld [smem:$0x3FB1];
	_ =	sdelay $0x3  }
0x34: {  	[smem:$0x3FB1] =	sst s10  }
0x35: {  	s10 =	sld [smem:$0x3FB0];
	_ =	sdelay $0x3  }
0x36: {  	p1 =	seq.s32 s10, $0x1;
	s10 =	sld [smem:$0x3FB1];
	_ =	sdelay $0x3  }
0x37: {  	[smem:$0x3FB1] =	sst s10  }
0x38: {  	s10 =	sld [smem:$0x3FB2]  }
0x39: {  	_ = 	snop;
	(pc) =	sbr.ind lr, $3  }
0x3a: {  	_ = 	snop  }
0x3b: {  	_ = 	snop  }
0x3c: {  	p2 =	seq.s32 s10, $0x1;
	s10 =	sld [smem:$0x3FB1]  }
0x3d: {  	_ =	shalt  }
0x3e: {  	_ =	shalt  }
0x3f: {  	_ =	shalt  }
0x40: {  	_ =	shalt  }
0x41: {  	_ =	shalt  }
0x42: {  	_ =	shalt  }
0x43: {  	_ =	shalt  }
0x44: {  	_ =	shalt  }
0x45: {  	_ =	shalt  }
0x46: {  	_ =	shalt  }
0x47: {  	_ =	shalt  }
0x48: {  	_ =	shalt  }
0x49: {  	_ =	shalt  }
0x4a: {  	_ =	shalt  }
0x4b: {  	_ =	shalt  }
0x4c: {  	_ =	shalt  }
0x4d: {  	_ =	shalt  }
0x4e: {  	_ =	shalt  }
0x4f: {  	_ =	shalt  }
0x50: {  	_ =	shalt  }
0x51: {  	_ =	shalt  }
0x52: {  	_ =	shalt  }
0x53: {  	_ =	shalt  }
0x54: {  	_ =	shalt  }
0x55: {  	_ =	shalt  }
0x56: {  	_ =	shalt  }
0x57: {  	_ =	shalt  }
0x58: {  	_ =	shalt  }
0x59: {  	_ =	shalt  }
0x5a: {  	_ =	shalt  }
0x5b: {  	_ =	shalt  }
0x5c: {  	_ =	shalt  }
0x5d: {  	_ =	shalt  }
0x5e: {  	_ =	shalt  }
0x5f: {  	_ =	shalt  }
0x60: {  	_ =	shalt  }
0x61: {  	_ =	shalt  }
0x62: {  	_ =	shalt  }
0x63: {  	_ =	shalt  }
0x64: {  	_ =	shalt  }
0x65: {  	_ =	shalt  }
0x66: {  	_ =	shalt  }
0x67: {  	_ =	shalt  }
0x68: {  	_ =	shalt  }
0x69: {  	_ =	shalt  }
0x6a: {  	_ =	shalt  }
0x6b: {  	_ =	shalt  }
0x6c: {  	_ =	shalt  }
0x6d: {  	_ =	shalt  }
0x6e: {  	_ =	shalt  }
0x6f: {  	_ =	shalt  }
0x70: {  	_ =	shalt  }
0x71: {  	_ =	shalt  }
0x72: {  	_ =	shalt  }
0x73: {  	_ =	shalt  }
0x74: {  	_ =	shalt  }
0x75: {  	_ =	shalt  }
0x76: {  	_ =	shalt  }
0x77: {  	_ =	shalt  }
0x78: {  	_ =	shalt  }
0x79: {  	_ =	shalt  }
0x7a: {  	_ =	shalt  }
0x7b: {  	_ =	shalt  }
0x7c: {  	_ =	shalt  }
0x7d: {  	_ =	shalt  }
0x7e: {  	_ =	shalt  }
0x7f: {  	_ =	shalt  }
0x80: {  	_ =	shalt  }
0x81: {  	_ =	shalt  }
0x82: {  	_ =	shalt  }
0x83: {  	_ =	shalt  }
0x84: {  	_ =	shalt  }
0x85: {  	_ =	shalt  }
0x86: {  	_ =	shalt  }
0x87: {  	_ =	shalt  }
.Lfunc_end0:
.L_simem_size_0:
called_computation_lowered:
.L_overlay_start_0:
0x88: {  	s2 =	sld [smem:$0x3FD9]  }
0x89: {  	s3 =	sld [smem:$0x3FFE];
	_ =	sdelay $0x1  }
0x8a: {  	s1 =	srdreg.scid  }
0x8b: {  	s0 =	sand.u32 $0x1, s1  }
0x8c: {  	s17 =	sshll.u32 s0, $0xA;
	s2 =	sadd.s32 s3, s2  }
0x8d: {  	s2 =	sadd.s32 s2, s17  }
0x8e: {  	[smem:$0x3FBD] =	sst s2  }
0x8f: {  	_ = 	snop  }
0x90: {  	s2 =	sld [smem:$0x3FC9]  }
0x91: {  	s18 =	sld [smem:$0x3FD0];
	(tm) =	ssettm $0x1  }
0x92: {  	s4 =	sld [smem:$0x3FFB];
	_ =	sdelay $0x3  }
0x93: {  	_ =	strace s4  }
0x94: {  	s4 =	sld [smem:$0x3FFC];
	_ =	sdelay $0x3  }
0x95: {  	_ =	strace s4  }
0x96: {  	s4 =	sld [smem:$0x3FFD];
	_ =	sdelay $0x3  }
0x97: {  	_ =	strace s4  }
0x98: {  	_ =	strace $0x8FFFFFFF  }
0x99: {  	s19 =	sld [smem:$0x3FDB];
	_ =	sdelay $0x1  }
0x9a: {  	s5 =	simm.s32 $_scs_section_size  }
0x9b: {  	s6 =	simm.s32 $_size__tile_overlayer_lowered;
	s7 =	simm.s32 $_tile_overlayer_lowered  }
0x9c: {  	s22 =	simm.s32 $0x1BFF;
	s21 =	sshll.u32 s7, $0x1;
	s4 =	sadd.s32 s5, s19  }
0x9d: {  	s8 =	simm.s32 $0x0;
	s20 =	sshll.u32 s6, $0x1;
	s6 =	sadd.s32 s21, s4  }
0x9e: {  	[timem:s8], [sflag:s22] =	dma.local [hbm:s6], s20  }
0x9f: {  	_ =	swait.ge [sflag:s22], s20  }
0xa0: {  	s5 =	ssub.s32 $0x0, s20;
	[sflag:s22] =	ssyncset.done $0x0  }
0xa1: {  	[sflag:s22] =	ssyncadd.s32 s5;
	_ =	sdelay $0x1  }
0xa2: {  	s23 =	simm.s32 $0x1B8B  }
0xa3: {  	_ =	swait.ge [sflag:s23], $0x1  }
0xa4: {  	[sflag:s23] =	ssyncset.done $0x0  }
0xa5: {  	s25 =	simm.s32 $0x1B8E;
	s24 =	sld [smem:$0x3FFE];
	[sflag:s23] =	ssyncadd.s32 $0xFFFFFFFF  }
0xa6: {  	s26 =	simm.s32 $execute0_lowered;
	[smem:$0x3FD2] =	sst s25  }
0xa7: {  	s6 =	sshll.u32 s26, $0x1;
	_ =	strace $0x80000046;
	[dreg:$0x1] =	wrdreg $0xFFFFFFFF  }
0xa8: {  	s28 =	simm.s32 $_size_execute0_lowered;
	s4 =	sadd.s32 s4, s6;
	[dreg:$0x0] =	wrdreg $0x0  }
0xa9: {  	s6 =	sshll.u32 s28, $0x1;
	[dreg:$0x2] =	wrdreg s4  }
0xaa: {  	[dreg:$0x3] =	wrdreg s6  }
0xab: {  	[dreg:$0x4] =	wrdreg $0xC0  }
0xac: {  	_ =	task [dreg:s8], $0x5FFFF  }
0xad: {  	[dreg:$0x1] =	wrdreg $0xFFFFFFFF  }
0xae: {  	[dreg:$0x0] =	wrdreg $0x60  }
0xaf: {  	[dreg:$0x2] =	wrdreg s2  }
0xb0: {  	[dreg:$0x3] =	wrdreg s18  }
0xb1: {  	[dreg:$0x4] =	wrdreg s24  }
0xb2: {  	[dreg:$0x5] =	wrdreg $0xB4000  }
0xb3: {  	[dreg:$0x6] =	wrdreg $0x9  }
0xb4: {  	_ =	task.clear_ibuf [dreg:s8], $0x7FFFF;
	_ =	strace $0x90000046  }
0xb5: {  	s29 =	simm.s32 $0x9;
	_ =	strace $0x80000048  }
0xb6: {  	_ =	swait.ge [sflag:s29], $0x1  }
0xb7: {  	[sflag:s29] =	ssyncadd.s32 $0xFFFFFFFF  }
0xb8: {  	_ =	strace $0x90000048  }
0xb9: {  	_ =	sfence  }
0xba: {  	s30 =	sld [smem:$0x0];
	_ =	sdelay $0x2  }
0xbb: {  	s31 =	sshll.u32 s1, $0xD;
	s1 =	sshrl.u32 s1, $0x2  }
0xbc: {  	s3 =	sand.u32 $0x4000, s31;
	s1 =	sadd.s32 s1, s30  }
0xbd: {  	s0 =	sor.u32 s3, s0;
	s1 =	sshll.u32 s1, $0x11  }
0xbe: {  	s0 =	sor.u32 s1, s0  }
0xbf: {  	s0 =	sadd.s32 $0x8F2B, s0  }
0xc0: {  	[sflag:s0] =	ssyncadd.remote.s32 $0x1  }
0xc1: {  	_ =	sfence.sel $0xFFFF  }
0xc2: {  	[dreg:$0x0] =	wrdreg $0xFFFFFFFF;
	(pc) =	sbr.abs _section_cstart, $3  }
0xc3: {  	[dreg:$0x1] =	wrdreg $0xFFFFFFFF  }
0xc4: {  	_ =	task.clear_ibuf [dreg:s8], $0x2FFFF;
	_ =	strace $0x9FFFFFFF  }
0xc5: {  	(tm) =	ssettm $0x7FFFFFFF  }
tec
execute0_lowered:
.L_overlay_start_1:
0x0: {  	(tag) =	ssettag $0x1  }
0x1: {  	s1 =	rddreg [dreg:$0x0]  }
0x2: {  	s2 =	rddreg [dreg:$0x1]  }
0x3: {  	s0 =	rddreg [dreg:$0x2]  }
0x4: {  	s3 =	rddreg [dreg:$0x3];
	s4 =	simm.s32 $0x0;
	s5 =	srdreg.scid  }
0x5: {  	s18 =	stileid.u32;
	[smem:$0x7FF] =	sst s4;
	s5 =	sand.u32 $0x1, s5  }
0x6: {  	s6 =	sadd.s32 $0x2E00, s0;
	s7 =	sadd.s32 $0xCE00, s0;
	s0 =	sadd.s32 $0x34E00, s0  }
0x7: {  	s19 =	sshll.u32 s18, $0xE;
	s11 =	sshll.u32 s18, $0xB;
	s12 =	sshll.u32 s18, $0x7  }
0x8: {  	_ =	strace $0x80000047;
	s8 =	ssub.s32 $0x2, s5;
	s10 =	sshll.u32 s5, $0x4  }
0x9: {  	s13 =	sadd.s32 s19, s3;
	s11 =	sadd.s32 s7, s11;
	s20 =	sor.u32 $0x800, s12  }
0xa: {  	s14 =	sor.u32 $0x1000, s12;
	s24 =	sor.u32 $0x1800, s12;
	s17 =	smul.u32 $0x140000, s5  }
0xb: {  	s12 =	sor.u32 $0x2000, s12;
	s5 =	smul.u32 $0x27E00, s5;
	[dreg:$0x5] =	wrdreg s13  }
0xc: {  	s9 =	sshrl.u32 s8, $0x1;
	s10 =	sor.u32 s18, s10;
	[dreg:$0x6] =	wrdreg s11  }
0xd: {  	s21 =	sshll.u32 s20, $0x7;
	s11 =	sshll.u32 s20, $0x4;
	s22 =	sshll.u32 s14, $0x7  }
0xe: {  	s14 =	sshll.u32 s14, $0x4;
	s25 =	sshll.u32 s24, $0x7;
	s16 =	sshll.u32 s12, $0x4  }
0xf: {  	s12 =	sshll.u32 s12, $0x7;
	s8 =	ssub.s32 s8, s9;
	s15 =	sadd.s32 s21, s3  }
0x10: {  	s11 =	sadd.s32 s7, s11;
	s23 =	sadd.s32 s22, s3;
	[dreg:$0x7] =	wrdreg s15  }
0x11: {  	s14 =	sadd.s32 s7, s14;
	s26 =	smul.u32 $0x27E0, s10;
	[dreg:$0x8] =	wrdreg s11  }
0x12: {  	s28 =	sor.u32 s19, s17;
	s29 =	sadd.s32 s17, s21;
	[dreg:$0x9] =	wrdreg s23  }
0x13: {  	s19 =	sadd.s32 s25, s3;
	s20 =	sadd.s32 s12, s3;
	[dreg:$0xa] =	wrdreg s14  }
0x14: {  	s15 =	sshll.u32 s24, $0x4;
	s9 =	sshrl.u32 s28, $0x3;
	[dreg:$0x12] =	wrdreg s19  }
0x15: {  	s11 =	sadd.s32 s17, s22;
	[dreg:$0x13] =	wrdreg s20;
	s22 =	smax.u32 s8, $0x1  }
0x16: {  	s10 =	sshrl.u32 s29, $0x3;
	s29 =	sshll.u32 s18, $0x6;
	[dreg:$0x15] =	wrdreg s22  }
0x17: {  	s19 =	simm.s32 $0x4;
	s15 =	sadd.s32 s7, s15;
	[dreg:$0x1a] =	wrdreg s29  }
0x18: {  	s14 =	simm.s32 $0x100;
	s7 =	sadd.s32 s7, s16;
	[dreg:$0xb] =	wrdreg s15  }
0x19: {  	s9 =	sadd.s32 s0, s9;
	s10 =	sadd.s32 s0, s10;
	[dreg:$0xc] =	wrdreg s7  }
0x1a: {  	s13 =	sshrl.u32 s11, $0x3;
	s16 =	sadd.s32 s17, s12;
	[dreg:$0xd] =	wrdreg s9  }
0x1b: {  	s11 =	simm.s32 $0x200;
	s12 =	simm.s32 $0xB0;
	[dreg:$0xe] =	wrdreg s10  }
0x1c: {  	s9 =	sadd.s32 s0, s13;
	s15 =	sadd.s32 s17, s25;
	s10 =	sshrl.u32 s16, $0x3  }
0x1d: {  	s17 =	smul.u32 $0x27E0, s18;
	s7 =	sshrl.u32 s26, $0x3;
	s13 =	simm.s32 $0x400  }
0x1e: {  	s16 =	simm.s32 $0x5;
	s18 =	simm.s32 $0x0;
	[dreg:$0xf] =	wrdreg s9  }
0x1f: {  	s9 =	sshrl.u32 s15, $0x3;
	s21 =	sadd.s32 s2, s7;
	s23 =	sadd.s32 s6, s7  }
0x20: {  	s24 =	sadd.s32 $0x4E6, s7;
	s7 =	simm.s32 $0x2;
	[dreg:$0x14] =	wrdreg s21  }
0x21: {  	s15 =	simm.s32 $0x300;
	s9 =	sadd.s32 s0, s9;
	[dreg:$0x16] =	wrdreg s23  }
0x22: {  	s0 =	sadd.s32 s0, s10;
	s26 =	sadd.s32 s2, s24;
	[dreg:$0x10] =	wrdreg s9  }
0x23: {  	s10 =	simm.s32 $0x3;
	[dreg:$0x11] =	wrdreg s0;
	s0 =	sadd.s32 s17, s5  }
0x24: {  	[dreg:$0x17] =	wrdreg s26;
	s5 =	sadd.s32 s6, s24;
	s17 =	simm.s32 $0x5C00  }
0x25: {  	s25 =	sadd.s32 $0xB0, s0;
	[dreg:$0x18] =	wrdreg s5;
	s0 =	sadd.s32 $0x160, s0  }
0x26: {  	s5 =	simm.s32 $0x1;
	s28 =	sshrl.u32 s25, $0x3;
	[dreg:$0x19] =	wrdreg s0  }
0x27: {  	s0 =	sor.u32 $0x1C01, s29;
	s30 =	sadd.s32 s28, s6;
	s31 =	sadd.s32 s28, s2  }
.LBB2_1:
0x28: {  	s8 =	rddreg [dreg:$0x5]  }
0x29: {  	s24 =	rddreg [dreg:$0x6];
	s9 =	sshrl.u32 s8, $0x3  }
0x2a: {  	[dreg:$0x1b] =	wrdreg s9  }
0x2b: {  	[spmem:s9], [sflag:s0] =	dma.local [hbm:s24], $0x800  }
0x2c: {  	s9 =	rddreg [dreg:$0x1a]  }
0x2d: {  	s8 =	rddreg [dreg:$0x7]  }
0x2e: {  	s25 =	rddreg [dreg:$0x8];
	s20 =	sor.u32 $0x1C02, s9;
	s21 =	sshrl.u32 s8, $0x3  }
0x2f: {  	[spmem:s21], [sflag:s20] =	dma.local [hbm:s25], $0x800  }
0x30: {  	s8 =	rddreg [dreg:$0x9]  }
0x31: {  	s22 =	sor.u32 $0x1C03, s9;
	s26 =	rddreg [dreg:$0xa];
	s23 =	sshrl.u32 s8, $0x3  }
0x32: {  	[spmem:s23], [sflag:s22] =	dma.local [hbm:s26], $0x800  }
0x33: {  	s8 =	rddreg [dreg:$0x12]  }
0x34: {  	s24 =	sor.u32 $0x1C04, s9;
	s9 =	rddreg [dreg:$0xb];
	s25 =	sshrl.u32 s8, $0x3  }
0x35: {  	[spmem:s25], [sflag:s24] =	dma.local [hbm:s9], $0x800  }
0x36: {  	_ =	swait.ge [sflag:s5], $0x800  }
0x37: {  	[sflag:s5] =	ssyncset.done $0x0;
	s26 =	rddreg [dreg:$0x13]  }
0x38: {  	s9 =	rddreg [dreg:$0xc];
	[sflag:s5] =	ssyncadd.s32 $0xFFFFF800;
	s26 =	sshrl.u32 s26, $0x3  }
0x39: {  	[spmem:s26], [sflag:s0] =	dma.local [hbm:s9], $0x800  }
0x3a: {  	_ =	swait.ge [sflag:s5], $0x800  }
0x3b: {  	[sflag:s5] =	ssyncset.done $0x0  }
0x3c: {  	[sflag:s5] =	ssyncadd.s32 $0xFFFFF800  }
0x3d: {  	_ =	swait.ge [sflag:s7], $0x800  }
0x3e: {  	[sflag:s7] =	ssyncset.done $0x0  }
0x3f: {  	[sflag:s7] =	ssyncadd.s32 $0xFFFFF800  }
0x40: {  	_ =	swait.ge [sflag:s10], $0x800  }
0x41: {  	[sflag:s10] =	ssyncset.done $0x0  }
0x42: {  	[sflag:s10] =	ssyncadd.s32 $0xFFFFF800  }
0x43: {  	_ =	swait.ge [sflag:s19], $0x800  }
0x44: {  	[sflag:s19] =	ssyncset.done $0x0  }
0x45: {  	[sflag:s19] =	ssyncadd.s32 $0xFFFFF800  }
0x46: {  	[bflag:$0x0] =	sbarrier.arrive $0xFFFF  }
0x47: {  	s10 =	simm.s32 $0x6;
	s9 =	rddreg [dreg:$0x14]  }
0x48: {  	[tilespmem:s4], [sflag:$0x6] =	stream.linear.gather [hbm4b:s9+s4], $0xB0, $0x38;
	[tilespmem:$0x1F400] =	vst v63  }
0x49: {  	_ =	swait.ge [sflag:s10], $0xB0  }
0x4a: {  	[sflag:s10] =	ssyncset.done $0x0  }
0x4b: {  	s19 =	rddreg [dreg:$0x16];
	[sflag:s10] =	ssyncadd.s32 $0xFFFFFF50  }
0x4c: {  	[tilespmem:s11], [sflag:$0x6] =	stream.linear.gather [hbm4b:s19+s4], $0xB0, $0x38;
	[tilespmem:$0x1F400] =	vst v63  }
0x4d: {  	_ =	swait.ge [sflag:s10], $0xB0  }
0x4e: {  	[sflag:s10] =	ssyncset.done $0x0  }
0x4f: {  	[sflag:s10] =	ssyncadd.s32 $0xFFFFFF50  }
0x50: {  	[tilespmem:s13], [sflag:$0x1] =	stream.indirect.gather [hbm4b:s1+s12], $0x80, s4, s12, $0xb8;
	[tilespmem:$0x1F400] =	vst v63  }
0x51: {  	s9 =	sadd.s32 $0x0, s31  }
0x52: {  	[tilespmem:s14], [sflag:$0x5] =	stream.linear.gather [hbm4b:s9+s4], $0xB0, $0x38;
	[tilespmem:$0x1F400] =	vst v63  }
0x53: {  	s10 =	sadd.s32 $0x0, s30  }
0x54: {  	[tilespmem:s15], [sflag:$0x5] =	stream.linear.gather [hbm4b:s10+s4], $0xB0, $0x38;
	[tilespmem:$0x1F400] =	vst v63  }
0x55: {  	_ =	swait.ge [sflag:s5], $0x5800  }
0x56: {  	[sflag:s5] =	ssyncset.done $0x0  }
0x57: {  	[sflag:s5] =	ssyncadd.s32 $0xFFFFA800  }
0x58: {  	[spmem:s3] =	stream.indirect.scatter.add.f32 [tilespmem:s13], [sflag:$0x2], $0x80, s11, s12, $0xb8;
	[tilespmem:$0x1F400] =	vst v63  }
0x59: {  	_ =	swait.ge [sflag:s16], $0xB0  }
0x5a: {  	[sflag:s16] =	ssyncset.done $0x0  }
0x5b: {  	[sflag:s16] =	ssyncadd.s32 $0xFFFFFF50  }
0x5c: {  	_ =	swait.ge [sflag:s16], $0xB0  }
0x5d: {  	[sflag:s16] =	ssyncset.done $0x0  }
0x5e: {  	[sflag:s16] =	ssyncadd.s32 $0xFFFFFF50  }
0x5f: {  	[tilespmem:s17], [sflag:$0x1] =	stream.indirect.gather [hbm4b:s1+s12], $0x80, s14, s12, $0xb8;
	[tilespmem:$0x1F400] =	vst v63  }
0x60: {  	_ =	swait.ge [sflag:s7], $0x5800  }
0x61: {  	s10 =	rddreg [dreg:$0x19]  }
0x62: {  	[sflag:s7] =	ssyncset.done $0x0;
	s8 =	sshrl.u32 s10, $0x3  }
0x63: {  	[sflag:s7] =	ssyncadd.s32 $0xFFFFA800;
	s19 =	sadd.s32 s2, s8  }
0x64: {  	[tilespmem:s4], [sflag:$0x5] =	stream.linear.gather [hbm4b:s19+s4], $0xB0, $0x38;
	[tilespmem:$0x1F400] =	vst v63  }
0x65: {  	s8 =	sadd.s32 s6, s8  }
0x66: {  	[tilespmem:s11], [sflag:$0x5] =	stream.linear.gather [hbm4b:s8+s4], $0xB0, $0x38;
	[tilespmem:$0x1F400] =	vst v63  }
0x67: {  	_ =	swait.ge [sflag:s5], $0x5800  }
0x68: {  	[sflag:s5] =	ssyncset.done $0x0  }
0x69: {  	[sflag:s5] =	ssyncadd.s32 $0xFFFFA800  }
0x6a: {  	[spmem:s3] =	stream.indirect.scatter.add.f32 [tilespmem:s17], [sflag:$0x2], $0x80, s15, s12, $0xb8;
	[tilespmem:$0x1F400] =	vst v63  }
0x6b: {  	_ =	swait.ge [sflag:s16], $0xB0  }
0x6c: {  	[sflag:s16] =	ssyncset.done $0x0  }
0x6d: {  	[sflag:s16] =	ssyncadd.s32 $0xFFFFFF50  }
0x6e: {  	_ =	swait.ge [sflag:s16], $0xB0  }
0x6f: {  	[sflag:s16] =	ssyncset.done $0x0  }
0x70: {  	[sflag:s16] =	ssyncadd.s32 $0xFFFFFF50  }
0x71: {  	[tilespmem:s13], [sflag:$0x1] =	stream.indirect.gather [hbm4b:s1+s12], $0x80, s4, s12, $0xb8;
	[tilespmem:$0x1F400] =	vst v63  }
0x72: {  	s29 =	simm.s32 $0x2C;
	_ =	swait.ge [sflag:s7], $0x5800  }
0x73: {  	s28 =	sadd.s32 $0x160, s10;
	s8 =	simm.s32 $0x58;
	[sflag:s7] =	ssyncset.done $0x0  }
.LBB2_2:
0x74: {  	s10 =	sadd.s32 s29, s31  }
0x75: {  	[sflag:s7] =	ssyncadd.s32 $0xFFFFA800;
	s19 =	smov.u32 s8;
	s9 =	sadd.s32 $0x2C, s8  }
0x76: {  	[tilespmem:s14], [sflag:$0x5] =	stream.linear.gather [hbm4b:s10+s4], $0xB0, $0x38;
	[tilespmem:$0x1F400] =	vst v63  }
0x77: {  	p0 =	sne.s32 s8, $0x4A4;
	s8 =	sadd.s32 s29, s30;
	s29 =	smov.u32 s19  }
0x78: {  	[tilespmem:s15], [sflag:$0x5] =	stream.linear.gather [hbm4b:s8+s4], $0xB0, $0x38;
	[tilespmem:$0x1F400] =	vst v63  }
0x79: {  	_ =	swait.ge [sflag:s5], $0x5800  }
0x7a: {  	[sflag:s5] =	ssyncset.done $0x0  }
0x7b: {  	[sflag:s5] =	ssyncadd.s32 $0xFFFFA800  }
0x7c: {  	[spmem:s3] =	stream.indirect.scatter.add.f32 [tilespmem:s13], [sflag:$0x2], $0x80, s11, s12, $0xb8;
	[tilespmem:$0x1F400] =	vst v63  }
0x7d: {  	_ =	swait.ge [sflag:s16], $0xB0  }
0x7e: {  	[sflag:s16] =	ssyncset.done $0x0  }
0x7f: {  	[sflag:s16] =	ssyncadd.s32 $0xFFFFFF50  }
0x80: {  	_ =	swait.ge [sflag:s16], $0xB0  }
0x81: {  	[sflag:s16] =	ssyncset.done $0x0  }
0x82: {  	[sflag:s16] =	ssyncadd.s32 $0xFFFFFF50  }
0x83: {  	[tilespmem:s17], [sflag:$0x1] =	stream.indirect.gather [hbm4b:s1+s12], $0x80, s14, s12, $0xb8;
	[tilespmem:$0x1F400] =	vst v63  }
0x84: {  	_ =	swait.ge [sflag:s7], $0x5800  }
0x85: {  	s8 =	sshrl.u32 s28, $0x3;
	[sflag:s7] =	ssyncset.done $0x0  }
0x86: {  	s10 =	sadd.s32 s2, s8;
	[sflag:s7] =	ssyncadd.s32 $0xFFFFA800  }
0x87: {  	[tilespmem:s4], [sflag:$0x5] =	stream.linear.gather [hbm4b:s10+s4], $0xB0, $0x38;
	[tilespmem:$0x1F400] =	vst v63  }
0x88: {  	s8 =	sadd.s32 s6, s8  }
0x89: {  	[tilespmem:s11], [sflag:$0x5] =	stream.linear.gather [hbm4b:s8+s4], $0xB0, $0x38;
	[tilespmem:$0x1F400] =	vst v63  }
0x8a: {  	_ =	swait.ge [sflag:s5], $0x5800  }
0x8b: {  	[sflag:s5] =	ssyncset.done $0x0  }
0x8c: {  	[sflag:s5] =	ssyncadd.s32 $0xFFFFA800  }
0x8d: {  	[spmem:s3] =	stream.indirect.scatter.add.f32 [tilespmem:s17], [sflag:$0x2], $0x80, s15, s12, $0xb8;
	[tilespmem:$0x1F400] =	vst v63  }
0x8e: {  	_ =	swait.ge [sflag:s16], $0xB0  }
0x8f: {  	[sflag:s16] =	ssyncset.done $0x0  }
0x90: {  	[sflag:s16] =	ssyncadd.s32 $0xFFFFFF50  }
0x91: {  	_ =	swait.ge [sflag:s16], $0xB0  }
.Ltmp0:
0x92: {  	[sflag:s16] =	ssyncset.done $0x0;
	(pc) =	sbr.rel @p0 .LBB2_2-.Ltmp0, $4  }
0x93: {  	[sflag:s16] =	ssyncadd.s32 $0xFFFFFF50  }
0x94: {  	[tilespmem:s13], [sflag:$0x1] =	stream.indirect.gather [hbm4b:s1+s12], $0x80, s4, s12, $0xb8;
	[tilespmem:$0x1F400] =	vst v63  }
0x95: {  	_ =	swait.ge [sflag:s7], $0x5800  }
0x96: {  	s28 =	sadd.s32 $0x160, s28;
	s8 =	smov.u32 s9;
	[sflag:s7] =	ssyncset.done $0x0  }
0x97: {  	s8 =	sadd.s32 s29, s31;
	[sflag:s7] =	ssyncadd.s32 $0xFFFFA800  }
0x98: {  	[tilespmem:s14], [sflag:$0x5] =	stream.linear.gather [hbm4b:s8+s4], $0xB0, $0x38;
	[tilespmem:$0x1F400] =	vst v63  }
0x99: {  	s19 =	sadd.s32 s29, s30  }
0x9a: {  	[tilespmem:s15], [sflag:$0x5] =	stream.linear.gather [hbm4b:s19+s4], $0xB0, $0x38;
	[tilespmem:$0x1F400] =	vst v63  }
0x9b: {  	_ =	swait.ge [sflag:s5], $0x5800  }
0x9c: {  	[sflag:s5] =	ssyncset.done $0x0  }
0x9d: {  	[sflag:s5] =	ssyncadd.s32 $0xFFFFA800  }
0x9e: {  	[spmem:s3] =	stream.indirect.scatter.add.f32 [tilespmem:s13], [sflag:$0x2], $0x80, s11, s12, $0xb8;
	[tilespmem:$0x1F400] =	vst v63  }
0x9f: {  	_ =	swait.ge [sflag:s16], $0xB0  }
0xa0: {  	[sflag:s16] =	ssyncset.done $0x0  }
0xa1: {  	[sflag:s16] =	ssyncadd.s32 $0xFFFFFF50  }
0xa2: {  	_ =	swait.ge [sflag:s16], $0xB0  }
0xa3: {  	[sflag:s16] =	ssyncset.done $0x0  }
0xa4: {  	[sflag:s16] =	ssyncadd.s32 $0xFFFFFF50  }
0xa5: {  	[tilespmem:s17], [sflag:$0x1] =	stream.indirect.gather [hbm4b:s1+s12], $0x80, s14, s12, $0xb8;
	[tilespmem:$0x1F400] =	vst v63  }
0xa6: {  	_ =	swait.ge [sflag:s7], $0x5800  }
0xa7: {  	s28 =	sshrl.u32 s28, $0x3;
	[sflag:s7] =	ssyncset.done $0x0  }
0xa8: {  	s9 =	sadd.s32 s2, s28;
	[sflag:s7] =	ssyncadd.s32 $0xFFFFA800  }
0xa9: {  	[tilespmem:s4], [sflag:$0x5] =	stream.linear.gather [hbm4b:s9+s4], $0xB0, $0x38;
	[tilespmem:$0x1F400] =	vst v63  }
0xaa: {  	s8 =	sadd.s32 s6, s28  }
0xab: {  	[tilespmem:s11], [sflag:$0x5] =	stream.linear.gather [hbm4b:s8+s4], $0xB0, $0x38;
	[tilespmem:$0x1F400] =	vst v63  }
0xac: {  	_ =	swait.ge [sflag:s5], $0x5800  }
0xad: {  	[sflag:s5] =	ssyncset.done $0x0  }
0xae: {  	[sflag:s5] =	ssyncadd.s32 $0xFFFFA800  }
0xaf: {  	[spmem:s3] =	stream.indirect.scatter.add.f32 [tilespmem:s17], [sflag:$0x2], $0x80, s15, s12, $0xb8;
	[tilespmem:$0x1F400] =	vst v63  }
0xb0: {  	_ =	swait.ge [sflag:s16], $0xB0  }
0xb1: {  	[sflag:s16] =	ssyncset.done $0x0  }
0xb2: {  	[sflag:s16] =	ssyncadd.s32 $0xFFFFFF50  }
0xb3: {  	_ =	swait.ge [sflag:s16], $0xB0  }
0xb4: {  	[sflag:s16] =	ssyncset.done $0x0  }
0xb5: {  	[sflag:s16] =	ssyncadd.s32 $0xFFFFFF50  }
0xb6: {  	[tilespmem:s13], [sflag:$0x1] =	stream.indirect.gather [hbm4b:s1+s12], $0x80, s4, s12, $0xb8;
	[tilespmem:$0x1F400] =	vst v63  }
0xb7: {  	_ =	swait.ge [sflag:s7], $0x5800  }
0xb8: {  	[sflag:s7] =	ssyncset.done $0x0  }
0xb9: {  	s29 =	rddreg [dreg:$0x17];
	[sflag:s7] =	ssyncadd.s32 $0xFFFFA800  }
0xba: {  	[tilespmem:s14], [sflag:$0x5] =	stream.linear.gather [hbm4b:s29+s4], $0xB0, $0x38;
	[tilespmem:$0x1F400] =	vst v63  }
0xbb: {  	s9 =	rddreg [dreg:$0x18]  }
0xbc: {  	[tilespmem:s15], [sflag:$0x5] =	stream.linear.gather [hbm4b:s9+s4], $0xB0, $0x38;
	[tilespmem:$0x1F400] =	vst v63  }
0xbd: {  	_ =	swait.ge [sflag:s5], $0x5800  }
0xbe: {  	[sflag:s5] =	ssyncset.done $0x0  }
0xbf: {  	[sflag:s5] =	ssyncadd.s32 $0xFFFFA800  }
0xc0: {  	[spmem:s3] =	stream.indirect.scatter.add.f32 [tilespmem:s13], [sflag:$0x2], $0x80, s11, s12, $0xb8;
	[tilespmem:$0x1F400] =	vst v63  }
0xc1: {  	_ =	swait.ge [sflag:s16], $0xB0  }
0xc2: {  	[sflag:s16] =	ssyncset.done $0x0  }
0xc3: {  	[sflag:s16] =	ssyncadd.s32 $0xFFFFFF50  }
0xc4: {  	_ =	swait.ge [sflag:s16], $0xB0  }
0xc5: {  	[sflag:s16] =	ssyncset.done $0x0  }
0xc6: {  	[sflag:s16] =	ssyncadd.s32 $0xFFFFFF50  }
0xc7: {  	[tilespmem:s17], [sflag:$0x1] =	stream.indirect.gather [hbm4b:s1+s12], $0x80, s14, s12, $0xb8;
	[tilespmem:$0x1F400] =	vst v63  }
0xc8: {  	_ =	swait.ge [sflag:s7], $0x5800  }
0xc9: {  	[sflag:s7] =	ssyncset.done $0x0  }
0xca: {  	[sflag:s7] =	ssyncadd.s32 $0xFFFFA800  }
0xcb: {  	_ =	swait.ge [sflag:s5], $0x5800  }
0xcc: {  	[sflag:s5] =	ssyncset.done $0x0  }
0xcd: {  	[sflag:s5] =	ssyncadd.s32 $0xFFFFA800  }
0xce: {  	[spmem:s3] =	stream.indirect.scatter.add.f32 [tilespmem:s17], [sflag:$0x2], $0x80, s15, s12, $0xb8;
	[tilespmem:$0x1F400] =	vst v63  }
0xcf: {  	_ =	swait.ge [sflag:s7], $0x5800  }
0xd0: {  	[sflag:s7] =	ssyncset.done $0x0  }
0xd1: {  	[sflag:s7] =	ssyncadd.s32 $0xFFFFA800  }
0xd2: {  	[bflag:$0x0] =	sbarrier.arrive $0xFFFF  }
0xd3: {  	s10 =	rddreg [dreg:$0xd]  }
0xd4: {  	s19 =	rddreg [dreg:$0x1b]  }
0xd5: {  	[hbm:s10], [sflag:s0] =	dma.local [spmem:s19], $0x800  }
0xd6: {  	s8 =	rddreg [dreg:$0xe]  }
0xd7: {  	[hbm:s8], [sflag:s20] =	dma.local [spmem:s21], $0x800  }
0xd8: {  	s8 =	rddreg [dreg:$0xf]  }
0xd9: {  	[hbm:s8], [sflag:s22] =	dma.local [spmem:s23], $0x800  }
0xda: {  	s8 =	rddreg [dreg:$0x10]  }
0xdb: {  	[hbm:s8], [sflag:s24] =	dma.local [spmem:s25], $0x800  }
0xdc: {  	_ =	swait.ge [sflag:s5], $0x800  }
0xdd: {  	[sflag:s5] =	ssyncset.done $0x0  }
0xde: {  	s28 =	rddreg [dreg:$0x11];
	[sflag:s5] =	ssyncadd.s32 $0xFFFFF800  }
0xdf: {  	[hbm:s28], [sflag:s0] =	dma.local [spmem:s26], $0x800  }
0xe0: {  	_ =	swait.ge [sflag:s5], $0x800  }
0xe1: {  	[sflag:s5] =	ssyncset.done $0x0  }
0xe2: {  	[sflag:s5] =	ssyncadd.s32 $0xFFFFF800  }
0xe3: {  	_ =	swait.ge [sflag:s7], $0x800  }
0xe4: {  	[sflag:s7] =	ssyncset.done $0x0  }
0xe5: {  	s10 =	simm.s32 $0x3;
	[sflag:s7] =	ssyncadd.s32 $0xFFFFF800  }
0xe6: {  	_ =	swait.ge [sflag:s10], $0x800  }
0xe7: {  	[sflag:s10] =	ssyncset.done $0x0  }
0xe8: {  	s19 =	simm.s32 $0x4;
	[sflag:s10] =	ssyncadd.s32 $0xFFFFF800  }
0xe9: {  	_ =	swait.ge [sflag:s19], $0x800  }
0xea: {  	s18 =	sadd.s32 $0x1, s18;
	s29 =	rddreg [dreg:$0x15]  }
0xeb: {  	p0 =	sne.s32 s18, s29  }
.Ltmp1:
0xec: {  	_ = 	snop;
	(pc) =	sbr.rel @p0 .LBB2_1-.Ltmp1, $3  }
0xed: {  	_ =	sdelay $0x1  }
0xee: {  	[sflag:s19] =	ssyncset.done $0x0  }
0xef: {  	[sflag:s19] =	ssyncadd.s32 $0xFFFFF800  }
0xf0: {  	_ =	sfence.sel $0x180000  }
0xf1: {  	[bflag:$0x0] =	sbarrier.arrive $0xFFFF  }
0xf2: {  	_ =	strace $0x90000047  }
0xf3: {  	s0 =	stileid.u32;
	[bflag:$0x2] =	sbarrier.arrive $0xFFFF  }
0xf4: {  	p0 =	sne.s32 s0, $0x0;
	s0 =	rddreg [dreg:$0x4]  }
0xf5: {  	s0 =	sadd.s32 @!p0 $0x100000, s0  }
0xf6: {  	[sflag:s0] =	ssyncadd.tile.s32 @!p0 $0x1;
	_ =	shalt  }
.Lfunc_end2:
_tile_overlayer_lowered:
.L_overlay_start_2:
0xf7: {  	(tag) =	ssettag $0x2  }
0xf8: {  	s0 =	rddreg [dreg:$0x0];
	s2 =	stileid.u32  }
0xf9: {  	s1 =	rddreg [dreg:$0x1];
	p0 =	sne.s32 s2, $0x0  }
0xfa: {  	s3 =	rddreg [dreg:$0x2];
	[bflag:$0x3] =	sbarrier.arrive $0xFFFF;
	s2 =	simm.s32 @!p0 $0x1C06  }
0xfb: {  	[timem:s3], [sflag:s2] =	dma.local @!p0 [hbm:s0], s1  }
0xfc: {  	s0 =	simm.s32 @!p0 $0x6  }
0xfd: {  	_ =	swait.ge @!p0 [sflag:s0], s1  }
0xfe: {  	s1 =	ssub.s32 @!p0 $0x0, s1;
	[sflag:s0] =	ssyncset.done @!p0 $0x0  }
0xff: {  	[sflag:s0] =	ssyncadd.s32 @!p0 s1  }
0x100: {  	[bflag:$0x3] =	sbarrier.arrive $0xFFFF  }
0x101: {  	_ =	shalt  }

</sc_bundles>
